<compile_context>
chip_gen: v7x
topology: tpu7x:2x2x1
jax: 0.10.2.dev20260603
libtpu: 0.0.44.dev20260713+nightly
codegen_flags: <defaults>
</compile_context>

<pallas_src>
import functools

import jax
import jax.numpy as jnp
from jax import lax
from jax.experimental import pallas as pl
from jax.experimental.pallas import tpu as pltpu
from jax.experimental.pallas import tpu_sc as plsc

B = 16384
D = 32
NS = 26
SV = 100000
NT = NS + 2
HID = 2 * D

NC = 2
NSUB = 16
NW = NC * NSUB
BPW = B // NW
CHUNK = 128
NCH = BPW // CHUNK
NQ = NT * NCH

PK = 128 // D
GR = B * D // 128

UV = 1000000
BN = 4096
BLK = PK * BN
NBU = -(-UV // BLK)
NBS = -(-SV // BLK)
FS = NBS * BN


def _pack_t(xs):
    e = jnp.eye(128, dtype=jnp.bfloat16)
    acc = None
    for a, x in enumerate(xs):
        y = jax.lax.dot_general(
            x.astype(jnp.bfloat16), e[D * a:D * (a + 1), :],
            (((0,), (0,)), ((), ())),
            preferred_element_type=jnp.float32,
        )
        acc = y if acc is None else acc + y
    return acc


def _tpack2_body(x0, x1, x2, x3, o):
    o[...] = _pack_t([x0[...], x1[...], x2[...], x3[...]])


def _tpack2(tT):
    last = (UV - 1) // BN
    in_specs = [
        pl.BlockSpec((D, BN), lambda i, a=a: (0, jnp.minimum(PK * i + a, last)))
        for a in range(PK)
    ]
    return pl.pallas_call(
        _tpack2_body,
        grid=(NBU,),
        in_specs=in_specs,
        out_specs=pl.BlockSpec((BN, 128), lambda i: (i, 0)),
        out_shape=jax.ShapeDtypeStruct((NBU * BN, 128), jnp.float32),
    )(tT, tT, tT, tT)


def _tpack3_body(x0, x1, x2, x3, o):
    o[...] = _pack_t([x0[0], x1[0], x2[0], x3[0]])


def _tpack3(tT3):
    last = (SV - 1) // BN
    in_specs = [
        pl.BlockSpec(
            (1, D, BN),
            lambda f, i, a=a: (f, 0, jnp.minimum(PK * i + a, last)),
        )
        for a in range(PK)
    ]
    return pl.pallas_call(
        _tpack3_body,
        grid=(NS, NBS),
        in_specs=in_specs,
        out_specs=pl.BlockSpec((BN, 128), lambda f, i: (f * NBS + i, 0)),
        out_shape=jax.ShapeDtypeStruct((NS * FS, 128), jnp.float32),
    )(tT3, tT3, tT3, tT3)


def _sc_body(ntab, out_hbm, iqv, imv, rows_v, out_v, sem, wid, tables):

    def do_table(table, t):
        cps = [
            pltpu.async_copy(
                table.at[iqv.at[t * NCH + c]],
                rows_v.at[pl.ds(c * CHUNK, CHUNK)],
                sem,
            )
            for c in range(NCH)
        ]
        for cp in cps:
            cp.wait()

        def grp_body(g, carry):
            r0 = g * 16
            m16 = imv.at[t * NCH + (r0 // CHUNK),
                         pl.ds(r0 % CHUNK, 16)][...]
            q0 = g * 4
            for j in range(16):
                m = m16[j]
                lo = rows_v.at[r0 + j, pl.ds(m, 16)][...]
                hi = rows_v.at[r0 + j, pl.ds(m + 16, 16)][...]
                out_v[q0 + j // 4, pl.ds((j % 4) * D, 16)] = lo
                out_v[q0 + j // 4, pl.ds((j % 4) * D + 16, 16)] = hi
            return carry

        lax.fori_loop(0, BPW // 16, grp_body, 0)
        pltpu.sync_copy(out_v, out_hbm.at[t, pl.ds(wid * 128, 128)])

    if isinstance(tables, list):
        for table, t in tables:
            do_table(table, t)
    else:
        def body(f, carry):
            do_table(tables, f)
            return carry

        lax.fori_loop(0, ntab, body, 0)


def _sc_scratch(nq):
    return [
        pltpu.VMEM((nq, 128), jnp.int32),
        pltpu.VMEM((nq, 128), jnp.int32),
        pltpu.VMEM((BPW, 128), jnp.float32),
        pltpu.VMEM((128, 128), jnp.float32),
        pltpu.SemaphoreType.DMA,
    ]


_SC_PARAMS = pltpu.CompilerParams(
    use_tc_tiling_on_sc=False, needs_layout_passes=False
)


def _make_sc_gathers():
    mesh = plsc.VectorSubcoreMesh(core_axis_name="c", subcore_axis_name="s")

    @functools.partial(
        pl.kernel,
        mesh=mesh,
        out_type=jax.ShapeDtypeStruct((NS, GR, 128), jnp.float32),
        scratch_types=_sc_scratch(NS * NCH),
        compiler_params=_SC_PARAMS,
    )
    def sc_gather_sparse(sparse_hbm, iq_hbm, im_hbm, out_hbm,
                         iqv, imv, rows_v, out_v, sem):
        wid = lax.axis_index("s") * NC + lax.axis_index("c")
        pltpu.sync_copy(iq_hbm.at[wid], iqv)
        pltpu.sync_copy(im_hbm.at[wid], imv)
        _sc_body(NS, out_hbm, iqv, imv, rows_v, out_v, sem, wid, sparse_hbm)

    @functools.partial(
        pl.kernel,
        mesh=mesh,
        out_type=jax.ShapeDtypeStruct((2, GR, 128), jnp.float32),
        scratch_types=_sc_scratch(2 * NCH),
        compiler_params=_SC_PARAMS,
    )
    def sc_gather_ui(user_hbm, item_hbm, iq_hbm, im_hbm, out_hbm,
                     iqv, imv, rows_v, out_v, sem):
        wid = lax.axis_index("s") * NC + lax.axis_index("c")
        pltpu.sync_copy(iq_hbm.at[wid], iqv)
        pltpu.sync_copy(im_hbm.at[wid], imv)
        _sc_body(2, out_hbm, iqv, imv, rows_v, out_v, sem, wid,
                 [(user_hbm, 0), (item_hbm, 1)])

    return sc_gather_sparse, sc_gather_ui


_sc_gather_sparse, _sc_gather_ui = _make_sc_gathers()


RB = 128


def _mlp_body(gs_ref, gui_ref, w1e_ref, b1t_ref, w2e_ref, b2e_ref, out_ref):
    acc = jnp.broadcast_to(b1t_ref[...], (RB, PK * HID))
    for t in range(2):
        acc = acc + jnp.dot(
            gui_ref[t], w1e_ref[t], preferred_element_type=jnp.float32
        )
    for f in range(NS):
        acc = acc + jnp.dot(
            gs_ref[f], w1e_ref[2 + f], preferred_element_type=jnp.float32
        )
    h = jnp.maximum(acc, 0.0)
    raw = jnp.dot(h, w2e_ref[...], preferred_element_type=jnp.float32)
    out_ref[...] = jax.nn.sigmoid(raw + b2e_ref[...])


def _mlp(g_sparse, g_ui, w1e, b1t, w2e, b2e):
    grid = (GR // RB,)
    return pl.pallas_call(
        _mlp_body,
        grid=grid,
        in_specs=[
            pl.BlockSpec((NS, RB, 128), lambda i: (0, i, 0)),
            pl.BlockSpec((2, RB, 128), lambda i: (0, i, 0)),
            pl.BlockSpec((NT, 128, PK * HID), lambda i: (0, 0, 0)),
            pl.BlockSpec((1, PK * HID), lambda i: (0, 0)),
            pl.BlockSpec((PK * HID, PK), lambda i: (0, 0)),
            pl.BlockSpec((1, PK), lambda i: (0, 0)),
        ],
        out_specs=pl.BlockSpec((RB, PK), lambda i: (i, 0)),
        out_shape=jax.ShapeDtypeStruct((GR, PK), jnp.float32),
    )(g_sparse, g_ui, w1e, b1t, w2e, b2e)


def kernel(user_ids, item_ids, sparse_features, user_table, item_table,
           sparse_tables, W1, b1, W2, b2):
    uids = user_ids.astype(jnp.int32)
    tids = item_ids.astype(jnp.int32)
    sf = sparse_features.astype(jnp.int32)

    def _pack_idx(v):
        return (v // BLK) * BN + v % BN, ((v % BLK) // BN) * D

    iqu, imu = _pack_idx(uids)
    iqi, imi = _pack_idx(tids)
    iqs, ims = _pack_idx(sf.T)
    iqs = iqs + (jnp.arange(NS, dtype=jnp.int32) * FS)[:, None]

    def _worker_layout(a):
        nt = a.shape[0]
        a = a.reshape(nt, NW, NCH, CHUNK).transpose(1, 0, 2, 3)
        return a.reshape(NW, nt * NCH, CHUNK)

    iq_s = _worker_layout(iqs)
    im_s = _worker_layout(ims)
    iq_ui = _worker_layout(jnp.stack([iqu, iqi]))
    im_ui = _worker_layout(jnp.stack([imu, imi]))

    s4 = _tpack3(jnp.swapaxes(sparse_tables, 1, 2))
    g_sparse = _sc_gather_sparse(s4, iq_s, im_s)
    u4 = _tpack2(user_table.T)
    i4 = _tpack2(item_table.T)
    g_ui = _sc_gather_ui(u4, i4, iq_ui, im_ui)

    w1r = W1.reshape(NT, D, HID)
    w1e = jnp.zeros((NT, 128, PK * HID), jnp.float32)
    w2e = jnp.zeros((PK * HID, PK), jnp.float32)
    for k in range(PK):
        w1e = w1e.at[:, D * k:D * (k + 1), HID * k:HID * (k + 1)].set(w1r)
        w2e = w2e.at[HID * k:HID * (k + 1), k].set(W2[:, 0])
    b1t = jnp.tile(b1, PK).reshape(1, PK * HID)
    b2e = jnp.broadcast_to(b2.reshape(1, 1), (1, PK))

    out = _mlp(g_sparse, g_ui, w1e, b1t, w2e, b2e)
    return out.reshape(B, 1)

# --- scband reference (transcript-rebuilt; emitter-appended) ---
"""Pipeline reference for scband-dlrms-7705171329793 (READ-ONLY COPY).

The authoritative reference and input builder live on the scoring server;
editing this copy changes nothing except your own understanding.
"""

import jax, jax.numpy as jnp
import numpy as np

B = 16384
D = 32
UV = 1000000
IV = 1000000
NS = 26
SV = 100000


def setup_inputs(seed: int = 0) -> dict:
    key = jax.random.key(seed)
    ks = jax.random.split(key, 8)
    user_ids = jax.random.randint(ks[0], (B,), 0, UV)
    item_ids = jax.random.randint(ks[1], (B,), 0, IV)
    sparse_features = jax.random.randint(ks[2], (B, NS), 0, SV)
    user_table = jax.random.normal(ks[3], (UV, D), jnp.float32) * 0.01
    item_table = jax.random.normal(ks[4], (IV, D), jnp.float32) * 0.01
    sparse_tables = jax.random.normal(ks[5], (NS, SV, D), jnp.float32) * 0.01
    in_dim = D * (NS + 2)
    hid = D * 2
    W1 = jax.random.normal(ks[6], (in_dim, hid), jnp.float32) * (1.0 / np.sqrt(in_dim))
    b1 = jnp.zeros((hid,), jnp.float32)
    W2 = jax.random.normal(ks[7], (hid, 1), jnp.float32) * (1.0 / np.sqrt(hid))
    b2 = jnp.zeros((1,), jnp.float32)
    return {
        'user_ids': user_ids,
        'item_ids': item_ids,
        'sparse_features': sparse_features,
        'user_table': user_table,
        'item_table': item_table,
        'sparse_tables': sparse_tables,
        'W1': W1,
        'b1': b1,
        'W2': W2,
        'b2': b2,
    }


def reference(user_ids, item_ids, sparse_features, user_table, item_table, sparse_tables, W1, b1, W2, b2):
    # user/item embedding lookups (1-D ids -> no bag-sum branch)
    user_emb = jnp.take(user_table, user_ids, axis=0)          # [B, D]
    item_emb = jnp.take(item_table, item_ids, axis=0)          # [B, D]
    # per-field sparse lookups, concatenated along feature dim
    field_idx = jnp.arange(NS)[None, :]                        # [1, NS]
    sparse_emb = sparse_tables[field_idx, sparse_features]     # [B, NS, D]
    sparse_emb = sparse_emb.reshape(B, NS * D)                 # [B, NS*D]
    concat = jnp.concatenate([user_emb, item_emb, sparse_emb], axis=-1)  # [B, D*(NS+2)]
    h = jax.nn.relu(concat @ W1 + b1)
    raw = h @ W2 + b2
    return jax.nn.sigmoid(raw)

if __name__ == "__main__":
    import jax
    _d = setup_inputs()
    print(jax.jit(kernel)(*tuple(_d.values())))

</pallas_src>

<mosaic_0001>
#map = affine_map<(d0, d1) -> (0, 0)>
#map1 = affine_map<(d0, d1) -> (0, 0, 0)>
module attributes {stable_mosaic.version = 14 : i64} {
  func.func @sc_gather_sparse(%arg0: i32, %arg1: i32, %arg2: memref<745472x128xf32, #tpu.memory_space<hbm>>, %arg3: memref<32x104x128xi32, #tpu.memory_space<hbm>>, %arg4: memref<32x104x128xi32, #tpu.memory_space<hbm>>, %arg5: memref<26x4096x128xf32, #tpu.memory_space<hbm>>, %arg6: memref<104x128xi32, #tpu.memory_space<vmem>>, %arg7: memref<104x128xi32, #tpu.memory_space<vmem>>, %arg8: memref<512x128xf32, #tpu.memory_space<vmem>>, %arg9: memref<128x128xf32, #tpu.memory_space<vmem>>, %arg10: memref<!tpu.dma_semaphore, #tpu.memory_space<semaphore_mem>>) attributes {dimension_semantics = [#tpu.dimension_semantics<core_parallel>, #tpu.dimension_semantics<subcore_parallel>], iteration_bounds = array<i64: 2, 16>, scalar_prefetch = 0 : i64, scratch_operands = 5 : i64, tpu.core_type = #tpu.core_type<sc_vector_subcore>, window_params = [{transform_indices = #map}, {transform_indices = #map1}, {transform_indices = #map1}, {transform_indices = #map1}]} {
    %mul3A = arith.constant 2 : i32
    %mul3A_0 = arith.muli %arg1, %mul3A : i32
    %add3A = arith.addi %mul3A_0, %arg0 : i32
    "tpu.region"() ({
      %run_scoped3A = tpu.sem_alloc : memref<!tpu.dma_semaphore, #tpu.memory_space<semaphore_mem>>
      %dma_start3A = arith.constant 0 : i32
      %dma_start3A_6 = arith.constant 0 : i32
      %dma_start3A_7 = tpu.memref_slice %arg3[%add3A, %dma_start3A, %dma_start3A_6] : memref<32x104x128xi32, #tpu.memory_space<hbm>> -> memref<1x104x128xi32, #tpu.memory_space<hbm>>
      %dma_start3A_8 = tpu.memref_squeeze %dma_start3A_7 : memref<1x104x128xi32, #tpu.memory_space<hbm>> -> memref<104x128xi32, #tpu.memory_space<hbm>>
      %dma_start3A_9 = arith.constant 0 : i32
      %dma_start3A_10 = arith.constant 0 : i32
      %dma_start3A_11 = tpu.memref_slice %arg3[%add3A, %dma_start3A_9, %dma_start3A_10] : memref<32x104x128xi32, #tpu.memory_space<hbm>> -> memref<1x104x128xi32, #tpu.memory_space<hbm>>
      %dma_start3A_12 = tpu.memref_squeeze %dma_start3A_11 : memref<1x104x128xi32, #tpu.memory_space<hbm>> -> memref<104x128xi32, #tpu.memory_space<hbm>>
      tpu.enqueue_dma source(%dma_start3A_12 : memref<104x128xi32, #tpu.memory_space<hbm>>) target(%arg6 : memref<104x128xi32, #tpu.memory_space<vmem>>) target_semaphore(%run_scoped3A : memref<!tpu.dma_semaphore, #tpu.memory_space<semaphore_mem>>)
      %dma_wait3A = arith.constant 0 : i32
      %dma_wait3A_13 = arith.constant 0 : i32
      %dma_wait3A_14 = tpu.memref_slice %arg3[%add3A, %dma_wait3A, %dma_wait3A_13] : memref<32x104x128xi32, #tpu.memory_space<hbm>> -> memref<1x104x128xi32, #tpu.memory_space<hbm>>
      %dma_wait3A_15 = tpu.memref_squeeze %dma_wait3A_14 : memref<1x104x128xi32, #tpu.memory_space<hbm>> -> memref<104x128xi32, #tpu.memory_space<hbm>>
      %dma_wait3A_16 = arith.constant 0 : i32
      %dma_wait3A_17 = arith.constant 0 : i32
      %dma_wait3A_18 = tpu.memref_slice %arg3[%add3A, %dma_wait3A_16, %dma_wait3A_17] : memref<32x104x128xi32, #tpu.memory_space<hbm>> -> memref<1x104x128xi32, #tpu.memory_space<hbm>>
      %dma_wait3A_19 = tpu.memref_squeeze %dma_wait3A_18 : memref<1x104x128xi32, #tpu.memory_space<hbm>> -> memref<104x128xi32, #tpu.memory_space<hbm>>
      tpu.wait_dma2 semaphore(%run_scoped3A : memref<!tpu.dma_semaphore, #tpu.memory_space<semaphore_mem>>) src(%dma_wait3A_19 : memref<104x128xi32, #tpu.memory_space<hbm>>) dst(%arg6 : memref<104x128xi32, #tpu.memory_space<vmem>>)
      tpu.yield
    }) : () -> ()
    "tpu.region"() ({
      %run_scoped3A = tpu.sem_alloc : memref<!tpu.dma_semaphore, #tpu.memory_space<semaphore_mem>>
      %dma_start3A = arith.constant 0 : i32
      %dma_start3A_6 = arith.constant 0 : i32
      %dma_start3A_7 = tpu.memref_slice %arg4[%add3A, %dma_start3A, %dma_start3A_6] : memref<32x104x128xi32, #tpu.memory_space<hbm>> -> memref<1x104x128xi32, #tpu.memory_space<hbm>>
      %dma_start3A_8 = tpu.memref_squeeze %dma_start3A_7 : memref<1x104x128xi32, #tpu.memory_space<hbm>> -> memref<104x128xi32, #tpu.memory_space<hbm>>
      %dma_start3A_9 = arith.constant 0 : i32
      %dma_start3A_10 = arith.constant 0 : i32
      %dma_start3A_11 = tpu.memref_slice %arg4[%add3A, %dma_start3A_9, %dma_start3A_10] : memref<32x104x128xi32, #tpu.memory_space<hbm>> -> memref<1x104x128xi32, #tpu.memory_space<hbm>>
      %dma_start3A_12 = tpu.memref_squeeze %dma_start3A_11 : memref<1x104x128xi32, #tpu.memory_space<hbm>> -> memref<104x128xi32, #tpu.memory_space<hbm>>
      tpu.enqueue_dma source(%dma_start3A_12 : memref<104x128xi32, #tpu.memory_space<hbm>>) target(%arg7 : memref<104x128xi32, #tpu.memory_space<vmem>>) target_semaphore(%run_scoped3A : memref<!tpu.dma_semaphore, #tpu.memory_space<semaphore_mem>>)
      %dma_wait3A = arith.constant 0 : i32
      %dma_wait3A_13 = arith.constant 0 : i32
      %dma_wait3A_14 = tpu.memref_slice %arg4[%add3A, %dma_wait3A, %dma_wait3A_13] : memref<32x104x128xi32, #tpu.memory_space<hbm>> -> memref<1x104x128xi32, #tpu.memory_space<hbm>>
      %dma_wait3A_15 = tpu.memref_squeeze %dma_wait3A_14 : memref<1x104x128xi32, #tpu.memory_space<hbm>> -> memref<104x128xi32, #tpu.memory_space<hbm>>
      %dma_wait3A_16 = arith.constant 0 : i32
      %dma_wait3A_17 = arith.constant 0 : i32
      %dma_wait3A_18 = tpu.memref_slice %arg4[%add3A, %dma_wait3A_16, %dma_wait3A_17] : memref<32x104x128xi32, #tpu.memory_space<hbm>> -> memref<1x104x128xi32, #tpu.memory_space<hbm>>
      %dma_wait3A_19 = tpu.memref_squeeze %dma_wait3A_18 : memref<1x104x128xi32, #tpu.memory_space<hbm>> -> memref<104x128xi32, #tpu.memory_space<hbm>>
      tpu.wait_dma2 semaphore(%run_scoped3A : memref<!tpu.dma_semaphore, #tpu.memory_space<semaphore_mem>>) src(%dma_wait3A_19 : memref<104x128xi32, #tpu.memory_space<hbm>>) dst(%arg7 : memref<104x128xi32, #tpu.memory_space<vmem>>)
      tpu.yield
    }) : () -> ()
    %scan3A = arith.constant 0 : i32
    %scan3A_1 = arith.constant 0 : i32
    %scan3A_2 = arith.constant 26 : i32
    %scan3A_3 = arith.addi %scan3A_1, %scan3A_2 : i32
    %scan3A_4 = arith.constant 1 : i32
    scf.for %scan3A_6 = %scan3A_1 to %scan3A_3 step %scan3A_4  : i32 {
      %mul3A_7 = arith.constant 4 : i32
      %mul3A_8 = arith.muli %scan3A_6, %mul3A_7 : i32
      %add3A_9 = arith.constant 0 : i32
      %add3A_10 = arith.addi %mul3A_8, %add3A_9 : i32
      %dma_start3A = arith.constant 0 : i32
      %dma_start3A_11 = arith.constant 0 : i32
      %dma_start3A_12 = tpu.memref_slice %arg8[%dma_start3A, %dma_start3A_11] : memref<512x128xf32, #tpu.memory_space<vmem>> -> memref<128x128xf32, #tpu.memory_space<vmem>>
      %dma_start3A_13 = arith.constant 0 : i32
      %dma_start3A_14 = tpu.memref_slice %arg6[%add3A_10, %dma_start3A_13] : memref<104x128xi32, #tpu.memory_space<vmem>> -> memref<1x128xi32, #tpu.memory_space<vmem>>
      %dma_start3A_15 = tpu.memref_squeeze %dma_start3A_14 : memref<1x128xi32, #tpu.memory_space<vmem>> -> memref<128xi32, #tpu.memory_space<vmem>>
      %dma_start3A_16 = arith.constant 0 : i32
      %dma_start3A_17 = arith.constant 0 : i32
      %dma_start3A_18 = tpu.memref_slice %arg2[%dma_start3A_16, %dma_start3A_17] : memref<745472x128xf32, #tpu.memory_space<hbm>> -> memref<745472x128xf32, #tpu.memory_space<hbm>>
      tpu.enqueue_indirect_dma source(%dma_start3A_18 : memref<745472x128xf32, #tpu.memory_space<hbm>>) target(%dma_start3A_12 : memref<128x128xf32, #tpu.memory_space<vmem>>) offsets(%dma_start3A_15 : memref<128xi32, #tpu.memory_space<vmem>>) semaphore(%arg10 : memref<!tpu.dma_semaphore, #tpu.memory_space<semaphore_mem>>)
      %mul3A_19 = arith.constant 4 : i32
      %mul3A_20 = arith.muli %scan3A_6, %mul3A_19 : i32
      %add3A_21 = arith.constant 1 : i32
      %add3A_22 = arith.addi %mul3A_20, %add3A_21 : i32
      %dma_start3A_23 = arith.constant 128 : i32
      %dma_start3A_24 = arith.constant 0 : i32
      %dma_start3A_25 = tpu.memref_slice %arg8[%dma_start3A_23, %dma_start3A_24] : memref<512x128xf32, #tpu.memory_space<vmem>> -> memref<128x128xf32, #tpu.memory_space<vmem>>
      %dma_start3A_26 = arith.constant 0 : i32
      %dma_start3A_27 = tpu.memref_slice %arg6[%add3A_22, %dma_start3A_26] : memref<104x128xi32, #tpu.memory_space<vmem>> -> memref<1x128xi32, #tpu.memory_space<vmem>>
      %dma_start3A_28 = tpu.memref_squeeze %dma_start3A_27 : memref<1x128xi32, #tpu.memory_space<vmem>> -> memref<128xi32, #tpu.memory_space<vmem>>
      %dma_start3A_29 = arith.constant 0 : i32
      %dma_start3A_30 = arith.constant 0 : i32
      %dma_start3A_31 = tpu.memref_slice %arg2[%dma_start3A_29, %dma_start3A_30] : memref<745472x128xf32, #tpu.memory_space<hbm>> -> memref<745472x128xf32, #tpu.memory_space<hbm>>
      tpu.enqueue_indirect_dma source(%dma_start3A_31 : memref<745472x128xf32, #tpu.memory_space<hbm>>) target(%dma_start3A_25 : memref<128x128xf32, #tpu.memory_space<vmem>>) offsets(%dma_start3A_28 : memref<128xi32, #tpu.memory_space<vmem>>) semaphore(%arg10 : memref<!tpu.dma_semaphore, #tpu.memory_space<semaphore_mem>>)
      %mul3A_32 = arith.constant 4 : i32
      %mul3A_33 = arith.muli %scan3A_6, %mul3A_32 : i32
      %add3A_34 = arith.constant 2 : i32
      %add3A_35 = arith.addi %mul3A_33, %add3A_34 : i32
      %dma_start3A_36 = arith.constant 256 : i32
      %dma_start3A_37 = arith.constant 0 : i32
      %dma_start3A_38 = tpu.memref_slice %arg8[%dma_start3A_36, %dma_start3A_37] : memref<512x128xf32, #tpu.memory_space<vmem>> -> memref<128x128xf32, #tpu.memory_space<vmem>>
      %dma_start3A_39 = arith.constant 0 : i32
      %dma_start3A_40 = tpu.memref_slice %arg6[%add3A_35, %dma_start3A_39] : memref<104x128xi32, #tpu.memory_space<vmem>> -> memref<1x128xi32, #tpu.memory_space<vmem>>
      %dma_start3A_41 = tpu.memref_squeeze %dma_start3A_40 : memref<1x128xi32, #tpu.memory_space<vmem>> -> memref<128xi32, #tpu.memory_space<vmem>>
      %dma_start3A_42 = arith.constant 0 : i32
      %dma_start3A_43 = arith.constant 0 : i32
      %dma_start3A_44 = tpu.memref_slice %arg2[%dma_start3A_42, %dma_start3A_43] : memref<745472x128xf32, #tpu.memory_space<hbm>> -> memref<745472x128xf32, #tpu.memory_space<hbm>>
      tpu.enqueue_indirect_dma source(%dma_start3A_44 : memref<745472x128xf32, #tpu.memory_space<hbm>>) target(%dma_start3A_38 : memref<128x128xf32, #tpu.memory_space<vmem>>) offsets(%dma_start3A_41 : memref<128xi32, #tpu.memory_space<vmem>>) semaphore(%arg10 : memref<!tpu.dma_semaphore, #tpu.memory_space<semaphore_mem>>)
      %mul3A_45 = arith.constant 4 : i32
      %mul3A_46 = arith.muli %scan3A_6, %mul3A_45 : i32
      %add3A_47 = arith.constant 3 : i32
      %add3A_48 = arith.addi %mul3A_46, %add3A_47 : i32
      %dma_start3A_49 = arith.constant 384 : i32
      %dma_start3A_50 = arith.constant 0 : i32
      %dma_start3A_51 = tpu.memref_slice %arg8[%dma_start3A_49, %dma_start3A_50] : memref<512x128xf32, #tpu.memory_space<vmem>> -> memref<128x128xf32, #tpu.memory_space<vmem>>
      %dma_start3A_52 = arith.constant 0 : i32
      %dma_start3A_53 = tpu.memref_slice %arg6[%add3A_48, %dma_start3A_52] : memref<104x128xi32, #tpu.memory_space<vmem>> -> memref<1x128xi32, #tpu.memory_space<vmem>>
      %dma_start3A_54 = tpu.memref_squeeze %dma_start3A_53 : memref<1x128xi32, #tpu.memory_space<vmem>> -> memref<128xi32, #tpu.memory_space<vmem>>
      %dma_start3A_55 = arith.constant 0 : i32
      %dma_start3A_56 = arith.constant 0 : i32
      %dma_start3A_57 = tpu.memref_slice %arg2[%dma_start3A_55, %dma_start3A_56] : memref<745472x128xf32, #tpu.memory_space<hbm>> -> memref<745472x128xf32, #tpu.memory_space<hbm>>
      tpu.enqueue_indirect_dma source(%dma_start3A_57 : memref<745472x128xf32, #tpu.memory_space<hbm>>) target(%dma_start3A_51 : memref<128x128xf32, #tpu.memory_space<vmem>>) offsets(%dma_start3A_54 : memref<128xi32, #tpu.memory_space<vmem>>) semaphore(%arg10 : memref<!tpu.dma_semaphore, #tpu.memory_space<semaphore_mem>>)
      %dma_wait3A = arith.constant 0 : i32
      %dma_wait3A_58 = arith.constant 0 : i32
      %dma_wait3A_59 = tpu.memref_slice %arg8[%dma_wait3A, %dma_wait3A_58] : memref<512x128xf32, #tpu.memory_space<vmem>> -> memref<128x128xf32, #tpu.memory_space<vmem>>
      %dma_wait3A_60 = arith.constant 0 : i32
      %dma_wait3A_61 = tpu.memref_slice %arg6[%add3A_10, %dma_wait3A_60] : memref<104x128xi32, #tpu.memory_space<vmem>> -> memref<1x128xi32, #tpu.memory_space<vmem>>
      %dma_wait3A_62 = tpu.memref_squeeze %dma_wait3A_61 : memref<1x128xi32, #tpu.memory_space<vmem>> -> memref<128xi32, #tpu.memory_space<vmem>>
      %dma_wait3A_63 = arith.constant 0 : i32
      %dma_wait3A_64 = arith.constant 0 : i32
      %dma_wait3A_65 = tpu.memref_slice %arg2[%dma_wait3A_63, %dma_wait3A_64] : memref<745472x128xf32, #tpu.memory_space<hbm>> -> memref<745472x128xf32, #tpu.memory_space<hbm>>
      tpu.wait_indirect_dma semaphore(%arg10 : memref<!tpu.dma_semaphore, #tpu.memory_space<semaphore_mem>>) src(%dma_wait3A_65 : memref<745472x128xf32, #tpu.memory_space<hbm>>) dst(%dma_wait3A_59 : memref<128x128xf32, #tpu.memory_space<vmem>>)
      %dma_wait3A_66 = arith.constant 128 : i32
      %dma_wait3A_67 = arith.constant 0 : i32
      %dma_wait3A_68 = tpu.memref_slice %arg8[%dma_wait3A_66, %dma_wait3A_67] : memref<512x128xf32, #tpu.memory_space<vmem>> -> memref<128x128xf32, #tpu.memory_space<vmem>>
      %dma_wait3A_69 = arith.constant 0 : i32
      %dma_wait3A_70 = tpu.memref_slice %arg6[%add3A_22, %dma_wait3A_69] : memref<104x128xi32, #tpu.memory_space<vmem>> -> memref<1x128xi32, #tpu.memory_space<vmem>>
      %dma_wait3A_71 = tpu.memref_squeeze %dma_wait3A_70 : memref<1x128xi32, #tpu.memory_space<vmem>> -> memref<128xi32, #tpu.memory_space<vmem>>
      %dma_wait3A_72 = arith.constant 0 : i32
      %dma_wait3A_73 = arith.constant 0 : i32
      %dma_wait3A_74 = tpu.memref_slice %arg2[%dma_wait3A_72, %dma_wait3A_73] : memref<745472x128xf32, #tpu.memory_space<hbm>> -> memref<745472x128xf32, #tpu.memory_space<hbm>>
      tpu.wait_indirect_dma semaphore(%arg10 : memref<!tpu.dma_semaphore, #tpu.memory_space<semaphore_mem>>) src(%dma_wait3A_74 : memref<745472x128xf32, #tpu.memory_space<hbm>>) dst(%dma_wait3A_68 : memref<128x128xf32, #tpu.memory_space<vmem>>)
      %dma_wait3A_75 = arith.constant 256 : i32
      %dma_wait3A_76 = arith.constant 0 : i32
      %dma_wait3A_77 = tpu.memref_slice %arg8[%dma_wait3A_75, %dma_wait3A_76] : memref<512x128xf32, #tpu.memory_space<vmem>> -> memref<128x128xf32, #tpu.memory_space<vmem>>
      %dma_wait3A_78 = arith.constant 0 : i32
      %dma_wait3A_79 = tpu.memref_slice %arg6[%add3A_35, %dma_wait3A_78] : memref<104x128xi32, #tpu.memory_space<vmem>> -> memref<1x128xi32, #tpu.memory_space<vmem>>
      %dma_wait3A_80 = tpu.memref_squeeze %dma_wait3A_79 : memref<1x128xi32, #tpu.memory_space<vmem>> -> memref<128xi32, #tpu.memory_space<vmem>>
      %dma_wait3A_81 = arith.constant 0 : i32
      %dma_wait3A_82 = arith.constant 0 : i32
      %dma_wait3A_83 = tpu.memref_slice %arg2[%dma_wait3A_81, %dma_wait3A_82] : memref<745472x128xf32, #tpu.memory_space<hbm>> -> memref<745472x128xf32, #tpu.memory_space<hbm>>
      tpu.wait_indirect_dma semaphore(%arg10 : memref<!tpu.dma_semaphore, #tpu.memory_space<semaphore_mem>>) src(%dma_wait3A_83 : memref<745472x128xf32, #tpu.memory_space<hbm>>) dst(%dma_wait3A_77 : memref<128x128xf32, #tpu.memory_space<vmem>>)
      %dma_wait3A_84 = arith.constant 384 : i32
      %dma_wait3A_85 = arith.constant 0 : i32
      %dma_wait3A_86 = tpu.memref_slice %arg8[%dma_wait3A_84, %dma_wait3A_85] : memref<512x128xf32, #tpu.memory_space<vmem>> -> memref<128x128xf32, #tpu.memory_space<vmem>>
      %dma_wait3A_87 = arith.constant 0 : i32
      %dma_wait3A_88 = tpu.memref_slice %arg6[%add3A_48, %dma_wait3A_87] : memref<104x128xi32, #tpu.memory_space<vmem>> -> memref<1x128xi32, #tpu.memory_space<vmem>>
      %dma_wait3A_89 = tpu.memref_squeeze %dma_wait3A_88 : memref<1x128xi32, #tpu.memory_space<vmem>> -> memref<128xi32, #tpu.memory_space<vmem>>
      %dma_wait3A_90 = arith.constant 0 : i32
      %dma_wait3A_91 = arith.constant 0 : i32
      %dma_wait3A_92 = tpu.memref_slice %arg2[%dma_wait3A_90, %dma_wait3A_91] : memref<745472x128xf32, #tpu.memory_space<hbm>> -> memref<745472x128xf32, #tpu.memory_space<hbm>>
      tpu.wait_indirect_dma semaphore(%arg10 : memref<!tpu.dma_semaphore, #tpu.memory_space<semaphore_mem>>) src(%dma_wait3A_92 : memref<745472x128xf32, #tpu.memory_space<hbm>>) dst(%dma_wait3A_86 : memref<128x128xf32, #tpu.memory_space<vmem>>)
      %scan3A_93 = arith.constant 0 : i32
      %scan3A_94 = arith.constant 0 : i32
      %scan3A_95 = arith.constant 32 : i32
      %scan3A_96 = arith.addi %scan3A_94, %scan3A_95 : i32
      %scan3A_97 = arith.constant 1 : i32
      scf.for %scan3A_101 = %scan3A_94 to %scan3A_96 step %scan3A_97  : i32 {
        %mul3A_102 = arith.constant 16 : i32
        %mul3A_103 = arith.muli %scan3A_101, %mul3A_102 : i32
        %mul3A_104 = arith.constant 4 : i32
        %mul3A_105 = arith.muli %scan3A_6, %mul3A_104 : i32
        %jit3A = arith.constant 128 : i32
        %div3A = arith.divsi %mul3A_103, %jit3A : i32
        %sign3A = arith.constant 0 : i32
        %sign3A_106 = arith.cmpi sgt, %mul3A_103, %sign3A : i32
        %sign3A_107 = arith.extui %sign3A_106 : i1 to i32
        %sign3A_108 = arith.constant 0 : i32
        %sign3A_109 = arith.cmpi slt, %mul3A_103, %sign3A_108 : i32
        %sign3A_110 = arith.extui %sign3A_109 : i1 to i32
        %sign3A_111 = arith.subi %sign3A_107, %sign3A_110 : i32
        %sign3A_112 = arith.constant 0 : i32
        %sign3A_113 = arith.cmpi sgt, %jit3A, %sign3A_112 : i32
        %sign3A_114 = arith.extui %sign3A_113 : i1 to i32
        %sign3A_115 = arith.constant 0 : i32
        %sign3A_116 = arith.cmpi slt, %jit3A, %sign3A_115 : i32
        %sign3A_117 = arith.extui %sign3A_116 : i1 to i32
        %sign3A_118 = arith.subi %sign3A_114, %sign3A_117 : i32
        %ne3A = arith.cmpi ne, %sign3A_111, %sign3A_118 : i32
        %rem3A = arith.remsi %mul3A_103, %jit3A : i32
        %ne3A_119 = arith.constant 0 : i32
        %ne3A_120 = arith.cmpi ne, %rem3A, %ne3A_119 : i32
        %and3A = arith.andi %ne3A, %ne3A_120 : i1
        %sub3A = arith.constant 1 : i32
        %sub3A_121 = arith.subi %div3A, %sub3A : i32
        %select_n3A = arith.select %and3A, %sub3A_121, %div3A : i32
        %add3A_122 = arith.addi %mul3A_105, %select_n3A : i32
        %jit3A_123 = arith.constant 128 : i32
        %eq3A = arith.constant 0 : i32
        %eq3A_124 = arith.cmpi eq, %jit3A_123, %eq3A : i32
        %jit3A_125 = arith.constant 1 : i32
        %select_n3A_126 = arith.select %eq3A_124, %jit3A_125, %jit3A_123 : i32
        %rem3A_127 = arith.remsi %mul3A_103, %select_n3A_126 : i32
        %ne3A_128 = arith.constant 0 : i32
        %ne3A_129 = arith.cmpi ne, %rem3A_127, %ne3A_128 : i32
        %lt3A = arith.constant 0 : i32
        %lt3A_130 = arith.cmpi slt, %rem3A_127, %lt3A : i32
        %lt3A_131 = arith.constant 0 : i32
        %lt3A_132 = arith.cmpi slt, %select_n3A_126, %lt3A_131 : i32
        %ne3A_133 = arith.xori %lt3A_130, %lt3A_132 : i1
        %and3A_134 = arith.andi %ne3A_133, %ne3A_129 : i1
        %add3A_135 = arith.addi %rem3A_127, %select_n3A_126 : i32
        %select_n3A_136 = arith.select %and3A_134, %add3A_135, %rem3A_127 : i32
        %get3A = arith.index_cast %add3A_122 : i32 to index
        %get3A_137 = arith.index_cast %select_n3A_136 : i32 to index
        %get3A_138 = tpu.vector_load %arg7[%get3A, %get3A_137] {strides = array<i32>} : memref<104x128xi32, #tpu.memory_space<vmem>>, vector<16xi32>,
        %mul3A_139 = arith.constant 4 : i32
        %mul3A_140 = arith.muli %scan3A_101, %mul3A_139 : i32
        %slice3A = vector.extract_strided_slice %get3A_138 {offsets = [0], sizes = [1], strides = [1]} : vector<16xi32> to vector<1xi32>
        %squeeze3A = vector.extract %slice3A[0] : i32 from vector<1xi32>
        %add3A_141 = arith.constant 0 : i32
        %add3A_142 = arith.addi %mul3A_103, %add3A_141 : i32
        %get3A_143 = arith.index_cast %add3A_142 : i32 to index
        %get3A_144 = arith.index_cast %squeeze3A : i32 to index
        %get3A_145 = tpu.vector_load %arg8[%get3A_143, %get3A_144] {strides = array<i32>} : memref<512x128xf32, #tpu.memory_space<vmem>>, vector<16xf32>,
        %add3A_146 = arith.constant 0 : i32
        %add3A_147 = arith.addi %mul3A_103, %add3A_146 : i32
        %add3A_148 = arith.constant 16 : i32
        %add3A_149 = arith.addi %squeeze3A, %add3A_148 : i32
        %get3A_150 = arith.index_cast %add3A_147 : i32 to index
        %get3A_151 = arith.index_cast %add3A_149 : i32 to index
        %get3A_152 = tpu.vector_load %arg8[%get3A_150, %get3A_151] {strides = array<i32>} : memref<512x128xf32, #tpu.memory_space<vmem>>, vector<16xf32>,
        %add3A_153 = arith.constant 0 : i32
        %add3A_154 = arith.addi %mul3A_140, %add3A_153 : i32
        %swap3A = arith.index_cast %add3A_154 : i32 to index
        %swap3A_155 = arith.constant 0 : index
        %swap3A_156 = tpu.vector_load %arg9[%swap3A, %swap3A_155] {strides = array<i32>} : memref<128x128xf32, #tpu.memory_space<vmem>>, vector<16xf32>,
        tpu.vector_store %arg9[%swap3A, %swap3A_155], %get3A_145 {strides = array<i32>} : memref<128x128xf32, #tpu.memory_space<vmem>>, vector<16xf32>,
        %add3A_157 = arith.constant 0 : i32
        %add3A_158 = arith.addi %mul3A_140, %add3A_157 : i32
        %swap3A_159 = arith.index_cast %add3A_158 : i32 to index
        %swap3A_160 = arith.constant 16 : index
        %swap3A_161 = tpu.vector_load %arg9[%swap3A_159, %swap3A_160] {strides = array<i32>} : memref<128x128xf32, #tpu.memory_space<vmem>>, vector<16xf32>,
        tpu.vector_store %arg9[%swap3A_159, %swap3A_160], %get3A_152 {strides = array<i32>} : memref<128x128xf32, #tpu.memory_space<vmem>>, vector<16xf32>,
        %slice3A_162 = vector.extract_strided_slice %get3A_138 {offsets = [1], sizes = [1], strides = [1]} : vector<16xi32> to vector<1xi32>
        %squeeze3A_163 = vector.extract %slice3A_162[0] : i32 from vector<1xi32>
        %add3A_164 = arith.constant 1 : i32
        %add3A_165 = arith.addi %mul3A_103, %add3A_164 : i32
        %get3A_166 = arith.index_cast %add3A_165 : i32 to index
        %get3A_167 = arith.index_cast %squeeze3A_163 : i32 to index
        %get3A_168 = tpu.vector_load %arg8[%get3A_166, %get3A_167] {strides = array<i32>} : memref<512x128xf32, #tpu.memory_space<vmem>>, vector<16xf32>,
        %add3A_169 = arith.constant 1 : i32
        %add3A_170 = arith.addi %mul3A_103, %add3A_169 : i32
        %add3A_171 = arith.constant 16 : i32
        %add3A_172 = arith.addi %squeeze3A_163, %add3A_171 : i32
        %get3A_173 = arith.index_cast %add3A_170 : i32 to index
        %get3A_174 = arith.index_cast %add3A_172 : i32 to index
        %get3A_175 = tpu.vector_load %arg8[%get3A_173, %get3A_174] {strides = array<i32>} : memref<512x128xf32, #tpu.memory_space<vmem>>, vector<16xf32>,
        %add3A_176 = arith.constant 0 : i32
        %add3A_177 = arith.addi %mul3A_140, %add3A_176 : i32
        %swap3A_178 = arith.index_cast %add3A_177 : i32 to index
        %swap3A_179 = arith.constant 32 : index
        %swap3A_180 = tpu.vector_load %arg9[%swap3A_178, %swap3A_179] {strides = array<i32>} : memref<128x128xf32, #tpu.memory_space<vmem>>, vector<16xf32>,
        tpu.vector_store %arg9[%swap3A_178, %swap3A_179], %get3A_168 {strides = array<i32>} : memref<128x128xf32, #tpu.memory_space<vmem>>, vector<16xf32>,
        %add3A_181 = arith.constant 0 : i32
        %add3A_182 = arith.addi %mul3A_140, %add3A_181 : i32
        %swap3A_183 = arith.index_cast %add3A_182 : i32 to index
        %swap3A_184 = arith.constant 48 : index
        %swap3A_185 = tpu.vector_load %arg9[%swap3A_183, %swap3A_184] {strides = array<i32>} : memref<128x128xf32, #tpu.memory_space<vmem>>, vector<16xf32>,
        tpu.vector_store %arg9[%swap3A_183, %swap3A_184], %get3A_175 {strides = array<i32>} : memref<128x128xf32, #tpu.memory_space<vmem>>, vector<16xf32>,
        %slice3A_186 = vector.extract_strided_slice %get3A_138 {offsets = [2], sizes = [1], strides = [1]} : vector<16xi32> to vector<1xi32>
        %squeeze3A_187 = vector.extract %slice3A_186[0] : i32 from vector<1xi32>
        %add3A_188 = arith.constant 2 : i32
        %add3A_189 = arith.addi %mul3A_103, %add3A_188 : i32
        %get3A_190 = arith.index_cast %add3A_189 : i32 to index
        %get3A_191 = arith.index_cast %squeeze3A_187 : i32 to index
        %get3A_192 = tpu.vector_load %arg8[%get3A_190, %get3A_191] {strides = array<i32>} : memref<512x128xf32, #tpu.memory_space<vmem>>, vector<16xf32>,
        %add3A_193 = arith.constant 2 : i32
        %add3A_194 = arith.addi %mul3A_103, %add3A_193 : i32
        %add3A_195 = arith.constant 16 : i32
        %add3A_196 = arith.addi %squeeze3A_187, %add3A_195 : i32
        %get3A_197 = arith.index_cast %add3A_194 : i32 to index
        %get3A_198 = arith.index_cast %add3A_196 : i32 to index
        %get3A_199 = tpu.vector_load %arg8[%get3A_197, %get3A_198] {strides = array<i32>} : memref<512x128xf32, #tpu.memory_space<vmem>>, vector<16xf32>,
        %add3A_200 = arith.constant 0 : i32
        %add3A_201 = arith.addi %mul3A_140, %add3A_200 : i32
        %swap3A_202 = arith.index_cast %add3A_201 : i32 to index
        %swap3A_203 = arith.constant 64 : index
        %swap3A_204 = tpu.vector_load %arg9[%swap3A_202, %swap3A_203] {strides = array<i32>} : memref<128x128xf32, #tpu.memory_space<vmem>>, vector<16xf32>,
        tpu.vector_store %arg9[%swap3A_202, %swap3A_203], %get3A_192 {strides = array<i32>} : memref<128x128xf32, #tpu.memory_space<vmem>>, vector<16xf32>,
        %add3A_205 = arith.constant 0 : i32
        %add3A_206 = arith.addi %mul3A_140, %add3A_205 : i32
        %swap3A_207 = arith.index_cast %add3A_206 : i32 to index
        %swap3A_208 = arith.constant 80 : index
        %swap3A_209 = tpu.vector_load %arg9[%swap3A_207, %swap3A_208] {strides = array<i32>} : memref<128x128xf32, #tpu.memory_space<vmem>>, vector<16xf32>,
        tpu.vector_store %arg9[%swap3A_207, %swap3A_208], %get3A_199 {strides = array<i32>} : memref<128x128xf32, #tpu.memory_space<vmem>>, vector<16xf32>,
        %slice3A_210 = vector.extract_strided_slice %get3A_138 {offsets = [3], sizes = [1], strides = [1]} : vector<16xi32> to vector<1xi32>
        %squeeze3A_211 = vector.extract %slice3A_210[0] : i32 from vector<1xi32>
        %add3A_212 = arith.constant 3 : i32
        %add3A_213 = arith.addi %mul3A_103, %add3A_212 : i32
        %get3A_214 = arith.index_cast %add3A_213 : i32 to index
        %get3A_215 = arith.index_cast %squeeze3A_211 : i32 to index
        %get3A_216 = tpu.vector_load %arg8[%get3A_214, %get3A_215] {strides = array<i32>} : memref<512x128xf32, #tpu.memory_space<vmem>>, vector<16xf32>,
        %add3A_217 = arith.constant 3 : i32
        %add3A_218 = arith.addi %mul3A_103, %add3A_217 : i32
        %add3A_219 = arith.constant 16 : i32
        %add3A_220 = arith.addi %squeeze3A_211, %add3A_219 : i32
        %get3A_221 = arith.index_cast %add3A_218 : i32 to index
        %get3A_222 = arith.index_cast %add3A_220 : i32 to index
        %get3A_223 = tpu.vector_load %arg8[%get3A_221, %get3A_222] {strides = array<i32>} : memref<512x128xf32, #tpu.memory_space<vmem>>, vector<16xf32>,
        %add3A_224 = arith.constant 0 : i32
        %add3A_225 = arith.addi %mul3A_140, %add3A_224 : i32
        %swap3A_226 = arith.index_cast %add3A_225 : i32 to index
        %swap3A_227 = arith.constant 96 : index
        %swap3A_228 = tpu.vector_load %arg9[%swap3A_226, %swap3A_227] {strides = array<i32>} : memref<128x128xf32, #tpu.memory_space<vmem>>, vector<16xf32>,
        tpu.vector_store %arg9[%swap3A_226, %swap3A_227], %get3A_216 {strides = array<i32>} : memref<128x128xf32, #tpu.memory_space<vmem>>, vector<16xf32>,
        %add3A_229 = arith.constant 0 : i32
        %add3A_230 = arith.addi %mul3A_140, %add3A_229 : i32
        %swap3A_231 = arith.index_cast %add3A_230 : i32 to index
        %swap3A_232 = arith.constant 112 : index
        %swap3A_233 = tpu.vector_load %arg9[%swap3A_231, %swap3A_232] {strides = array<i32>} : memref<128x128xf32, #tpu.memory_space<vmem>>, vector<16xf32>,
        tpu.vector_store %arg9[%swap3A_231, %swap3A_232], %get3A_223 {strides = array<i32>} : memref<128x128xf32, #tpu.memory_space<vmem>>, vector<16xf32>,
        %slice3A_234 = vector.extract_strided_slice %get3A_138 {offsets = [4], sizes = [1], strides = [1]} : vector<16xi32> to vector<1xi32>
        %squeeze3A_235 = vector.extract %slice3A_234[0] : i32 from vector<1xi32>
        %add3A_236 = arith.constant 4 : i32
        %add3A_237 = arith.addi %mul3A_103, %add3A_236 : i32
        %get3A_238 = arith.index_cast %add3A_237 : i32 to index
        %get3A_239 = arith.index_cast %squeeze3A_235 : i32 to index
        %get3A_240 = tpu.vector_load %arg8[%get3A_238, %get3A_239] {strides = array<i32>} : memref<512x128xf32, #tpu.memory_space<vmem>>, vector<16xf32>,
        %add3A_241 = arith.constant 4 : i32
        %add3A_242 = arith.addi %mul3A_103, %add3A_241 : i32
        %add3A_243 = arith.constant 16 : i32
        %add3A_244 = arith.addi %squeeze3A_235, %add3A_243 : i32
        %get3A_245 = arith.index_cast %add3A_242 : i32 to index
        %get3A_246 = arith.index_cast %add3A_244 : i32 to index
        %get3A_247 = tpu.vector_load %arg8[%get3A_245, %get3A_246] {strides = array<i32>} : memref<512x128xf32, #tpu.memory_space<vmem>>, vector<16xf32>,
        %add3A_248 = arith.constant 1 : i32
        %add3A_249 = arith.addi %mul3A_140, %add3A_248 : i32
        %swap3A_250 = arith.index_cast %add3A_249 : i32 to index
        %swap3A_251 = arith.constant 0 : index
        %swap3A_252 = tpu.vector_load %arg9[%swap3A_250, %swap3A_251] {strides = array<i32>} : memref<128x128xf32, #tpu.memory_space<vmem>>, vector<16xf32>,
        tpu.vector_store %arg9[%swap3A_250, %swap3A_251], %get3A_240 {strides = array<i32>} : memref<128x128xf32, #tpu.memory_space<vmem>>, vector<16xf32>,
        %add3A_253 = arith.constant 1 : i32
        %add3A_254 = arith.addi %mul3A_140, %add3A_253 : i32
        %swap3A_255 = arith.index_cast %add3A_254 : i32 to index
        %swap3A_256 = arith.constant 16 : index
        %swap3A_257 = tpu.vector_load %arg9[%swap3A_255, %swap3A_256] {strides = array<i32>} : memref<128x128xf32, #tpu.memory_space<vmem>>, vector<16xf32>,
        tpu.vector_store %arg9[%swap3A_255, %swap3A_256], %get3A_247 {strides = array<i32>} : memref<128x128xf32, #tpu.memory_space<vmem>>, vector<16xf32>,
        %slice3A_258 = vector.extract_strided_slice %get3A_138 {offsets = [5], sizes = [1], strides = [1]} : vector<16xi32> to vector<1xi32>
        %squeeze3A_259 = vector.extract %slice3A_258[0] : i32 from vector<1xi32>
        %add3A_260 = arith.constant 5 : i32
        %add3A_261 = arith.addi %mul3A_103, %add3A_260 : i32
        %get3A_262 = arith.index_cast %add3A_261 : i32 to index
        %get3A_263 = arith.index_cast %squeeze3A_259 : i32 to index
        %get3A_264 = tpu.vector_load %arg8[%get3A_262, %get3A_263] {strides = array<i32>} : memref<512x128xf32, #tpu.memory_space<vmem>>, vector<16xf32>,
        %add3A_265 = arith.constant 5 : i32
        %add3A_266 = arith.addi %mul3A_103, %add3A_265 : i32
        %add3A_267 = arith.constant 16 : i32
        %add3A_268 = arith.addi %squeeze3A_259, %add3A_267 : i32
        %get3A_269 = arith.index_cast %add3A_266 : i32 to index
        %get3A_270 = arith.index_cast %add3A_268 : i32 to index
        %get3A_271 = tpu.vector_load %arg8[%get3A_269, %get3A_270] {strides = array<i32>} : memref<512x128xf32, #tpu.memory_space<vmem>>, vector<16xf32>,
        %add3A_272 = arith.constant 1 : i32
        %add3A_273 = arith.addi %mul3A_140, %add3A_272 : i32
        %swap3A_274 = arith.index_cast %add3A_273 : i32 to index
        %swap3A_275 = arith.constant 32 : index
        %swap3A_276 = tpu.vector_load %arg9[%swap3A_274, %swap3A_275] {strides = array<i32>} : memref<128x128xf32, #tpu.memory_space<vmem>>, vector<16xf32>,
        tpu.vector_store %arg9[%swap3A_274, %swap3A_275], %get3A_264 {strides = array<i32>} : memref<128x128xf32, #tpu.memory_space<vmem>>, vector<16xf32>,
        %add3A_277 = arith.constant 1 : i32
        %add3A_278 = arith.addi %mul3A_140, %add3A_277 : i32
        %swap3A_279 = arith.index_cast %add3A_278 : i32 to index
        %swap3A_280 = arith.constant 48 : index
        %swap3A_281 = tpu.vector_load %arg9[%swap3A_279, %swap3A_280] {strides = array<i32>} : memref<128x128xf32, #tpu.memory_space<vmem>>, vector<16xf32>,
        tpu.vector_store %arg9[%swap3A_279, %swap3A_280], %get3A_271 {strides = array<i32>} : memref<128x128xf32, #tpu.memory_space<vmem>>, vector<16xf32>,
        %slice3A_282 = vector.extract_strided_slice %get3A_138 {offsets = [6], sizes = [1], strides = [1]} : vector<16xi32> to vector<1xi32>
        %squeeze3A_283 = vector.extract %slice3A_282[0] : i32 from vector<1xi32>
        %add3A_284 = arith.constant 6 : i32
        %add3A_285 = arith.addi %mul3A_103, %add3A_284 : i32
        %get3A_286 = arith.index_cast %add3A_285 : i32 to index
        %get3A_287 = arith.index_cast %squeeze3A_283 : i32 to index
        %get3A_288 = tpu.vector_load %arg8[%get3A_286, %get3A_287] {strides = array<i32>} : memref<512x128xf32, #tpu.memory_space<vmem>>, vector<16xf32>,
        %add3A_289 = arith.constant 6 : i32
        %add3A_290 = arith.addi %mul3A_103, %add3A_289 : i32
        %add3A_291 = arith.constant 16 : i32
        %add3A_292 = arith.addi %squeeze3A_283, %add3A_291 : i32
        %get3A_293 = arith.index_cast %add3A_290 : i32 to index
        %get3A_294 = arith.index_cast %add3A_292 : i32 to index
        %get3A_295 = tpu.vector_load %arg8[%get3A_293, %get3A_294] {strides = array<i32>} : memref<512x128xf32, #tpu.memory_space<vmem>>, vector<16xf32>,
        %add3A_296 = arith.constant 1 : i32
        %add3A_297 = arith.addi %mul3A_140, %add3A_296 : i32
        %swap3A_298 = arith.index_cast %add3A_297 : i32 to index
        %swap3A_299 = arith.constant 64 : index
        %swap3A_300 = tpu.vector_load %arg9[%swap3A_298, %swap3A_299] {strides = array<i32>} : memref<128x128xf32, #tpu.memory_space<vmem>>, vector<16xf32>,
        tpu.vector_store %arg9[%swap3A_298, %swap3A_299], %get3A_288 {strides = array<i32>} : memref<128x128xf32, #tpu.memory_space<vmem>>, vector<16xf32>,
        %add3A_301 = arith.constant 1 : i32
        %add3A_302 = arith.addi %mul3A_140, %add3A_301 : i32
        %swap3A_303 = arith.index_cast %add3A_302 : i32 to index
        %swap3A_304 = arith.constant 80 : index
        %swap3A_305 = tpu.vector_load %arg9[%swap3A_303, %swap3A_304] {strides = array<i32>} : memref<128x128xf32, #tpu.memory_space<vmem>>, vector<16xf32>,
        tpu.vector_store %arg9[%swap3A_303, %swap3A_304], %get3A_295 {strides = array<i32>} : memref<128x128xf32, #tpu.memory_space<vmem>>, vector<16xf32>,
        %slice3A_306 = vector.extract_strided_slice %get3A_138 {offsets = [7], sizes = [1], strides = [1]} : vector<16xi32> to vector<1xi32>
        %squeeze3A_307 = vector.extract %slice3A_306[0] : i32 from vector<1xi32>
        %add3A_308 = arith.constant 7 : i32
        %add3A_309 = arith.addi %mul3A_103, %add3A_308 : i32
        %get3A_310 = arith.index_cast %add3A_309 : i32 to index
        %get3A_311 = arith.index_cast %squeeze3A_307 : i32 to index
        %get3A_312 = tpu.vector_load %arg8[%get3A_310, %get3A_311] {strides = array<i32>} : memref<512x128xf32, #tpu.memory_space<vmem>>, vector<16xf32>,
        %add3A_313 = arith.constant 7 : i32
        %add3A_314 = arith.addi %mul3A_103, %add3A_313 : i32
        %add3A_315 = arith.constant 16 : i32
        %add3A_316 = arith.addi %squeeze3A_307, %add3A_315 : i32
        %get3A_317 = arith.index_cast %add3A_314 : i32 to index
        %get3A_318 = arith.index_cast %add3A_316 : i32 to index
        %get3A_319 = tpu.vector_load %arg8[%get3A_317, %get3A_318] {strides = array<i32>} : memref<512x128xf32, #tpu.memory_space<vmem>>, vector<16xf32>,
        %add3A_320 = arith.constant 1 : i32
        %add3A_321 = arith.addi %mul3A_140, %add3A_320 : i32
        %swap3A_322 = arith.index_cast %add3A_321 : i32 to index
        %swap3A_323 = arith.constant 96 : index
        %swap3A_324 = tpu.vector_load %arg9[%swap3A_322, %swap3A_323] {strides = array<i32>} : memref<128x128xf32, #tpu.memory_space<vmem>>, vector<16xf32>,
        tpu.vector_store %arg9[%swap3A_322, %swap3A_323], %get3A_312 {strides = array<i32>} : memref<128x128xf32, #tpu.memory_space<vmem>>, vector<16xf32>,
        %add3A_325 = arith.constant 1 : i32
        %add3A_326 = arith.addi %mul3A_140, %add3A_325 : i32
        %swap3A_327 = arith.index_cast %add3A_326 : i32 to index
        %swap3A_328 = arith.constant 112 : index
        %swap3A_329 = tpu.vector_load %arg9[%swap3A_327, %swap3A_328] {strides = array<i32>} : memref<128x128xf32, #tpu.memory_space<vmem>>, vector<16xf32>,
        tpu.vector_store %arg9[%swap3A_327, %swap3A_328], %get3A_319 {strides = array<i32>} : memref<128x128xf32, #tpu.memory_space<vmem>>, vector<16xf32>,
        %slice3A_330 = vector.extract_strided_slice %get3A_138 {offsets = [8], sizes = [1], strides = [1]} : vector<16xi32> to vector<1xi32>
        %squeeze3A_331 = vector.extract %slice3A_330[0] : i32 from vector<1xi32>
        %add3A_332 = arith.constant 8 : i32
        %add3A_333 = arith.addi %mul3A_103, %add3A_332 : i32
        %get3A_334 = arith.index_cast %add3A_333 : i32 to index
        %get3A_335 = arith.index_cast %squeeze3A_331 : i32 to index
        %get3A_336 = tpu.vector_load %arg8[%get3A_334, %get3A_335] {strides = array<i32>} : memref<512x128xf32, #tpu.memory_space<vmem>>, vector<16xf32>,
        %add3A_337 = arith.constant 8 : i32
        %add3A_338 = arith.addi %mul3A_103, %add3A_337 : i32
        %add3A_339 = arith.constant 16 : i32
        %add3A_340 = arith.addi %squeeze3A_331, %add3A_339 : i32
        %get3A_341 = arith.index_cast %add3A_338 : i32 to index
        %get3A_342 = arith.index_cast %add3A_340 : i32 to index
        %get3A_343 = tpu.vector_load %arg8[%get3A_341, %get3A_342] {strides = array<i32>} : memref<512x128xf32, #tpu.memory_space<vmem>>, vector<16xf32>,
        %add3A_344 = arith.constant 2 : i32
        %add3A_345 = arith.addi %mul3A_140, %add3A_344 : i32
        %swap3A_346 = arith.index_cast %add3A_345 : i32 to index
        %swap3A_347 = arith.constant 0 : index
        %swap3A_348 = tpu.vector_load %arg9[%swap3A_346, %swap3A_347] {strides = array<i32>} : memref<128x128xf32, #tpu.memory_space<vmem>>, vector<16xf32>,
        tpu.vector_store %arg9[%swap3A_346, %swap3A_347], %get3A_336 {strides = array<i32>} : memref<128x128xf32, #tpu.memory_space<vmem>>, vector<16xf32>,
        %add3A_349 = arith.constant 2 : i32
        %add3A_350 = arith.addi %mul3A_140, %add3A_349 : i32
        %swap3A_351 = arith.index_cast %add3A_350 : i32 to index
        %swap3A_352 = arith.constant 16 : index
        %swap3A_353 = tpu.vector_load %arg9[%swap3A_351, %swap3A_352] {strides = array<i32>} : memref<128x128xf32, #tpu.memory_space<vmem>>, vector<16xf32>,
        tpu.vector_store %arg9[%swap3A_351, %swap3A_352], %get3A_343 {strides = array<i32>} : memref<128x128xf32, #tpu.memory_space<vmem>>, vector<16xf32>,
        %slice3A_354 = vector.extract_strided_slice %get3A_138 {offsets = [9], sizes = [1], strides = [1]} : vector<16xi32> to vector<1xi32>
        %squeeze3A_355 = vector.extract %slice3A_354[0] : i32 from vector<1xi32>
        %add3A_356 = arith.constant 9 : i32
        %add3A_357 = arith.addi %mul3A_103, %add3A_356 : i32
        %get3A_358 = arith.index_cast %add3A_357 : i32 to index
        %get3A_359 = arith.index_cast %squeeze3A_355 : i32 to index
        %get3A_360 = tpu.vector_load %arg8[%get3A_358, %get3A_359] {strides = array<i32>} : memref<512x128xf32, #tpu.memory_space<vmem>>, vector<16xf32>,
        %add3A_361 = arith.constant 9 : i32
        %add3A_362 = arith.addi %mul3A_103, %add3A_361 : i32
        %add3A_363 = arith.constant 16 : i32
        %add3A_364 = arith.addi %squeeze3A_355, %add3A_363 : i32
        %get3A_365 = arith.index_cast %add3A_362 : i32 to index
        %get3A_366 = arith.index_cast %add3A_364 : i32 to index
        %get3A_367 = tpu.vector_load %arg8[%get3A_365, %get3A_366] {strides = array<i32>} : memref<512x128xf32, #tpu.memory_space<vmem>>, vector<16xf32>,
        %add3A_368 = arith.constant 2 : i32
        %add3A_369 = arith.addi %mul3A_140, %add3A_368 : i32
        %swap3A_370 = arith.index_cast %add3A_369 : i32 to index
        %swap3A_371 = arith.constant 32 : index
        %swap3A_372 = tpu.vector_load %arg9[%swap3A_370, %swap3A_371] {strides = array<i32>} : memref<128x128xf32, #tpu.memory_space<vmem>>, vector<16xf32>,
        tpu.vector_store %arg9[%swap3A_370, %swap3A_371], %get3A_360 {strides = array<i32>} : memref<128x128xf32, #tpu.memory_space<vmem>>, vector<16xf32>,
        %add3A_373 = arith.constant 2 : i32
        %add3A_374 = arith.addi %mul3A_140, %add3A_373 : i32
        %swap3A_375 = arith.index_cast %add3A_374 : i32 to index
        %swap3A_376 = arith.constant 48 : index
        %swap3A_377 = tpu.vector_load %arg9[%swap3A_375, %swap3A_376] {strides = array<i32>} : memref<128x128xf32, #tpu.memory_space<vmem>>, vector<16xf32>,
        tpu.vector_store %arg9[%swap3A_375, %swap3A_376], %get3A_367 {strides = array<i32>} : memref<128x128xf32, #tpu.memory_space<vmem>>, vector<16xf32>,
        %slice3A_378 = vector.extract_strided_slice %get3A_138 {offsets = [10], sizes = [1], strides = [1]} : vector<16xi32> to vector<1xi32>
        %squeeze3A_379 = vector.extract %slice3A_378[0] : i32 from vector<1xi32>
        %add3A_380 = arith.constant 10 : i32
        %add3A_381 = arith.addi %mul3A_103, %add3A_380 : i32
        %get3A_382 = arith.index_cast %add3A_381 : i32 to index
        %get3A_383 = arith.index_cast %squeeze3A_379 : i32 to index
        %get3A_384 = tpu.vector_load %arg8[%get3A_382, %get3A_383] {strides = array<i32>} : memref<512x128xf32, #tpu.memory_space<vmem>>, vector<16xf32>,
        %add3A_385 = arith.constant 10 : i32
        %add3A_386 = arith.addi %mul3A_103, %add3A_385 : i32
        %add3A_387 = arith.constant 16 : i32
        %add3A_388 = arith.addi %squeeze3A_379, %add3A_387 : i32
        %get3A_389 = arith.index_cast %add3A_386 : i32 to index
        %get3A_390 = arith.index_cast %add3A_388 : i32 to index
        %get3A_391 = tpu.vector_load %arg8[%get3A_389, %get3A_390] {strides = array<i32>} : memref<512x128xf32, #tpu.memory_space<vmem>>, vector<16xf32>,
        %add3A_392 = arith.constant 2 : i32
        %add3A_393 = arith.addi %mul3A_140, %add3A_392 : i32
        %swap3A_394 = arith.index_cast %add3A_393 : i32 to index
        %swap3A_395 = arith.constant 64 : index
        %swap3A_396 = tpu.vector_load %arg9[%swap3A_394, %swap3A_395] {strides = array<i32>} : memref<128x128xf32, #tpu.memory_space<vmem>>, vector<16xf32>,
        tpu.vector_store %arg9[%swap3A_394, %swap3A_395], %get3A_384 {strides = array<i32>} : memref<128x128xf32, #tpu.memory_space<vmem>>, vector<16xf32>,
        %add3A_397 = arith.constant 2 : i32
        %add3A_398 = arith.addi %mul3A_140, %add3A_397 : i32
        %swap3A_399 = arith.index_cast %add3A_398 : i32 to index
        %swap3A_400 = arith.constant 80 : index
        %swap3A_401 = tpu.vector_load %arg9[%swap3A_399, %swap3A_400] {strides = array<i32>} : memref<128x128xf32, #tpu.memory_space<vmem>>, vector<16xf32>,
        tpu.vector_store %arg9[%swap3A_399, %swap3A_400], %get3A_391 {strides = array<i32>} : memref<128x128xf32, #tpu.memory_space<vmem>>, vector<16xf32>,
        %slice3A_402 = vector.extract_strided_slice %get3A_138 {offsets = [11], sizes = [1], strides = [1]} : vector<16xi32> to vector<1xi32>
        %squeeze3A_403 = vector.extract %slice3A_402[0] : i32 from vector<1xi32>
        %add3A_404 = arith.constant 11 : i32
        %add3A_405 = arith.addi %mul3A_103, %add3A_404 : i32
        %get3A_406 = arith.index_cast %add3A_405 : i32 to index
        %get3A_407 = arith.index_cast %squeeze3A_403 : i32 to index
        %get3A_408 = tpu.vector_load %arg8[%get3A_406, %get3A_407] {strides = array<i32>} : memref<512x128xf32, #tpu.memory_space<vmem>>, vector<16xf32>,
        %add3A_409 = arith.constant 11 : i32
        %add3A_410 = arith.addi %mul3A_103, %add3A_409 : i32
        %add3A_411 = arith.constant 16 : i32
        %add3A_412 = arith.addi %squeeze3A_403, %add3A_411 : i32
        %get3A_413 = arith.index_cast %add3A_410 : i32 to index
        %get3A_414 = arith.index_cast %add3A_412 : i32 to index
        %get3A_415 = tpu.vector_load %arg8[%get3A_413, %get3A_414] {strides = array<i32>} : memref<512x128xf32, #tpu.memory_space<vmem>>, vector<16xf32>,
        %add3A_416 = arith.constant 2 : i32
        %add3A_417 = arith.addi %mul3A_140, %add3A_416 : i32
        %swap3A_418 = arith.index_cast %add3A_417 : i32 to index
        %swap3A_419 = arith.constant 96 : index
        %swap3A_420 = tpu.vector_load %arg9[%swap3A_418, %swap3A_419] {strides = array<i32>} : memref<128x128xf32, #tpu.memory_space<vmem>>, vector<16xf32>,
        tpu.vector_store %arg9[%swap3A_418, %swap3A_419], %get3A_408 {strides = array<i32>} : memref<128x128xf32, #tpu.memory_space<vmem>>, vector<16xf32>,
        %add3A_421 = arith.constant 2 : i32
        %add3A_422 = arith.addi %mul3A_140, %add3A_421 : i32
        %swap3A_423 = arith.index_cast %add3A_422 : i32 to index
        %swap3A_424 = arith.constant 112 : index
        %swap3A_425 = tpu.vector_load %arg9[%swap3A_423, %swap3A_424] {strides = array<i32>} : memref<128x128xf32, #tpu.memory_space<vmem>>, vector<16xf32>,
        tpu.vector_store %arg9[%swap3A_423, %swap3A_424], %get3A_415 {strides = array<i32>} : memref<128x128xf32, #tpu.memory_space<vmem>>, vector<16xf32>,
        %slice3A_426 = vector.extract_strided_slice %get3A_138 {offsets = [12], sizes = [1], strides = [1]} : vector<16xi32> to vector<1xi32>
        %squeeze3A_427 = vector.extract %slice3A_426[0] : i32 from vector<1xi32>
        %add3A_428 = arith.constant 12 : i32
        %add3A_429 = arith.addi %mul3A_103, %add3A_428 : i32
        %get3A_430 = arith.index_cast %add3A_429 : i32 to index
        %get3A_431 = arith.index_cast %squeeze3A_427 : i32 to index
        %get3A_432 = tpu.vector_load %arg8[%get3A_430, %get3A_431] {strides = array<i32>} : memref<512x128xf32, #tpu.memory_space<vmem>>, vector<16xf32>,
        %add3A_433 = arith.constant 12 : i32
        %add3A_434 = arith.addi %mul3A_103, %add3A_433 : i32
        %add3A_435 = arith.constant 16 : i32
        %add3A_436 = arith.addi %squeeze3A_427, %add3A_435 : i32
        %get3A_437 = arith.index_cast %add3A_434 : i32 to index
        %get3A_438 = arith.index_cast %add3A_436 : i32 to index
        %get3A_439 = tpu.vector_load %arg8[%get3A_437, %get3A_438] {strides = array<i32>} : memref<512x128xf32, #tpu.memory_space<vmem>>, vector<16xf32>,
        %add3A_440 = arith.constant 3 : i32
        %add3A_441 = arith.addi %mul3A_140, %add3A_440 : i32
        %swap3A_442 = arith.index_cast %add3A_441 : i32 to index
        %swap3A_443 = arith.constant 0 : index
        %swap3A_444 = tpu.vector_load %arg9[%swap3A_442, %swap3A_443] {strides = array<i32>} : memref<128x128xf32, #tpu.memory_space<vmem>>, vector<16xf32>,
        tpu.vector_store %arg9[%swap3A_442, %swap3A_443], %get3A_432 {strides = array<i32>} : memref<128x128xf32, #tpu.memory_space<vmem>>, vector<16xf32>,
        %add3A_445 = arith.constant 3 : i32
        %add3A_446 = arith.addi %mul3A_140, %add3A_445 : i32
        %swap3A_447 = arith.index_cast %add3A_446 : i32 to index
        %swap3A_448 = arith.constant 16 : index
        %swap3A_449 = tpu.vector_load %arg9[%swap3A_447, %swap3A_448] {strides = array<i32>} : memref<128x128xf32, #tpu.memory_space<vmem>>, vector<16xf32>,
        tpu.vector_store %arg9[%swap3A_447, %swap3A_448], %get3A_439 {strides = array<i32>} : memref<128x128xf32, #tpu.memory_space<vmem>>, vector<16xf32>,
        %slice3A_450 = vector.extract_strided_slice %get3A_138 {offsets = [13], sizes = [1], strides = [1]} : vector<16xi32> to vector<1xi32>
        %squeeze3A_451 = vector.extract %slice3A_450[0] : i32 from vector<1xi32>
        %add3A_452 = arith.constant 13 : i32
        %add3A_453 = arith.addi %mul3A_103, %add3A_452 : i32
        %get3A_454 = arith.index_cast %add3A_453 : i32 to index
        %get3A_455 = arith.index_cast %squeeze3A_451 : i32 to index
        %get3A_456 = tpu.vector_load %arg8[%get3A_454, %get3A_455] {strides = array<i32>} : memref<512x128xf32, #tpu.memory_space<vmem>>, vector<16xf32>,
        %add3A_457 = arith.constant 13 : i32
        %add3A_458 = arith.addi %mul3A_103, %add3A_457 : i32
        %add3A_459 = arith.constant 16 : i32
        %add3A_460 = arith.addi %squeeze3A_451, %add3A_459 : i32
        %get3A_461 = arith.index_cast %add3A_458 : i32 to index
        %get3A_462 = arith.index_cast %add3A_460 : i32 to index
        %get3A_463 = tpu.vector_load %arg8[%get3A_461, %get3A_462] {strides = array<i32>} : memref<512x128xf32, #tpu.memory_space<vmem>>, vector<16xf32>,
        %add3A_464 = arith.constant 3 : i32
        %add3A_465 = arith.addi %mul3A_140, %add3A_464 : i32
        %swap3A_466 = arith.index_cast %add3A_465 : i32 to index
        %swap3A_467 = arith.constant 32 : index
        %swap3A_468 = tpu.vector_load %arg9[%swap3A_466, %swap3A_467] {strides = array<i32>} : memref<128x128xf32, #tpu.memory_space<vmem>>, vector<16xf32>,
        tpu.vector_store %arg9[%swap3A_466, %swap3A_467], %get3A_456 {strides = array<i32>} : memref<128x128xf32, #tpu.memory_space<vmem>>, vector<16xf32>,
        %add3A_469 = arith.constant 3 : i32
        %add3A_470 = arith.addi %mul3A_140, %add3A_469 : i32
        %swap3A_471 = arith.index_cast %add3A_470 : i32 to index
        %swap3A_472 = arith.constant 48 : index
        %swap3A_473 = tpu.vector_load %arg9[%swap3A_471, %swap3A_472] {strides = array<i32>} : memref<128x128xf32, #tpu.memory_space<vmem>>, vector<16xf32>,
        tpu.vector_store %arg9[%swap3A_471, %swap3A_472], %get3A_463 {strides = array<i32>} : memref<128x128xf32, #tpu.memory_space<vmem>>, vector<16xf32>,
        %slice3A_474 = vector.extract_strided_slice %get3A_138 {offsets = [14], sizes = [1], strides = [1]} : vector<16xi32> to vector<1xi32>
        %squeeze3A_475 = vector.extract %slice3A_474[0] : i32 from vector<1xi32>
        %add3A_476 = arith.constant 14 : i32
        %add3A_477 = arith.addi %mul3A_103, %add3A_476 : i32
        %get3A_478 = arith.index_cast %add3A_477 : i32 to index
        %get3A_479 = arith.index_cast %squeeze3A_475 : i32 to index
        %get3A_480 = tpu.vector_load %arg8[%get3A_478, %get3A_479] {strides = array<i32>} : memref<512x128xf32, #tpu.memory_space<vmem>>, vector<16xf32>,
        %add3A_481 = arith.constant 14 : i32
        %add3A_482 = arith.addi %mul3A_103, %add3A_481 : i32
        %add3A_483 = arith.constant 16 : i32
        %add3A_484 = arith.addi %squeeze3A_475, %add3A_483 : i32
        %get3A_485 = arith.index_cast %add3A_482 : i32 to index
        %get3A_486 = arith.index_cast %add3A_484 : i32 to index
        %get3A_487 = tpu.vector_load %arg8[%get3A_485, %get3A_486] {strides = array<i32>} : memref<512x128xf32, #tpu.memory_space<vmem>>, vector<16xf32>,
        %add3A_488 = arith.constant 3 : i32
        %add3A_489 = arith.addi %mul3A_140, %add3A_488 : i32
        %swap3A_490 = arith.index_cast %add3A_489 : i32 to index
        %swap3A_491 = arith.constant 64 : index
        %swap3A_492 = tpu.vector_load %arg9[%swap3A_490, %swap3A_491] {strides = array<i32>} : memref<128x128xf32, #tpu.memory_space<vmem>>, vector<16xf32>,
        tpu.vector_store %arg9[%swap3A_490, %swap3A_491], %get3A_480 {strides = array<i32>} : memref<128x128xf32, #tpu.memory_space<vmem>>, vector<16xf32>,
        %add3A_493 = arith.constant 3 : i32
        %add3A_494 = arith.addi %mul3A_140, %add3A_493 : i32
        %swap3A_495 = arith.index_cast %add3A_494 : i32 to index
        %swap3A_496 = arith.constant 80 : index
        %swap3A_497 = tpu.vector_load %arg9[%swap3A_495, %swap3A_496] {strides = array<i32>} : memref<128x128xf32, #tpu.memory_space<vmem>>, vector<16xf32>,
        tpu.vector_store %arg9[%swap3A_495, %swap3A_496], %get3A_487 {strides = array<i32>} : memref<128x128xf32, #tpu.memory_space<vmem>>, vector<16xf32>,
        %slice3A_498 = vector.extract_strided_slice %get3A_138 {offsets = [15], sizes = [1], strides = [1]} : vector<16xi32> to vector<1xi32>
        %squeeze3A_499 = vector.extract %slice3A_498[0] : i32 from vector<1xi32>
        %add3A_500 = arith.constant 15 : i32
        %add3A_501 = arith.addi %mul3A_103, %add3A_500 : i32
        %get3A_502 = arith.index_cast %add3A_501 : i32 to index
        %get3A_503 = arith.index_cast %squeeze3A_499 : i32 to index
        %get3A_504 = tpu.vector_load %arg8[%get3A_502, %get3A_503] {strides = array<i32>} : memref<512x128xf32, #tpu.memory_space<vmem>>, vector<16xf32>,
        %add3A_505 = arith.constant 15 : i32
        %add3A_506 = arith.addi %mul3A_103, %add3A_505 : i32
        %add3A_507 = arith.constant 16 : i32
        %add3A_508 = arith.addi %squeeze3A_499, %add3A_507 : i32
        %get3A_509 = arith.index_cast %add3A_506 : i32 to index
        %get3A_510 = arith.index_cast %add3A_508 : i32 to index
        %get3A_511 = tpu.vector_load %arg8[%get3A_509, %get3A_510] {strides = array<i32>} : memref<512x128xf32, #tpu.memory_space<vmem>>, vector<16xf32>,
        %add3A_512 = arith.constant 3 : i32
        %add3A_513 = arith.addi %mul3A_140, %add3A_512 : i32
        %swap3A_514 = arith.index_cast %add3A_513 : i32 to index
        %swap3A_515 = arith.constant 96 : index
        %swap3A_516 = tpu.vector_load %arg9[%swap3A_514, %swap3A_515] {strides = array<i32>} : memref<128x128xf32, #tpu.memory_space<vmem>>, vector<16xf32>,
        tpu.vector_store %arg9[%swap3A_514, %swap3A_515], %get3A_504 {strides = array<i32>} : memref<128x128xf32, #tpu.memory_space<vmem>>, vector<16xf32>,
        %add3A_517 = arith.constant 3 : i32
        %add3A_518 = arith.addi %mul3A_140, %add3A_517 : i32
        %swap3A_519 = arith.index_cast %add3A_518 : i32 to index
        %swap3A_520 = arith.constant 112 : index
        %swap3A_521 = tpu.vector_load %arg9[%swap3A_519, %swap3A_520] {strides = array<i32>} : memref<128x128xf32, #tpu.memory_space<vmem>>, vector<16xf32>,
        tpu.vector_store %arg9[%swap3A_519, %swap3A_520], %get3A_511 {strides = array<i32>} : memref<128x128xf32, #tpu.memory_space<vmem>>, vector<16xf32>,
      }
      %scan3A_98 = arith.constant 32 : i32
      %mul3A_99 = arith.constant 128 : i32
      %mul3A_100 = arith.muli %add3A, %mul3A_99 : i32
      "tpu.region"() ({
        %run_scoped3A = tpu.sem_alloc : memref<!tpu.dma_semaphore, #tpu.memory_space<semaphore_mem>>
        %dma_start3A_101 = arith.constant 0 : i32
        %dma_start3A_102 = tpu.memref_slice %arg5[%scan3A_6, %mul3A_100, %dma_start3A_101] : memref<26x4096x128xf32, #tpu.memory_space<hbm>> -> memref<1x128x128xf32, #tpu.memory_space<hbm>>
        %dma_start3A_103 = tpu.memref_squeeze %dma_start3A_102 : memref<1x128x128xf32, #tpu.memory_space<hbm>> -> memref<128x128xf32, #tpu.memory_space<hbm>>
        %dma_start3A_104 = arith.constant 0 : i32
        %dma_start3A_105 = tpu.memref_slice %arg5[%scan3A_6, %mul3A_100, %dma_start3A_104] : memref<26x4096x128xf32, #tpu.memory_space<hbm>> -> memref<1x128x128xf32, #tpu.memory_space<hbm>>
        %dma_start3A_106 = tpu.memref_squeeze %dma_start3A_105 : memref<1x128x128xf32, #tpu.memory_space<hbm>> -> memref<128x128xf32, #tpu.memory_space<hbm>>
        tpu.enqueue_dma source(%arg9 : memref<128x128xf32, #tpu.memory_space<vmem>>) target(%dma_start3A_106 : memref<128x128xf32, #tpu.memory_space<hbm>>) target_semaphore(%run_scoped3A : memref<!tpu.dma_semaphore, #tpu.memory_space<semaphore_mem>>)
        %dma_wait3A_107 = arith.constant 0 : i32
        %dma_wait3A_108 = tpu.memref_slice %arg5[%scan3A_6, %mul3A_100, %dma_wait3A_107] : memref<26x4096x128xf32, #tpu.memory_space<hbm>> -> memref<1x128x128xf32, #tpu.memory_space<hbm>>
        %dma_wait3A_109 = tpu.memref_squeeze %dma_wait3A_108 : memref<1x128x128xf32, #tpu.memory_space<hbm>> -> memref<128x128xf32, #tpu.memory_space<hbm>>
        %dma_wait3A_110 = arith.constant 0 : i32
        %dma_wait3A_111 = tpu.memref_slice %arg5[%scan3A_6, %mul3A_100, %dma_wait3A_110] : memref<26x4096x128xf32, #tpu.memory_space<hbm>> -> memref<1x128x128xf32, #tpu.memory_space<hbm>>
        %dma_wait3A_112 = tpu.memref_squeeze %dma_wait3A_111 : memref<1x128x128xf32, #tpu.memory_space<hbm>> -> memref<128x128xf32, #tpu.memory_space<hbm>>
        tpu.wait_dma2 semaphore(%run_scoped3A : memref<!tpu.dma_semaphore, #tpu.memory_space<semaphore_mem>>) src(%arg9 : memref<128x128xf32, #tpu.memory_space<vmem>>) dst(%dma_wait3A_112 : memref<128x128xf32, #tpu.memory_space<hbm>>)
        tpu.yield
      }) : () -> ()
    }
    %scan3A_5 = arith.constant 26 : i32
    return
  }
}

#map = affine_map<(d0, d1) -> (0, 0)>
#map1 = affine_map<(d0, d1) -> (0, 0, 0)>
module attributes {stable_mosaic.version = 14 : i64} {
  func.func @sc_gather_ui(%arg0: i32, %arg1: i32, %arg2: memref<253952x128xf32, #tpu.memory_space<hbm>>, %arg3: memref<253952x128xf32, #tpu.memory_space<hbm>>, %arg4: memref<32x8x128xi32, #tpu.memory_space<hbm>>, %arg5: memref<32x8x128xi32, #tpu.memory_space<hbm>>, %arg6: memref<2x4096x128xf32, #tpu.memory_space<hbm>>, %arg7: memref<8x128xi32, #tpu.memory_space<vmem>>, %arg8: memref<8x128xi32, #tpu.memory_space<vmem>>, %arg9: memref<512x128xf32, #tpu.memory_space<vmem>>, %arg10: memref<128x128xf32, #tpu.memory_space<vmem>>, %arg11: memref<!tpu.dma_semaphore, #tpu.memory_space<semaphore_mem>>) attributes {dimension_semantics = [#tpu.dimension_semantics<core_parallel>, #tpu.dimension_semantics<subcore_parallel>], iteration_bounds = array<i64: 2, 16>, scalar_prefetch = 0 : i64, scratch_operands = 5 : i64, tpu.core_type = #tpu.core_type<sc_vector_subcore>, window_params = [{transform_indices = #map}, {transform_indices = #map}, {transform_indices = #map1}, {transform_indices = #map1}, {transform_indices = #map1}]} {
    %mul3A = arith.constant 2 : i32
    %mul3A_0 = arith.muli %arg1, %mul3A : i32
    %add3A = arith.addi %mul3A_0, %arg0 : i32
    "tpu.region"() ({
      %run_scoped3A_175 = tpu.sem_alloc : memref<!tpu.dma_semaphore, #tpu.memory_space<semaphore_mem>>
      %dma_start3A_176 = arith.constant 0 : i32
      %dma_start3A_177 = arith.constant 0 : i32
      %dma_start3A_178 = tpu.memref_slice %arg4[%add3A, %dma_start3A_176, %dma_start3A_177] : memref<32x8x128xi32, #tpu.memory_space<hbm>> -> memref<1x8x128xi32, #tpu.memory_space<hbm>>
      %dma_start3A_179 = tpu.memref_squeeze %dma_start3A_178 : memref<1x8x128xi32, #tpu.memory_space<hbm>> -> memref<8x128xi32, #tpu.memory_space<hbm>>
      %dma_start3A_180 = arith.constant 0 : i32
      %dma_start3A_181 = arith.constant 0 : i32
      %dma_start3A_182 = tpu.memref_slice %arg4[%add3A, %dma_start3A_180, %dma_start3A_181] : memref<32x8x128xi32, #tpu.memory_space<hbm>> -> memref<1x8x128xi32, #tpu.memory_space<hbm>>
      %dma_start3A_183 = tpu.memref_squeeze %dma_start3A_182 : memref<1x8x128xi32, #tpu.memory_space<hbm>> -> memref<8x128xi32, #tpu.memory_space<hbm>>
      tpu.enqueue_dma source(%dma_start3A_183 : memref<8x128xi32, #tpu.memory_space<hbm>>) target(%arg7 : memref<8x128xi32, #tpu.memory_space<vmem>>) target_semaphore(%run_scoped3A_175 : memref<!tpu.dma_semaphore, #tpu.memory_space<semaphore_mem>>)
      %dma_wait3A_184 = arith.constant 0 : i32
      %dma_wait3A_185 = arith.constant 0 : i32
      %dma_wait3A_186 = tpu.memref_slice %arg4[%add3A, %dma_wait3A_184, %dma_wait3A_185] : memref<32x8x128xi32, #tpu.memory_space<hbm>> -> memref<1x8x128xi32, #tpu.memory_space<hbm>>
      %dma_wait3A_187 = tpu.memref_squeeze %dma_wait3A_186 : memref<1x8x128xi32, #tpu.memory_space<hbm>> -> memref<8x128xi32, #tpu.memory_space<hbm>>
      %dma_wait3A_188 = arith.constant 0 : i32
      %dma_wait3A_189 = arith.constant 0 : i32
      %dma_wait3A_190 = tpu.memref_slice %arg4[%add3A, %dma_wait3A_188, %dma_wait3A_189] : memref<32x8x128xi32, #tpu.memory_space<hbm>> -> memref<1x8x128xi32, #tpu.memory_space<hbm>>
      %dma_wait3A_191 = tpu.memref_squeeze %dma_wait3A_190 : memref<1x8x128xi32, #tpu.memory_space<hbm>> -> memref<8x128xi32, #tpu.memory_space<hbm>>
      tpu.wait_dma2 semaphore(%run_scoped3A_175 : memref<!tpu.dma_semaphore, #tpu.memory_space<semaphore_mem>>) src(%dma_wait3A_191 : memref<8x128xi32, #tpu.memory_space<hbm>>) dst(%arg7 : memref<8x128xi32, #tpu.memory_space<vmem>>)
      tpu.yield
    }) : () -> ()
    "tpu.region"() ({
      %run_scoped3A_175 = tpu.sem_alloc : memref<!tpu.dma_semaphore, #tpu.memory_space<semaphore_mem>>
      %dma_start3A_176 = arith.constant 0 : i32
      %dma_start3A_177 = arith.constant 0 : i32
      %dma_start3A_178 = tpu.memref_slice %arg5[%add3A, %dma_start3A_176, %dma_start3A_177] : memref<32x8x128xi32, #tpu.memory_space<hbm>> -> memref<1x8x128xi32, #tpu.memory_space<hbm>>
      %dma_start3A_179 = tpu.memref_squeeze %dma_start3A_178 : memref<1x8x128xi32, #tpu.memory_space<hbm>> -> memref<8x128xi32, #tpu.memory_space<hbm>>
      %dma_start3A_180 = arith.constant 0 : i32
      %dma_start3A_181 = arith.constant 0 : i32
      %dma_start3A_182 = tpu.memref_slice %arg5[%add3A, %dma_start3A_180, %dma_start3A_181] : memref<32x8x128xi32, #tpu.memory_space<hbm>> -> memref<1x8x128xi32, #tpu.memory_space<hbm>>
      %dma_start3A_183 = tpu.memref_squeeze %dma_start3A_182 : memref<1x8x128xi32, #tpu.memory_space<hbm>> -> memref<8x128xi32, #tpu.memory_space<hbm>>
      tpu.enqueue_dma source(%dma_start3A_183 : memref<8x128xi32, #tpu.memory_space<hbm>>) target(%arg8 : memref<8x128xi32, #tpu.memory_space<vmem>>) target_semaphore(%run_scoped3A_175 : memref<!tpu.dma_semaphore, #tpu.memory_space<semaphore_mem>>)
      %dma_wait3A_184 = arith.constant 0 : i32
      %dma_wait3A_185 = arith.constant 0 : i32
      %dma_wait3A_186 = tpu.memref_slice %arg5[%add3A, %dma_wait3A_184, %dma_wait3A_185] : memref<32x8x128xi32, #tpu.memory_space<hbm>> -> memref<1x8x128xi32, #tpu.memory_space<hbm>>
      %dma_wait3A_187 = tpu.memref_squeeze %dma_wait3A_186 : memref<1x8x128xi32, #tpu.memory_space<hbm>> -> memref<8x128xi32, #tpu.memory_space<hbm>>
      %dma_wait3A_188 = arith.constant 0 : i32
      %dma_wait3A_189 = arith.constant 0 : i32
      %dma_wait3A_190 = tpu.memref_slice %arg5[%add3A, %dma_wait3A_188, %dma_wait3A_189] : memref<32x8x128xi32, #tpu.memory_space<hbm>> -> memref<1x8x128xi32, #tpu.memory_space<hbm>>
      %dma_wait3A_191 = tpu.memref_squeeze %dma_wait3A_190 : memref<1x8x128xi32, #tpu.memory_space<hbm>> -> memref<8x128xi32, #tpu.memory_space<hbm>>
      tpu.wait_dma2 semaphore(%run_scoped3A_175 : memref<!tpu.dma_semaphore, #tpu.memory_space<semaphore_mem>>) src(%dma_wait3A_191 : memref<8x128xi32, #tpu.memory_space<hbm>>) dst(%arg8 : memref<8x128xi32, #tpu.memory_space<vmem>>)
      tpu.yield
    }) : () -> ()
    %dma_start3A = arith.constant 0 : i32
    %dma_start3A_1 = arith.constant 0 : i32
    %dma_start3A_2 = arith.constant 0 : i32
    %dma_start3A_3 = tpu.memref_slice %arg9[%dma_start3A_1, %dma_start3A_2] : memref<512x128xf32, #tpu.memory_space<vmem>> -> memref<128x128xf32, #tpu.memory_space<vmem>>
    %dma_start3A_4 = arith.constant 0 : i32
    %dma_start3A_5 = tpu.memref_slice %arg7[%dma_start3A, %dma_start3A_4] : memref<8x128xi32, #tpu.memory_space<vmem>> -> memref<1x128xi32, #tpu.memory_space<vmem>>
    %dma_start3A_6 = tpu.memref_squeeze %dma_start3A_5 : memref<1x128xi32, #tpu.memory_space<vmem>> -> memref<128xi32, #tpu.memory_space<vmem>>
    %dma_start3A_7 = arith.constant 0 : i32
    %dma_start3A_8 = arith.constant 0 : i32
    %dma_start3A_9 = tpu.memref_slice %arg2[%dma_start3A_7, %dma_start3A_8] : memref<253952x128xf32, #tpu.memory_space<hbm>> -> memref<253952x128xf32, #tpu.memory_space<hbm>>
    tpu.enqueue_indirect_dma source(%dma_start3A_9 : memref<253952x128xf32, #tpu.memory_space<hbm>>) target(%dma_start3A_3 : memref<128x128xf32, #tpu.memory_space<vmem>>) offsets(%dma_start3A_6 : memref<128xi32, #tpu.memory_space<vmem>>) semaphore(%arg11 : memref<!tpu.dma_semaphore, #tpu.memory_space<semaphore_mem>>)
    %dma_start3A_10 = arith.constant 1 : i32
    %dma_start3A_11 = arith.constant 128 : i32
    %dma_start3A_12 = arith.constant 0 : i32
    %dma_start3A_13 = tpu.memref_slice %arg9[%dma_start3A_11, %dma_start3A_12] : memref<512x128xf32, #tpu.memory_space<vmem>> -> memref<128x128xf32, #tpu.memory_space<vmem>>
    %dma_start3A_14 = arith.constant 0 : i32
    %dma_start3A_15 = tpu.memref_slice %arg7[%dma_start3A_10, %dma_start3A_14] : memref<8x128xi32, #tpu.memory_space<vmem>> -> memref<1x128xi32, #tpu.memory_space<vmem>>
    %dma_start3A_16 = tpu.memref_squeeze %dma_start3A_15 : memref<1x128xi32, #tpu.memory_space<vmem>> -> memref<128xi32, #tpu.memory_space<vmem>>
    %dma_start3A_17 = arith.constant 0 : i32
    %dma_start3A_18 = arith.constant 0 : i32
    %dma_start3A_19 = tpu.memref_slice %arg2[%dma_start3A_17, %dma_start3A_18] : memref<253952x128xf32, #tpu.memory_space<hbm>> -> memref<253952x128xf32, #tpu.memory_space<hbm>>
    tpu.enqueue_indirect_dma source(%dma_start3A_19 : memref<253952x128xf32, #tpu.memory_space<hbm>>) target(%dma_start3A_13 : memref<128x128xf32, #tpu.memory_space<vmem>>) offsets(%dma_start3A_16 : memref<128xi32, #tpu.memory_space<vmem>>) semaphore(%arg11 : memref<!tpu.dma_semaphore, #tpu.memory_space<semaphore_mem>>)
    %dma_start3A_20 = arith.constant 2 : i32
    %dma_start3A_21 = arith.constant 256 : i32
    %dma_start3A_22 = arith.constant 0 : i32
    %dma_start3A_23 = tpu.memref_slice %arg9[%dma_start3A_21, %dma_start3A_22] : memref<512x128xf32, #tpu.memory_space<vmem>> -> memref<128x128xf32, #tpu.memory_space<vmem>>
    %dma_start3A_24 = arith.constant 0 : i32
    %dma_start3A_25 = tpu.memref_slice %arg7[%dma_start3A_20, %dma_start3A_24] : memref<8x128xi32, #tpu.memory_space<vmem>> -> memref<1x128xi32, #tpu.memory_space<vmem>>
    %dma_start3A_26 = tpu.memref_squeeze %dma_start3A_25 : memref<1x128xi32, #tpu.memory_space<vmem>> -> memref<128xi32, #tpu.memory_space<vmem>>
    %dma_start3A_27 = arith.constant 0 : i32
    %dma_start3A_28 = arith.constant 0 : i32
    %dma_start3A_29 = tpu.memref_slice %arg2[%dma_start3A_27, %dma_start3A_28] : memref<253952x128xf32, #tpu.memory_space<hbm>> -> memref<253952x128xf32, #tpu.memory_space<hbm>>
    tpu.enqueue_indirect_dma source(%dma_start3A_29 : memref<253952x128xf32, #tpu.memory_space<hbm>>) target(%dma_start3A_23 : memref<128x128xf32, #tpu.memory_space<vmem>>) offsets(%dma_start3A_26 : memref<128xi32, #tpu.memory_space<vmem>>) semaphore(%arg11 : memref<!tpu.dma_semaphore, #tpu.memory_space<semaphore_mem>>)
    %dma_start3A_30 = arith.constant 3 : i32
    %dma_start3A_31 = arith.constant 384 : i32
    %dma_start3A_32 = arith.constant 0 : i32
    %dma_start3A_33 = tpu.memref_slice %arg9[%dma_start3A_31, %dma_start3A_32] : memref<512x128xf32, #tpu.memory_space<vmem>> -> memref<128x128xf32, #tpu.memory_space<vmem>>
    %dma_start3A_34 = arith.constant 0 : i32
    %dma_start3A_35 = tpu.memref_slice %arg7[%dma_start3A_30, %dma_start3A_34] : memref<8x128xi32, #tpu.memory_space<vmem>> -> memref<1x128xi32, #tpu.memory_space<vmem>>
    %dma_start3A_36 = tpu.memref_squeeze %dma_start3A_35 : memref<1x128xi32, #tpu.memory_space<vmem>> -> memref<128xi32, #tpu.memory_space<vmem>>
    %dma_start3A_37 = arith.constant 0 : i32
    %dma_start3A_38 = arith.constant 0 : i32
    %dma_start3A_39 = tpu.memref_slice %arg2[%dma_start3A_37, %dma_start3A_38] : memref<253952x128xf32, #tpu.memory_space<hbm>> -> memref<253952x128xf32, #tpu.memory_space<hbm>>
    tpu.enqueue_indirect_dma source(%dma_start3A_39 : memref<253952x128xf32, #tpu.memory_space<hbm>>) target(%dma_start3A_33 : memref<128x128xf32, #tpu.memory_space<vmem>>) offsets(%dma_start3A_36 : memref<128xi32, #tpu.memory_space<vmem>>) semaphore(%arg11 : memref<!tpu.dma_semaphore, #tpu.memory_space<semaphore_mem>>)
    %dma_wait3A = arith.constant 0 : i32
    %dma_wait3A_40 = arith.constant 0 : i32
    %dma_wait3A_41 = arith.constant 0 : i32
    %dma_wait3A_42 = tpu.memref_slice %arg9[%dma_wait3A_40, %dma_wait3A_41] : memref<512x128xf32, #tpu.memory_space<vmem>> -> memref<128x128xf32, #tpu.memory_space<vmem>>
    %dma_wait3A_43 = arith.constant 0 : i32
    %dma_wait3A_44 = tpu.memref_slice %arg7[%dma_wait3A, %dma_wait3A_43] : memref<8x128xi32, #tpu.memory_space<vmem>> -> memref<1x128xi32, #tpu.memory_space<vmem>>
    %dma_wait3A_45 = tpu.memref_squeeze %dma_wait3A_44 : memref<1x128xi32, #tpu.memory_space<vmem>> -> memref<128xi32, #tpu.memory_space<vmem>>
    %dma_wait3A_46 = arith.constant 0 : i32
    %dma_wait3A_47 = arith.constant 0 : i32
    %dma_wait3A_48 = tpu.memref_slice %arg2[%dma_wait3A_46, %dma_wait3A_47] : memref<253952x128xf32, #tpu.memory_space<hbm>> -> memref<253952x128xf32, #tpu.memory_space<hbm>>
    tpu.wait_indirect_dma semaphore(%arg11 : memref<!tpu.dma_semaphore, #tpu.memory_space<semaphore_mem>>) src(%dma_wait3A_48 : memref<253952x128xf32, #tpu.memory_space<hbm>>) dst(%dma_wait3A_42 : memref<128x128xf32, #tpu.memory_space<vmem>>)
    %dma_wait3A_49 = arith.constant 1 : i32
    %dma_wait3A_50 = arith.constant 128 : i32
    %dma_wait3A_51 = arith.constant 0 : i32
    %dma_wait3A_52 = tpu.memref_slice %arg9[%dma_wait3A_50, %dma_wait3A_51] : memref<512x128xf32, #tpu.memory_space<vmem>> -> memref<128x128xf32, #tpu.memory_space<vmem>>
    %dma_wait3A_53 = arith.constant 0 : i32
    %dma_wait3A_54 = tpu.memref_slice %arg7[%dma_wait3A_49, %dma_wait3A_53] : memref<8x128xi32, #tpu.memory_space<vmem>> -> memref<1x128xi32, #tpu.memory_space<vmem>>
    %dma_wait3A_55 = tpu.memref_squeeze %dma_wait3A_54 : memref<1x128xi32, #tpu.memory_space<vmem>> -> memref<128xi32, #tpu.memory_space<vmem>>
    %dma_wait3A_56 = arith.constant 0 : i32
    %dma_wait3A_57 = arith.constant 0 : i32
    %dma_wait3A_58 = tpu.memref_slice %arg2[%dma_wait3A_56, %dma_wait3A_57] : memref<253952x128xf32, #tpu.memory_space<hbm>> -> memref<253952x128xf32, #tpu.memory_space<hbm>>
    tpu.wait_indirect_dma semaphore(%arg11 : memref<!tpu.dma_semaphore, #tpu.memory_space<semaphore_mem>>) src(%dma_wait3A_58 : memref<253952x128xf32, #tpu.memory_space<hbm>>) dst(%dma_wait3A_52 : memref<128x128xf32, #tpu.memory_space<vmem>>)
    %dma_wait3A_59 = arith.constant 2 : i32
    %dma_wait3A_60 = arith.constant 256 : i32
    %dma_wait3A_61 = arith.constant 0 : i32
    %dma_wait3A_62 = tpu.memref_slice %arg9[%dma_wait3A_60, %dma_wait3A_61] : memref<512x128xf32, #tpu.memory_space<vmem>> -> memref<128x128xf32, #tpu.memory_space<vmem>>
    %dma_wait3A_63 = arith.constant 0 : i32
    %dma_wait3A_64 = tpu.memref_slice %arg7[%dma_wait3A_59, %dma_wait3A_63] : memref<8x128xi32, #tpu.memory_space<vmem>> -> memref<1x128xi32, #tpu.memory_space<vmem>>
    %dma_wait3A_65 = tpu.memref_squeeze %dma_wait3A_64 : memref<1x128xi32, #tpu.memory_space<vmem>> -> memref<128xi32, #tpu.memory_space<vmem>>
    %dma_wait3A_66 = arith.constant 0 : i32
    %dma_wait3A_67 = arith.constant 0 : i32
    %dma_wait3A_68 = tpu.memref_slice %arg2[%dma_wait3A_66, %dma_wait3A_67] : memref<253952x128xf32, #tpu.memory_space<hbm>> -> memref<253952x128xf32, #tpu.memory_space<hbm>>
    tpu.wait_indirect_dma semaphore(%arg11 : memref<!tpu.dma_semaphore, #tpu.memory_space<semaphore_mem>>) src(%dma_wait3A_68 : memref<253952x128xf32, #tpu.memory_space<hbm>>) dst(%dma_wait3A_62 : memref<128x128xf32, #tpu.memory_space<vmem>>)
    %dma_wait3A_69 = arith.constant 3 : i32
    %dma_wait3A_70 = arith.constant 384 : i32
    %dma_wait3A_71 = arith.constant 0 : i32
    %dma_wait3A_72 = tpu.memref_slice %arg9[%dma_wait3A_70, %dma_wait3A_71] : memref<512x128xf32, #tpu.memory_space<vmem>> -> memref<128x128xf32, #tpu.memory_space<vmem>>
    %dma_wait3A_73 = arith.constant 0 : i32
    %dma_wait3A_74 = tpu.memref_slice %arg7[%dma_wait3A_69, %dma_wait3A_73] : memref<8x128xi32, #tpu.memory_space<vmem>> -> memref<1x128xi32, #tpu.memory_space<vmem>>
    %dma_wait3A_75 = tpu.memref_squeeze %dma_wait3A_74 : memref<1x128xi32, #tpu.memory_space<vmem>> -> memref<128xi32, #tpu.memory_space<vmem>>
    %dma_wait3A_76 = arith.constant 0 : i32
    %dma_wait3A_77 = arith.constant 0 : i32
    %dma_wait3A_78 = tpu.memref_slice %arg2[%dma_wait3A_76, %dma_wait3A_77] : memref<253952x128xf32, #tpu.memory_space<hbm>> -> memref<253952x128xf32, #tpu.memory_space<hbm>>
    tpu.wait_indirect_dma semaphore(%arg11 : memref<!tpu.dma_semaphore, #tpu.memory_space<semaphore_mem>>) src(%dma_wait3A_78 : memref<253952x128xf32, #tpu.memory_space<hbm>>) dst(%dma_wait3A_72 : memref<128x128xf32, #tpu.memory_space<vmem>>)
    %scan3A = arith.constant 0 : i32
    %scan3A_79 = arith.constant 0 : i32
    %scan3A_80 = arith.constant 32 : i32
    %scan3A_81 = arith.addi %scan3A_79, %scan3A_80 : i32
    %scan3A_82 = arith.constant 1 : i32
    scf.for %scan3A_175 = %scan3A_79 to %scan3A_81 step %scan3A_82  : i32 {
      %mul3A_176 = arith.constant 16 : i32
      %mul3A_177 = arith.muli %scan3A_175, %mul3A_176 : i32
      %jit3A = arith.constant 128 : i32
      %div3A = arith.divsi %mul3A_177, %jit3A : i32
      %sign3A = arith.constant 0 : i32
      %sign3A_178 = arith.cmpi sgt, %mul3A_177, %sign3A : i32
      %sign3A_179 = arith.extui %sign3A_178 : i1 to i32
      %sign3A_180 = arith.constant 0 : i32
      %sign3A_181 = arith.cmpi slt, %mul3A_177, %sign3A_180 : i32
      %sign3A_182 = arith.extui %sign3A_181 : i1 to i32
      %sign3A_183 = arith.subi %sign3A_179, %sign3A_182 : i32
      %sign3A_184 = arith.constant 0 : i32
      %sign3A_185 = arith.cmpi sgt, %jit3A, %sign3A_184 : i32
      %sign3A_186 = arith.extui %sign3A_185 : i1 to i32
      %sign3A_187 = arith.constant 0 : i32
      %sign3A_188 = arith.cmpi slt, %jit3A, %sign3A_187 : i32
      %sign3A_189 = arith.extui %sign3A_188 : i1 to i32
      %sign3A_190 = arith.subi %sign3A_186, %sign3A_189 : i32
      %ne3A = arith.cmpi ne, %sign3A_183, %sign3A_190 : i32
      %rem3A = arith.remsi %mul3A_177, %jit3A : i32
      %ne3A_191 = arith.constant 0 : i32
      %ne3A_192 = arith.cmpi ne, %rem3A, %ne3A_191 : i32
      %and3A = arith.andi %ne3A, %ne3A_192 : i1
      %sub3A = arith.constant 1 : i32
      %sub3A_193 = arith.subi %div3A, %sub3A : i32
      %select_n3A = arith.select %and3A, %sub3A_193, %div3A : i32
      %add3A_194 = arith.constant 0 : i32
      %add3A_195 = arith.addi %add3A_194, %select_n3A : i32
      %jit3A_196 = arith.constant 128 : i32
      %eq3A = arith.constant 0 : i32
      %eq3A_197 = arith.cmpi eq, %jit3A_196, %eq3A : i32
      %jit3A_198 = arith.constant 1 : i32
      %select_n3A_199 = arith.select %eq3A_197, %jit3A_198, %jit3A_196 : i32
      %rem3A_200 = arith.remsi %mul3A_177, %select_n3A_199 : i32
      %ne3A_201 = arith.constant 0 : i32
      %ne3A_202 = arith.cmpi ne, %rem3A_200, %ne3A_201 : i32
      %lt3A = arith.constant 0 : i32
      %lt3A_203 = arith.cmpi slt, %rem3A_200, %lt3A : i32
      %lt3A_204 = arith.constant 0 : i32
      %lt3A_205 = arith.cmpi slt, %select_n3A_199, %lt3A_204 : i32
      %ne3A_206 = arith.xori %lt3A_203, %lt3A_205 : i1
      %and3A_207 = arith.andi %ne3A_206, %ne3A_202 : i1
      %add3A_208 = arith.addi %rem3A_200, %select_n3A_199 : i32
      %select_n3A_209 = arith.select %and3A_207, %add3A_208, %rem3A_200 : i32
      %get3A = arith.index_cast %add3A_195 : i32 to index
      %get3A_210 = arith.index_cast %select_n3A_209 : i32 to index
      %get3A_211 = tpu.vector_load %arg8[%get3A, %get3A_210] {strides = array<i32>} : memref<8x128xi32, #tpu.memory_space<vmem>>, vector<16xi32>,
      %mul3A_212 = arith.constant 4 : i32
      %mul3A_213 = arith.muli %scan3A_175, %mul3A_212 : i32
      %slice3A = vector.extract_strided_slice %get3A_211 {offsets = [0], sizes = [1], strides = [1]} : vector<16xi32> to vector<1xi32>
      %squeeze3A = vector.extract %slice3A[0] : i32 from vector<1xi32>
      %add3A_214 = arith.constant 0 : i32
      %add3A_215 = arith.addi %mul3A_177, %add3A_214 : i32
      %get3A_216 = arith.index_cast %add3A_215 : i32 to index
      %get3A_217 = arith.index_cast %squeeze3A : i32 to index
      %get3A_218 = tpu.vector_load %arg9[%get3A_216, %get3A_217] {strides = array<i32>} : memref<512x128xf32, #tpu.memory_space<vmem>>, vector<16xf32>,
      %add3A_219 = arith.constant 0 : i32
      %add3A_220 = arith.addi %mul3A_177, %add3A_219 : i32
      %add3A_221 = arith.constant 16 : i32
      %add3A_222 = arith.addi %squeeze3A, %add3A_221 : i32
      %get3A_223 = arith.index_cast %add3A_220 : i32 to index
      %get3A_224 = arith.index_cast %add3A_222 : i32 to index
      %get3A_225 = tpu.vector_load %arg9[%get3A_223, %get3A_224] {strides = array<i32>} : memref<512x128xf32, #tpu.memory_space<vmem>>, vector<16xf32>,
      %add3A_226 = arith.constant 0 : i32
      %add3A_227 = arith.addi %mul3A_213, %add3A_226 : i32
      %swap3A = arith.index_cast %add3A_227 : i32 to index
      %swap3A_228 = arith.constant 0 : index
      %swap3A_229 = tpu.vector_load %arg10[%swap3A, %swap3A_228] {strides = array<i32>} : memref<128x128xf32, #tpu.memory_space<vmem>>, vector<16xf32>,
      tpu.vector_store %arg10[%swap3A, %swap3A_228], %get3A_218 {strides = array<i32>} : memref<128x128xf32, #tpu.memory_space<vmem>>, vector<16xf32>,
      %add3A_230 = arith.constant 0 : i32
      %add3A_231 = arith.addi %mul3A_213, %add3A_230 : i32
      %swap3A_232 = arith.index_cast %add3A_231 : i32 to index
      %swap3A_233 = arith.constant 16 : index
      %swap3A_234 = tpu.vector_load %arg10[%swap3A_232, %swap3A_233] {strides = array<i32>} : memref<128x128xf32, #tpu.memory_space<vmem>>, vector<16xf32>,
      tpu.vector_store %arg10[%swap3A_232, %swap3A_233], %get3A_225 {strides = array<i32>} : memref<128x128xf32, #tpu.memory_space<vmem>>, vector<16xf32>,
      %slice3A_235 = vector.extract_strided_slice %get3A_211 {offsets = [1], sizes = [1], strides = [1]} : vector<16xi32> to vector<1xi32>
      %squeeze3A_236 = vector.extract %slice3A_235[0] : i32 from vector<1xi32>
      %add3A_237 = arith.constant 1 : i32
      %add3A_238 = arith.addi %mul3A_177, %add3A_237 : i32
      %get3A_239 = arith.index_cast %add3A_238 : i32 to index
      %get3A_240 = arith.index_cast %squeeze3A_236 : i32 to index
      %get3A_241 = tpu.vector_load %arg9[%get3A_239, %get3A_240] {strides = array<i32>} : memref<512x128xf32, #tpu.memory_space<vmem>>, vector<16xf32>,
      %add3A_242 = arith.constant 1 : i32
      %add3A_243 = arith.addi %mul3A_177, %add3A_242 : i32
      %add3A_244 = arith.constant 16 : i32
      %add3A_245 = arith.addi %squeeze3A_236, %add3A_244 : i32
      %get3A_246 = arith.index_cast %add3A_243 : i32 to index
      %get3A_247 = arith.index_cast %add3A_245 : i32 to index
      %get3A_248 = tpu.vector_load %arg9[%get3A_246, %get3A_247] {strides = array<i32>} : memref<512x128xf32, #tpu.memory_space<vmem>>, vector<16xf32>,
      %add3A_249 = arith.constant 0 : i32
      %add3A_250 = arith.addi %mul3A_213, %add3A_249 : i32
      %swap3A_251 = arith.index_cast %add3A_250 : i32 to index
      %swap3A_252 = arith.constant 32 : index
      %swap3A_253 = tpu.vector_load %arg10[%swap3A_251, %swap3A_252] {strides = array<i32>} : memref<128x128xf32, #tpu.memory_space<vmem>>, vector<16xf32>,
      tpu.vector_store %arg10[%swap3A_251, %swap3A_252], %get3A_241 {strides = array<i32>} : memref<128x128xf32, #tpu.memory_space<vmem>>, vector<16xf32>,
      %add3A_254 = arith.constant 0 : i32
      %add3A_255 = arith.addi %mul3A_213, %add3A_254 : i32
      %swap3A_256 = arith.index_cast %add3A_255 : i32 to index
      %swap3A_257 = arith.constant 48 : index
      %swap3A_258 = tpu.vector_load %arg10[%swap3A_256, %swap3A_257] {strides = array<i32>} : memref<128x128xf32, #tpu.memory_space<vmem>>, vector<16xf32>,
      tpu.vector_store %arg10[%swap3A_256, %swap3A_257], %get3A_248 {strides = array<i32>} : memref<128x128xf32, #tpu.memory_space<vmem>>, vector<16xf32>,
      %slice3A_259 = vector.extract_strided_slice %get3A_211 {offsets = [2], sizes = [1], strides = [1]} : vector<16xi32> to vector<1xi32>
      %squeeze3A_260 = vector.extract %slice3A_259[0] : i32 from vector<1xi32>
      %add3A_261 = arith.constant 2 : i32
      %add3A_262 = arith.addi %mul3A_177, %add3A_261 : i32
      %get3A_263 = arith.index_cast %add3A_262 : i32 to index
      %get3A_264 = arith.index_cast %squeeze3A_260 : i32 to index
      %get3A_265 = tpu.vector_load %arg9[%get3A_263, %get3A_264] {strides = array<i32>} : memref<512x128xf32, #tpu.memory_space<vmem>>, vector<16xf32>,
      %add3A_266 = arith.constant 2 : i32
      %add3A_267 = arith.addi %mul3A_177, %add3A_266 : i32
      %add3A_268 = arith.constant 16 : i32
      %add3A_269 = arith.addi %squeeze3A_260, %add3A_268 : i32
      %get3A_270 = arith.index_cast %add3A_267 : i32 to index
      %get3A_271 = arith.index_cast %add3A_269 : i32 to index
      %get3A_272 = tpu.vector_load %arg9[%get3A_270, %get3A_271] {strides = array<i32>} : memref<512x128xf32, #tpu.memory_space<vmem>>, vector<16xf32>,
      %add3A_273 = arith.constant 0 : i32
      %add3A_274 = arith.addi %mul3A_213, %add3A_273 : i32
      %swap3A_275 = arith.index_cast %add3A_274 : i32 to index
      %swap3A_276 = arith.constant 64 : index
      %swap3A_277 = tpu.vector_load %arg10[%swap3A_275, %swap3A_276] {strides = array<i32>} : memref<128x128xf32, #tpu.memory_space<vmem>>, vector<16xf32>,
      tpu.vector_store %arg10[%swap3A_275, %swap3A_276], %get3A_265 {strides = array<i32>} : memref<128x128xf32, #tpu.memory_space<vmem>>, vector<16xf32>,
      %add3A_278 = arith.constant 0 : i32
      %add3A_279 = arith.addi %mul3A_213, %add3A_278 : i32
      %swap3A_280 = arith.index_cast %add3A_279 : i32 to index
      %swap3A_281 = arith.constant 80 : index
      %swap3A_282 = tpu.vector_load %arg10[%swap3A_280, %swap3A_281] {strides = array<i32>} : memref<128x128xf32, #tpu.memory_space<vmem>>, vector<16xf32>,
      tpu.vector_store %arg10[%swap3A_280, %swap3A_281], %get3A_272 {strides = array<i32>} : memref<128x128xf32, #tpu.memory_space<vmem>>, vector<16xf32>,
      %slice3A_283 = vector.extract_strided_slice %get3A_211 {offsets = [3], sizes = [1], strides = [1]} : vector<16xi32> to vector<1xi32>
      %squeeze3A_284 = vector.extract %slice3A_283[0] : i32 from vector<1xi32>
      %add3A_285 = arith.constant 3 : i32
      %add3A_286 = arith.addi %mul3A_177, %add3A_285 : i32
      %get3A_287 = arith.index_cast %add3A_286 : i32 to index
      %get3A_288 = arith.index_cast %squeeze3A_284 : i32 to index
      %get3A_289 = tpu.vector_load %arg9[%get3A_287, %get3A_288] {strides = array<i32>} : memref<512x128xf32, #tpu.memory_space<vmem>>, vector<16xf32>,
      %add3A_290 = arith.constant 3 : i32
      %add3A_291 = arith.addi %mul3A_177, %add3A_290 : i32
      %add3A_292 = arith.constant 16 : i32
      %add3A_293 = arith.addi %squeeze3A_284, %add3A_292 : i32
      %get3A_294 = arith.index_cast %add3A_291 : i32 to index
      %get3A_295 = arith.index_cast %add3A_293 : i32 to index
      %get3A_296 = tpu.vector_load %arg9[%get3A_294, %get3A_295] {strides = array<i32>} : memref<512x128xf32, #tpu.memory_space<vmem>>, vector<16xf32>,
      %add3A_297 = arith.constant 0 : i32
      %add3A_298 = arith.addi %mul3A_213, %add3A_297 : i32
      %swap3A_299 = arith.index_cast %add3A_298 : i32 to index
      %swap3A_300 = arith.constant 96 : index
      %swap3A_301 = tpu.vector_load %arg10[%swap3A_299, %swap3A_300] {strides = array<i32>} : memref<128x128xf32, #tpu.memory_space<vmem>>, vector<16xf32>,
      tpu.vector_store %arg10[%swap3A_299, %swap3A_300], %get3A_289 {strides = array<i32>} : memref<128x128xf32, #tpu.memory_space<vmem>>, vector<16xf32>,
      %add3A_302 = arith.constant 0 : i32
      %add3A_303 = arith.addi %mul3A_213, %add3A_302 : i32
      %swap3A_304 = arith.index_cast %add3A_303 : i32 to index
      %swap3A_305 = arith.constant 112 : index
      %swap3A_306 = tpu.vector_load %arg10[%swap3A_304, %swap3A_305] {strides = array<i32>} : memref<128x128xf32, #tpu.memory_space<vmem>>, vector<16xf32>,
      tpu.vector_store %arg10[%swap3A_304, %swap3A_305], %get3A_296 {strides = array<i32>} : memref<128x128xf32, #tpu.memory_space<vmem>>, vector<16xf32>,
      %slice3A_307 = vector.extract_strided_slice %get3A_211 {offsets = [4], sizes = [1], strides = [1]} : vector<16xi32> to vector<1xi32>
      %squeeze3A_308 = vector.extract %slice3A_307[0] : i32 from vector<1xi32>
      %add3A_309 = arith.constant 4 : i32
      %add3A_310 = arith.addi %mul3A_177, %add3A_309 : i32
      %get3A_311 = arith.index_cast %add3A_310 : i32 to index
      %get3A_312 = arith.index_cast %squeeze3A_308 : i32 to index
      %get3A_313 = tpu.vector_load %arg9[%get3A_311, %get3A_312] {strides = array<i32>} : memref<512x128xf32, #tpu.memory_space<vmem>>, vector<16xf32>,
      %add3A_314 = arith.constant 4 : i32
      %add3A_315 = arith.addi %mul3A_177, %add3A_314 : i32
      %add3A_316 = arith.constant 16 : i32
      %add3A_317 = arith.addi %squeeze3A_308, %add3A_316 : i32
      %get3A_318 = arith.index_cast %add3A_315 : i32 to index
      %get3A_319 = arith.index_cast %add3A_317 : i32 to index
      %get3A_320 = tpu.vector_load %arg9[%get3A_318, %get3A_319] {strides = array<i32>} : memref<512x128xf32, #tpu.memory_space<vmem>>, vector<16xf32>,
      %add3A_321 = arith.constant 1 : i32
      %add3A_322 = arith.addi %mul3A_213, %add3A_321 : i32
      %swap3A_323 = arith.index_cast %add3A_322 : i32 to index
      %swap3A_324 = arith.constant 0 : index
      %swap3A_325 = tpu.vector_load %arg10[%swap3A_323, %swap3A_324] {strides = array<i32>} : memref<128x128xf32, #tpu.memory_space<vmem>>, vector<16xf32>,
      tpu.vector_store %arg10[%swap3A_323, %swap3A_324], %get3A_313 {strides = array<i32>} : memref<128x128xf32, #tpu.memory_space<vmem>>, vector<16xf32>,
      %add3A_326 = arith.constant 1 : i32
      %add3A_327 = arith.addi %mul3A_213, %add3A_326 : i32
      %swap3A_328 = arith.index_cast %add3A_327 : i32 to index
      %swap3A_329 = arith.constant 16 : index
      %swap3A_330 = tpu.vector_load %arg10[%swap3A_328, %swap3A_329] {strides = array<i32>} : memref<128x128xf32, #tpu.memory_space<vmem>>, vector<16xf32>,
      tpu.vector_store %arg10[%swap3A_328, %swap3A_329], %get3A_320 {strides = array<i32>} : memref<128x128xf32, #tpu.memory_space<vmem>>, vector<16xf32>,
      %slice3A_331 = vector.extract_strided_slice %get3A_211 {offsets = [5], sizes = [1], strides = [1]} : vector<16xi32> to vector<1xi32>
      %squeeze3A_332 = vector.extract %slice3A_331[0] : i32 from vector<1xi32>
      %add3A_333 = arith.constant 5 : i32
      %add3A_334 = arith.addi %mul3A_177, %add3A_333 : i32
      %get3A_335 = arith.index_cast %add3A_334 : i32 to index
      %get3A_336 = arith.index_cast %squeeze3A_332 : i32 to index
      %get3A_337 = tpu.vector_load %arg9[%get3A_335, %get3A_336] {strides = array<i32>} : memref<512x128xf32, #tpu.memory_space<vmem>>, vector<16xf32>,
      %add3A_338 = arith.constant 5 : i32
      %add3A_339 = arith.addi %mul3A_177, %add3A_338 : i32
      %add3A_340 = arith.constant 16 : i32
      %add3A_341 = arith.addi %squeeze3A_332, %add3A_340 : i32
      %get3A_342 = arith.index_cast %add3A_339 : i32 to index
      %get3A_343 = arith.index_cast %add3A_341 : i32 to index
      %get3A_344 = tpu.vector_load %arg9[%get3A_342, %get3A_343] {strides = array<i32>} : memref<512x128xf32, #tpu.memory_space<vmem>>, vector<16xf32>,
      %add3A_345 = arith.constant 1 : i32
      %add3A_346 = arith.addi %mul3A_213, %add3A_345 : i32
      %swap3A_347 = arith.index_cast %add3A_346 : i32 to index
      %swap3A_348 = arith.constant 32 : index
      %swap3A_349 = tpu.vector_load %arg10[%swap3A_347, %swap3A_348] {strides = array<i32>} : memref<128x128xf32, #tpu.memory_space<vmem>>, vector<16xf32>,
      tpu.vector_store %arg10[%swap3A_347, %swap3A_348], %get3A_337 {strides = array<i32>} : memref<128x128xf32, #tpu.memory_space<vmem>>, vector<16xf32>,
      %add3A_350 = arith.constant 1 : i32
      %add3A_351 = arith.addi %mul3A_213, %add3A_350 : i32
      %swap3A_352 = arith.index_cast %add3A_351 : i32 to index
      %swap3A_353 = arith.constant 48 : index
      %swap3A_354 = tpu.vector_load %arg10[%swap3A_352, %swap3A_353] {strides = array<i32>} : memref<128x128xf32, #tpu.memory_space<vmem>>, vector<16xf32>,
      tpu.vector_store %arg10[%swap3A_352, %swap3A_353], %get3A_344 {strides = array<i32>} : memref<128x128xf32, #tpu.memory_space<vmem>>, vector<16xf32>,
      %slice3A_355 = vector.extract_strided_slice %get3A_211 {offsets = [6], sizes = [1], strides = [1]} : vector<16xi32> to vector<1xi32>
      %squeeze3A_356 = vector.extract %slice3A_355[0] : i32 from vector<1xi32>
      %add3A_357 = arith.constant 6 : i32
      %add3A_358 = arith.addi %mul3A_177, %add3A_357 : i32
      %get3A_359 = arith.index_cast %add3A_358 : i32 to index
      %get3A_360 = arith.index_cast %squeeze3A_356 : i32 to index
      %get3A_361 = tpu.vector_load %arg9[%get3A_359, %get3A_360] {strides = array<i32>} : memref<512x128xf32, #tpu.memory_space<vmem>>, vector<16xf32>,
      %add3A_362 = arith.constant 6 : i32
      %add3A_363 = arith.addi %mul3A_177, %add3A_362 : i32
      %add3A_364 = arith.constant 16 : i32
      %add3A_365 = arith.addi %squeeze3A_356, %add3A_364 : i32
      %get3A_366 = arith.index_cast %add3A_363 : i32 to index
      %get3A_367 = arith.index_cast %add3A_365 : i32 to index
      %get3A_368 = tpu.vector_load %arg9[%get3A_366, %get3A_367] {strides = array<i32>} : memref<512x128xf32, #tpu.memory_space<vmem>>, vector<16xf32>,
      %add3A_369 = arith.constant 1 : i32
      %add3A_370 = arith.addi %mul3A_213, %add3A_369 : i32
      %swap3A_371 = arith.index_cast %add3A_370 : i32 to index
      %swap3A_372 = arith.constant 64 : index
      %swap3A_373 = tpu.vector_load %arg10[%swap3A_371, %swap3A_372] {strides = array<i32>} : memref<128x128xf32, #tpu.memory_space<vmem>>, vector<16xf32>,
      tpu.vector_store %arg10[%swap3A_371, %swap3A_372], %get3A_361 {strides = array<i32>} : memref<128x128xf32, #tpu.memory_space<vmem>>, vector<16xf32>,
      %add3A_374 = arith.constant 1 : i32
      %add3A_375 = arith.addi %mul3A_213, %add3A_374 : i32
      %swap3A_376 = arith.index_cast %add3A_375 : i32 to index
      %swap3A_377 = arith.constant 80 : index
      %swap3A_378 = tpu.vector_load %arg10[%swap3A_376, %swap3A_377] {strides = array<i32>} : memref<128x128xf32, #tpu.memory_space<vmem>>, vector<16xf32>,
      tpu.vector_store %arg10[%swap3A_376, %swap3A_377], %get3A_368 {strides = array<i32>} : memref<128x128xf32, #tpu.memory_space<vmem>>, vector<16xf32>,
      %slice3A_379 = vector.extract_strided_slice %get3A_211 {offsets = [7], sizes = [1], strides = [1]} : vector<16xi32> to vector<1xi32>
      %squeeze3A_380 = vector.extract %slice3A_379[0] : i32 from vector<1xi32>
      %add3A_381 = arith.constant 7 : i32
      %add3A_382 = arith.addi %mul3A_177, %add3A_381 : i32
      %get3A_383 = arith.index_cast %add3A_382 : i32 to index
      %get3A_384 = arith.index_cast %squeeze3A_380 : i32 to index
      %get3A_385 = tpu.vector_load %arg9[%get3A_383, %get3A_384] {strides = array<i32>} : memref<512x128xf32, #tpu.memory_space<vmem>>, vector<16xf32>,
      %add3A_386 = arith.constant 7 : i32
      %add3A_387 = arith.addi %mul3A_177, %add3A_386 : i32
      %add3A_388 = arith.constant 16 : i32
      %add3A_389 = arith.addi %squeeze3A_380, %add3A_388 : i32
      %get3A_390 = arith.index_cast %add3A_387 : i32 to index
      %get3A_391 = arith.index_cast %add3A_389 : i32 to index
      %get3A_392 = tpu.vector_load %arg9[%get3A_390, %get3A_391] {strides = array<i32>} : memref<512x128xf32, #tpu.memory_space<vmem>>, vector<16xf32>,
      %add3A_393 = arith.constant 1 : i32
      %add3A_394 = arith.addi %mul3A_213, %add3A_393 : i32
      %swap3A_395 = arith.index_cast %add3A_394 : i32 to index
      %swap3A_396 = arith.constant 96 : index
      %swap3A_397 = tpu.vector_load %arg10[%swap3A_395, %swap3A_396] {strides = array<i32>} : memref<128x128xf32, #tpu.memory_space<vmem>>, vector<16xf32>,
      tpu.vector_store %arg10[%swap3A_395, %swap3A_396], %get3A_385 {strides = array<i32>} : memref<128x128xf32, #tpu.memory_space<vmem>>, vector<16xf32>,
      %add3A_398 = arith.constant 1 : i32
      %add3A_399 = arith.addi %mul3A_213, %add3A_398 : i32
      %swap3A_400 = arith.index_cast %add3A_399 : i32 to index
      %swap3A_401 = arith.constant 112 : index
      %swap3A_402 = tpu.vector_load %arg10[%swap3A_400, %swap3A_401] {strides = array<i32>} : memref<128x128xf32, #tpu.memory_space<vmem>>, vector<16xf32>,
      tpu.vector_store %arg10[%swap3A_400, %swap3A_401], %get3A_392 {strides = array<i32>} : memref<128x128xf32, #tpu.memory_space<vmem>>, vector<16xf32>,
      %slice3A_403 = vector.extract_strided_slice %get3A_211 {offsets = [8], sizes = [1], strides = [1]} : vector<16xi32> to vector<1xi32>
      %squeeze3A_404 = vector.extract %slice3A_403[0] : i32 from vector<1xi32>
      %add3A_405 = arith.constant 8 : i32
      %add3A_406 = arith.addi %mul3A_177, %add3A_405 : i32
      %get3A_407 = arith.index_cast %add3A_406 : i32 to index
      %get3A_408 = arith.index_cast %squeeze3A_404 : i32 to index
      %get3A_409 = tpu.vector_load %arg9[%get3A_407, %get3A_408] {strides = array<i32>} : memref<512x128xf32, #tpu.memory_space<vmem>>, vector<16xf32>,
      %add3A_410 = arith.constant 8 : i32
      %add3A_411 = arith.addi %mul3A_177, %add3A_410 : i32
      %add3A_412 = arith.constant 16 : i32
      %add3A_413 = arith.addi %squeeze3A_404, %add3A_412 : i32
      %get3A_414 = arith.index_cast %add3A_411 : i32 to index
      %get3A_415 = arith.index_cast %add3A_413 : i32 to index
      %get3A_416 = tpu.vector_load %arg9[%get3A_414, %get3A_415] {strides = array<i32>} : memref<512x128xf32, #tpu.memory_space<vmem>>, vector<16xf32>,
      %add3A_417 = arith.constant 2 : i32
      %add3A_418 = arith.addi %mul3A_213, %add3A_417 : i32
      %swap3A_419 = arith.index_cast %add3A_418 : i32 to index
      %swap3A_420 = arith.constant 0 : index
      %swap3A_421 = tpu.vector_load %arg10[%swap3A_419, %swap3A_420] {strides = array<i32>} : memref<128x128xf32, #tpu.memory_space<vmem>>, vector<16xf32>,
      tpu.vector_store %arg10[%swap3A_419, %swap3A_420], %get3A_409 {strides = array<i32>} : memref<128x128xf32, #tpu.memory_space<vmem>>, vector<16xf32>,
      %add3A_422 = arith.constant 2 : i32
      %add3A_423 = arith.addi %mul3A_213, %add3A_422 : i32
      %swap3A_424 = arith.index_cast %add3A_423 : i32 to index
      %swap3A_425 = arith.constant 16 : index
      %swap3A_426 = tpu.vector_load %arg10[%swap3A_424, %swap3A_425] {strides = array<i32>} : memref<128x128xf32, #tpu.memory_space<vmem>>, vector<16xf32>,
      tpu.vector_store %arg10[%swap3A_424, %swap3A_425], %get3A_416 {strides = array<i32>} : memref<128x128xf32, #tpu.memory_space<vmem>>, vector<16xf32>,
      %slice3A_427 = vector.extract_strided_slice %get3A_211 {offsets = [9], sizes = [1], strides = [1]} : vector<16xi32> to vector<1xi32>
      %squeeze3A_428 = vector.extract %slice3A_427[0] : i32 from vector<1xi32>
      %add3A_429 = arith.constant 9 : i32
      %add3A_430 = arith.addi %mul3A_177, %add3A_429 : i32
      %get3A_431 = arith.index_cast %add3A_430 : i32 to index
      %get3A_432 = arith.index_cast %squeeze3A_428 : i32 to index
      %get3A_433 = tpu.vector_load %arg9[%get3A_431, %get3A_432] {strides = array<i32>} : memref<512x128xf32, #tpu.memory_space<vmem>>, vector<16xf32>,
      %add3A_434 = arith.constant 9 : i32
      %add3A_435 = arith.addi %mul3A_177, %add3A_434 : i32
      %add3A_436 = arith.constant 16 : i32
      %add3A_437 = arith.addi %squeeze3A_428, %add3A_436 : i32
      %get3A_438 = arith.index_cast %add3A_435 : i32 to index
      %get3A_439 = arith.index_cast %add3A_437 : i32 to index
      %get3A_440 = tpu.vector_load %arg9[%get3A_438, %get3A_439] {strides = array<i32>} : memref<512x128xf32, #tpu.memory_space<vmem>>, vector<16xf32>,
      %add3A_441 = arith.constant 2 : i32
      %add3A_442 = arith.addi %mul3A_213, %add3A_441 : i32
      %swap3A_443 = arith.index_cast %add3A_442 : i32 to index
      %swap3A_444 = arith.constant 32 : index
      %swap3A_445 = tpu.vector_load %arg10[%swap3A_443, %swap3A_444] {strides = array<i32>} : memref<128x128xf32, #tpu.memory_space<vmem>>, vector<16xf32>,
      tpu.vector_store %arg10[%swap3A_443, %swap3A_444], %get3A_433 {strides = array<i32>} : memref<128x128xf32, #tpu.memory_space<vmem>>, vector<16xf32>,
      %add3A_446 = arith.constant 2 : i32
      %add3A_447 = arith.addi %mul3A_213, %add3A_446 : i32
      %swap3A_448 = arith.index_cast %add3A_447 : i32 to index
      %swap3A_449 = arith.constant 48 : index
      %swap3A_450 = tpu.vector_load %arg10[%swap3A_448, %swap3A_449] {strides = array<i32>} : memref<128x128xf32, #tpu.memory_space<vmem>>, vector<16xf32>,
      tpu.vector_store %arg10[%swap3A_448, %swap3A_449], %get3A_440 {strides = array<i32>} : memref<128x128xf32, #tpu.memory_space<vmem>>, vector<16xf32>,
      %slice3A_451 = vector.extract_strided_slice %get3A_211 {offsets = [10], sizes = [1], strides = [1]} : vector<16xi32> to vector<1xi32>
      %squeeze3A_452 = vector.extract %slice3A_451[0] : i32 from vector<1xi32>
      %add3A_453 = arith.constant 10 : i32
      %add3A_454 = arith.addi %mul3A_177, %add3A_453 : i32
      %get3A_455 = arith.index_cast %add3A_454 : i32 to index
      %get3A_456 = arith.index_cast %squeeze3A_452 : i32 to index
      %get3A_457 = tpu.vector_load %arg9[%get3A_455, %get3A_456] {strides = array<i32>} : memref<512x128xf32, #tpu.memory_space<vmem>>, vector<16xf32>,
      %add3A_458 = arith.constant 10 : i32
      %add3A_459 = arith.addi %mul3A_177, %add3A_458 : i32
      %add3A_460 = arith.constant 16 : i32
      %add3A_461 = arith.addi %squeeze3A_452, %add3A_460 : i32
      %get3A_462 = arith.index_cast %add3A_459 : i32 to index
      %get3A_463 = arith.index_cast %add3A_461 : i32 to index
      %get3A_464 = tpu.vector_load %arg9[%get3A_462, %get3A_463] {strides = array<i32>} : memref<512x128xf32, #tpu.memory_space<vmem>>, vector<16xf32>,
      %add3A_465 = arith.constant 2 : i32
      %add3A_466 = arith.addi %mul3A_213, %add3A_465 : i32
      %swap3A_467 = arith.index_cast %add3A_466 : i32 to index
      %swap3A_468 = arith.constant 64 : index
      %swap3A_469 = tpu.vector_load %arg10[%swap3A_467, %swap3A_468] {strides = array<i32>} : memref<128x128xf32, #tpu.memory_space<vmem>>, vector<16xf32>,
      tpu.vector_store %arg10[%swap3A_467, %swap3A_468], %get3A_457 {strides = array<i32>} : memref<128x128xf32, #tpu.memory_space<vmem>>, vector<16xf32>,
      %add3A_470 = arith.constant 2 : i32
      %add3A_471 = arith.addi %mul3A_213, %add3A_470 : i32
      %swap3A_472 = arith.index_cast %add3A_471 : i32 to index
      %swap3A_473 = arith.constant 80 : index
      %swap3A_474 = tpu.vector_load %arg10[%swap3A_472, %swap3A_473] {strides = array<i32>} : memref<128x128xf32, #tpu.memory_space<vmem>>, vector<16xf32>,
      tpu.vector_store %arg10[%swap3A_472, %swap3A_473], %get3A_464 {strides = array<i32>} : memref<128x128xf32, #tpu.memory_space<vmem>>, vector<16xf32>,
      %slice3A_475 = vector.extract_strided_slice %get3A_211 {offsets = [11], sizes = [1], strides = [1]} : vector<16xi32> to vector<1xi32>
      %squeeze3A_476 = vector.extract %slice3A_475[0] : i32 from vector<1xi32>
      %add3A_477 = arith.constant 11 : i32
      %add3A_478 = arith.addi %mul3A_177, %add3A_477 : i32
      %get3A_479 = arith.index_cast %add3A_478 : i32 to index
      %get3A_480 = arith.index_cast %squeeze3A_476 : i32 to index
      %get3A_481 = tpu.vector_load %arg9[%get3A_479, %get3A_480] {strides = array<i32>} : memref<512x128xf32, #tpu.memory_space<vmem>>, vector<16xf32>,
      %add3A_482 = arith.constant 11 : i32
      %add3A_483 = arith.addi %mul3A_177, %add3A_482 : i32
      %add3A_484 = arith.constant 16 : i32
      %add3A_485 = arith.addi %squeeze3A_476, %add3A_484 : i32
      %get3A_486 = arith.index_cast %add3A_483 : i32 to index
      %get3A_487 = arith.index_cast %add3A_485 : i32 to index
      %get3A_488 = tpu.vector_load %arg9[%get3A_486, %get3A_487] {strides = array<i32>} : memref<512x128xf32, #tpu.memory_space<vmem>>, vector<16xf32>,
      %add3A_489 = arith.constant 2 : i32
      %add3A_490 = arith.addi %mul3A_213, %add3A_489 : i32
      %swap3A_491 = arith.index_cast %add3A_490 : i32 to index
      %swap3A_492 = arith.constant 96 : index
      %swap3A_493 = tpu.vector_load %arg10[%swap3A_491, %swap3A_492] {strides = array<i32>} : memref<128x128xf32, #tpu.memory_space<vmem>>, vector<16xf32>,
      tpu.vector_store %arg10[%swap3A_491, %swap3A_492], %get3A_481 {strides = array<i32>} : memref<128x128xf32, #tpu.memory_space<vmem>>, vector<16xf32>,
      %add3A_494 = arith.constant 2 : i32
      %add3A_495 = arith.addi %mul3A_213, %add3A_494 : i32
      %swap3A_496 = arith.index_cast %add3A_495 : i32 to index
      %swap3A_497 = arith.constant 112 : index
      %swap3A_498 = tpu.vector_load %arg10[%swap3A_496, %swap3A_497] {strides = array<i32>} : memref<128x128xf32, #tpu.memory_space<vmem>>, vector<16xf32>,
      tpu.vector_store %arg10[%swap3A_496, %swap3A_497], %get3A_488 {strides = array<i32>} : memref<128x128xf32, #tpu.memory_space<vmem>>, vector<16xf32>,
      %slice3A_499 = vector.extract_strided_slice %get3A_211 {offsets = [12], sizes = [1], strides = [1]} : vector<16xi32> to vector<1xi32>
      %squeeze3A_500 = vector.extract %slice3A_499[0] : i32 from vector<1xi32>
      %add3A_501 = arith.constant 12 : i32
      %add3A_502 = arith.addi %mul3A_177, %add3A_501 : i32
      %get3A_503 = arith.index_cast %add3A_502 : i32 to index
      %get3A_504 = arith.index_cast %squeeze3A_500 : i32 to index
      %get3A_505 = tpu.vector_load %arg9[%get3A_503, %get3A_504] {strides = array<i32>} : memref<512x128xf32, #tpu.memory_space<vmem>>, vector<16xf32>,
      %add3A_506 = arith.constant 12 : i32
      %add3A_507 = arith.addi %mul3A_177, %add3A_506 : i32
      %add3A_508 = arith.constant 16 : i32
      %add3A_509 = arith.addi %squeeze3A_500, %add3A_508 : i32
      %get3A_510 = arith.index_cast %add3A_507 : i32 to index
      %get3A_511 = arith.index_cast %add3A_509 : i32 to index
      %get3A_512 = tpu.vector_load %arg9[%get3A_510, %get3A_511] {strides = array<i32>} : memref<512x128xf32, #tpu.memory_space<vmem>>, vector<16xf32>,
      %add3A_513 = arith.constant 3 : i32
      %add3A_514 = arith.addi %mul3A_213, %add3A_513 : i32
      %swap3A_515 = arith.index_cast %add3A_514 : i32 to index
      %swap3A_516 = arith.constant 0 : index
      %swap3A_517 = tpu.vector_load %arg10[%swap3A_515, %swap3A_516] {strides = array<i32>} : memref<128x128xf32, #tpu.memory_space<vmem>>, vector<16xf32>,
      tpu.vector_store %arg10[%swap3A_515, %swap3A_516], %get3A_505 {strides = array<i32>} : memref<128x128xf32, #tpu.memory_space<vmem>>, vector<16xf32>,
      %add3A_518 = arith.constant 3 : i32
      %add3A_519 = arith.addi %mul3A_213, %add3A_518 : i32
      %swap3A_520 = arith.index_cast %add3A_519 : i32 to index
      %swap3A_521 = arith.constant 16 : index
      %swap3A_522 = tpu.vector_load %arg10[%swap3A_520, %swap3A_521] {strides = array<i32>} : memref<128x128xf32, #tpu.memory_space<vmem>>, vector<16xf32>,
      tpu.vector_store %arg10[%swap3A_520, %swap3A_521], %get3A_512 {strides = array<i32>} : memref<128x128xf32, #tpu.memory_space<vmem>>, vector<16xf32>,
      %slice3A_523 = vector.extract_strided_slice %get3A_211 {offsets = [13], sizes = [1], strides = [1]} : vector<16xi32> to vector<1xi32>
      %squeeze3A_524 = vector.extract %slice3A_523[0] : i32 from vector<1xi32>
      %add3A_525 = arith.constant 13 : i32
      %add3A_526 = arith.addi %mul3A_177, %add3A_525 : i32
      %get3A_527 = arith.index_cast %add3A_526 : i32 to index
      %get3A_528 = arith.index_cast %squeeze3A_524 : i32 to index
      %get3A_529 = tpu.vector_load %arg9[%get3A_527, %get3A_528] {strides = array<i32>} : memref<512x128xf32, #tpu.memory_space<vmem>>, vector<16xf32>,
      %add3A_530 = arith.constant 13 : i32
      %add3A_531 = arith.addi %mul3A_177, %add3A_530 : i32
      %add3A_532 = arith.constant 16 : i32
      %add3A_533 = arith.addi %squeeze3A_524, %add3A_532 : i32
      %get3A_534 = arith.index_cast %add3A_531 : i32 to index
      %get3A_535 = arith.index_cast %add3A_533 : i32 to index
      %get3A_536 = tpu.vector_load %arg9[%get3A_534, %get3A_535] {strides = array<i32>} : memref<512x128xf32, #tpu.memory_space<vmem>>, vector<16xf32>,
      %add3A_537 = arith.constant 3 : i32
      %add3A_538 = arith.addi %mul3A_213, %add3A_537 : i32
      %swap3A_539 = arith.index_cast %add3A_538 : i32 to index
      %swap3A_540 = arith.constant 32 : index
      %swap3A_541 = tpu.vector_load %arg10[%swap3A_539, %swap3A_540] {strides = array<i32>} : memref<128x128xf32, #tpu.memory_space<vmem>>, vector<16xf32>,
      tpu.vector_store %arg10[%swap3A_539, %swap3A_540], %get3A_529 {strides = array<i32>} : memref<128x128xf32, #tpu.memory_space<vmem>>, vector<16xf32>,
      %add3A_542 = arith.constant 3 : i32
      %add3A_543 = arith.addi %mul3A_213, %add3A_542 : i32
      %swap3A_544 = arith.index_cast %add3A_543 : i32 to index
      %swap3A_545 = arith.constant 48 : index
      %swap3A_546 = tpu.vector_load %arg10[%swap3A_544, %swap3A_545] {strides = array<i32>} : memref<128x128xf32, #tpu.memory_space<vmem>>, vector<16xf32>,
      tpu.vector_store %arg10[%swap3A_544, %swap3A_545], %get3A_536 {strides = array<i32>} : memref<128x128xf32, #tpu.memory_space<vmem>>, vector<16xf32>,
      %slice3A_547 = vector.extract_strided_slice %get3A_211 {offsets = [14], sizes = [1], strides = [1]} : vector<16xi32> to vector<1xi32>
      %squeeze3A_548 = vector.extract %slice3A_547[0] : i32 from vector<1xi32>
      %add3A_549 = arith.constant 14 : i32
      %add3A_550 = arith.addi %mul3A_177, %add3A_549 : i32
      %get3A_551 = arith.index_cast %add3A_550 : i32 to index
      %get3A_552 = arith.index_cast %squeeze3A_548 : i32 to index
      %get3A_553 = tpu.vector_load %arg9[%get3A_551, %get3A_552] {strides = array<i32>} : memref<512x128xf32, #tpu.memory_space<vmem>>, vector<16xf32>,
      %add3A_554 = arith.constant 14 : i32
      %add3A_555 = arith.addi %mul3A_177, %add3A_554 : i32
      %add3A_556 = arith.constant 16 : i32
      %add3A_557 = arith.addi %squeeze3A_548, %add3A_556 : i32
      %get3A_558 = arith.index_cast %add3A_555 : i32 to index
      %get3A_559 = arith.index_cast %add3A_557 : i32 to index
      %get3A_560 = tpu.vector_load %arg9[%get3A_558, %get3A_559] {strides = array<i32>} : memref<512x128xf32, #tpu.memory_space<vmem>>, vector<16xf32>,
      %add3A_561 = arith.constant 3 : i32
      %add3A_562 = arith.addi %mul3A_213, %add3A_561 : i32
      %swap3A_563 = arith.index_cast %add3A_562 : i32 to index
      %swap3A_564 = arith.constant 64 : index
      %swap3A_565 = tpu.vector_load %arg10[%swap3A_563, %swap3A_564] {strides = array<i32>} : memref<128x128xf32, #tpu.memory_space<vmem>>, vector<16xf32>,
      tpu.vector_store %arg10[%swap3A_563, %swap3A_564], %get3A_553 {strides = array<i32>} : memref<128x128xf32, #tpu.memory_space<vmem>>, vector<16xf32>,
      %add3A_566 = arith.constant 3 : i32
      %add3A_567 = arith.addi %mul3A_213, %add3A_566 : i32
      %swap3A_568 = arith.index_cast %add3A_567 : i32 to index
      %swap3A_569 = arith.constant 80 : index
      %swap3A_570 = tpu.vector_load %arg10[%swap3A_568, %swap3A_569] {strides = array<i32>} : memref<128x128xf32, #tpu.memory_space<vmem>>, vector<16xf32>,
      tpu.vector_store %arg10[%swap3A_568, %swap3A_569], %get3A_560 {strides = array<i32>} : memref<128x128xf32, #tpu.memory_space<vmem>>, vector<16xf32>,
      %slice3A_571 = vector.extract_strided_slice %get3A_211 {offsets = [15], sizes = [1], strides = [1]} : vector<16xi32> to vector<1xi32>
      %squeeze3A_572 = vector.extract %slice3A_571[0] : i32 from vector<1xi32>
      %add3A_573 = arith.constant 15 : i32
      %add3A_574 = arith.addi %mul3A_177, %add3A_573 : i32
      %get3A_575 = arith.index_cast %add3A_574 : i32 to index
      %get3A_576 = arith.index_cast %squeeze3A_572 : i32 to index
      %get3A_577 = tpu.vector_load %arg9[%get3A_575, %get3A_576] {strides = array<i32>} : memref<512x128xf32, #tpu.memory_space<vmem>>, vector<16xf32>,
      %add3A_578 = arith.constant 15 : i32
      %add3A_579 = arith.addi %mul3A_177, %add3A_578 : i32
      %add3A_580 = arith.constant 16 : i32
      %add3A_581 = arith.addi %squeeze3A_572, %add3A_580 : i32
      %get3A_582 = arith.index_cast %add3A_579 : i32 to index
      %get3A_583 = arith.index_cast %add3A_581 : i32 to index
      %get3A_584 = tpu.vector_load %arg9[%get3A_582, %get3A_583] {strides = array<i32>} : memref<512x128xf32, #tpu.memory_space<vmem>>, vector<16xf32>,
      %add3A_585 = arith.constant 3 : i32
      %add3A_586 = arith.addi %mul3A_213, %add3A_585 : i32
      %swap3A_587 = arith.index_cast %add3A_586 : i32 to index
      %swap3A_588 = arith.constant 96 : index
      %swap3A_589 = tpu.vector_load %arg10[%swap3A_587, %swap3A_588] {strides = array<i32>} : memref<128x128xf32, #tpu.memory_space<vmem>>, vector<16xf32>,
      tpu.vector_store %arg10[%swap3A_587, %swap3A_588], %get3A_577 {strides = array<i32>} : memref<128x128xf32, #tpu.memory_space<vmem>>, vector<16xf32>,
      %add3A_590 = arith.constant 3 : i32
      %add3A_591 = arith.addi %mul3A_213, %add3A_590 : i32
      %swap3A_592 = arith.index_cast %add3A_591 : i32 to index
      %swap3A_593 = arith.constant 112 : index
      %swap3A_594 = tpu.vector_load %arg10[%swap3A_592, %swap3A_593] {strides = array<i32>} : memref<128x128xf32, #tpu.memory_space<vmem>>, vector<16xf32>,
      tpu.vector_store %arg10[%swap3A_592, %swap3A_593], %get3A_584 {strides = array<i32>} : memref<128x128xf32, #tpu.memory_space<vmem>>, vector<16xf32>,
    }
    %scan3A_83 = arith.constant 32 : i32
    %mul3A_84 = arith.constant 128 : i32
    %mul3A_85 = arith.muli %add3A, %mul3A_84 : i32
    %run_scoped3A = arith.constant 0 : i32
    "tpu.region"() ({
      %run_scoped3A_175 = tpu.sem_alloc : memref<!tpu.dma_semaphore, #tpu.memory_space<semaphore_mem>>
      %dma_start3A_176 = arith.constant 0 : i32
      %dma_start3A_177 = tpu.memref_slice %arg6[%run_scoped3A, %mul3A_85, %dma_start3A_176] : memref<2x4096x128xf32, #tpu.memory_space<hbm>> -> memref<1x128x128xf32, #tpu.memory_space<hbm>>
      %dma_start3A_178 = tpu.memref_squeeze %dma_start3A_177 : memref<1x128x128xf32, #tpu.memory_space<hbm>> -> memref<128x128xf32, #tpu.memory_space<hbm>>
      %dma_start3A_179 = arith.constant 0 : i32
      %dma_start3A_180 = tpu.memref_slice %arg6[%run_scoped3A, %mul3A_85, %dma_start3A_179] : memref<2x4096x128xf32, #tpu.memory_space<hbm>> -> memref<1x128x128xf32, #tpu.memory_space<hbm>>
      %dma_start3A_181 = tpu.memref_squeeze %dma_start3A_180 : memref<1x128x128xf32, #tpu.memory_space<hbm>> -> memref<128x128xf32, #tpu.memory_space<hbm>>
      tpu.enqueue_dma source(%arg10 : memref<128x128xf32, #tpu.memory_space<vmem>>) target(%dma_start3A_181 : memref<128x128xf32, #tpu.memory_space<hbm>>) target_semaphore(%run_scoped3A_175 : memref<!tpu.dma_semaphore, #tpu.memory_space<semaphore_mem>>)
      %dma_wait3A_182 = arith.constant 0 : i32
      %dma_wait3A_183 = tpu.memref_slice %arg6[%run_scoped3A, %mul3A_85, %dma_wait3A_182] : memref<2x4096x128xf32, #tpu.memory_space<hbm>> -> memref<1x128x128xf32, #tpu.memory_space<hbm>>
      %dma_wait3A_184 = tpu.memref_squeeze %dma_wait3A_183 : memref<1x128x128xf32, #tpu.memory_space<hbm>> -> memref<128x128xf32, #tpu.memory_space<hbm>>
      %dma_wait3A_185 = arith.constant 0 : i32
      %dma_wait3A_186 = tpu.memref_slice %arg6[%run_scoped3A, %mul3A_85, %dma_wait3A_185] : memref<2x4096x128xf32, #tpu.memory_space<hbm>> -> memref<1x128x128xf32, #tpu.memory_space<hbm>>
      %dma_wait3A_187 = tpu.memref_squeeze %dma_wait3A_186 : memref<1x128x128xf32, #tpu.memory_space<hbm>> -> memref<128x128xf32, #tpu.memory_space<hbm>>
      tpu.wait_dma2 semaphore(%run_scoped3A_175 : memref<!tpu.dma_semaphore, #tpu.memory_space<semaphore_mem>>) src(%arg10 : memref<128x128xf32, #tpu.memory_space<vmem>>) dst(%dma_wait3A_187 : memref<128x128xf32, #tpu.memory_space<hbm>>)
      tpu.yield
    }) : () -> ()
    %dma_start3A_86 = arith.constant 4 : i32
    %dma_start3A_87 = arith.constant 0 : i32
    %dma_start3A_88 = arith.constant 0 : i32
    %dma_start3A_89 = tpu.memref_slice %arg9[%dma_start3A_87, %dma_start3A_88] : memref<512x128xf32, #tpu.memory_space<vmem>> -> memref<128x128xf32, #tpu.memory_space<vmem>>
    %dma_start3A_90 = arith.constant 0 : i32
    %dma_start3A_91 = tpu.memref_slice %arg7[%dma_start3A_86, %dma_start3A_90] : memref<8x128xi32, #tpu.memory_space<vmem>> -> memref<1x128xi32, #tpu.memory_space<vmem>>
    %dma_start3A_92 = tpu.memref_squeeze %dma_start3A_91 : memref<1x128xi32, #tpu.memory_space<vmem>> -> memref<128xi32, #tpu.memory_space<vmem>>
    %dma_start3A_93 = arith.constant 0 : i32
    %dma_start3A_94 = arith.constant 0 : i32
    %dma_start3A_95 = tpu.memref_slice %arg3[%dma_start3A_93, %dma_start3A_94] : memref<253952x128xf32, #tpu.memory_space<hbm>> -> memref<253952x128xf32, #tpu.memory_space<hbm>>
    tpu.enqueue_indirect_dma source(%dma_start3A_95 : memref<253952x128xf32, #tpu.memory_space<hbm>>) target(%dma_start3A_89 : memref<128x128xf32, #tpu.memory_space<vmem>>) offsets(%dma_start3A_92 : memref<128xi32, #tpu.memory_space<vmem>>) semaphore(%arg11 : memref<!tpu.dma_semaphore, #tpu.memory_space<semaphore_mem>>)
    %dma_start3A_96 = arith.constant 5 : i32
    %dma_start3A_97 = arith.constant 128 : i32
    %dma_start3A_98 = arith.constant 0 : i32
    %dma_start3A_99 = tpu.memref_slice %arg9[%dma_start3A_97, %dma_start3A_98] : memref<512x128xf32, #tpu.memory_space<vmem>> -> memref<128x128xf32, #tpu.memory_space<vmem>>
    %dma_start3A_100 = arith.constant 0 : i32
    %dma_start3A_101 = tpu.memref_slice %arg7[%dma_start3A_96, %dma_start3A_100] : memref<8x128xi32, #tpu.memory_space<vmem>> -> memref<1x128xi32, #tpu.memory_space<vmem>>
    %dma_start3A_102 = tpu.memref_squeeze %dma_start3A_101 : memref<1x128xi32, #tpu.memory_space<vmem>> -> memref<128xi32, #tpu.memory_space<vmem>>
    %dma_start3A_103 = arith.constant 0 : i32
    %dma_start3A_104 = arith.constant 0 : i32
    %dma_start3A_105 = tpu.memref_slice %arg3[%dma_start3A_103, %dma_start3A_104] : memref<253952x128xf32, #tpu.memory_space<hbm>> -> memref<253952x128xf32, #tpu.memory_space<hbm>>
    tpu.enqueue_indirect_dma source(%dma_start3A_105 : memref<253952x128xf32, #tpu.memory_space<hbm>>) target(%dma_start3A_99 : memref<128x128xf32, #tpu.memory_space<vmem>>) offsets(%dma_start3A_102 : memref<128xi32, #tpu.memory_space<vmem>>) semaphore(%arg11 : memref<!tpu.dma_semaphore, #tpu.memory_space<semaphore_mem>>)
    %dma_start3A_106 = arith.constant 6 : i32
    %dma_start3A_107 = arith.constant 256 : i32
    %dma_start3A_108 = arith.constant 0 : i32
    %dma_start3A_109 = tpu.memref_slice %arg9[%dma_start3A_107, %dma_start3A_108] : memref<512x128xf32, #tpu.memory_space<vmem>> -> memref<128x128xf32, #tpu.memory_space<vmem>>
    %dma_start3A_110 = arith.constant 0 : i32
    %dma_start3A_111 = tpu.memref_slice %arg7[%dma_start3A_106, %dma_start3A_110] : memref<8x128xi32, #tpu.memory_space<vmem>> -> memref<1x128xi32, #tpu.memory_space<vmem>>
    %dma_start3A_112 = tpu.memref_squeeze %dma_start3A_111 : memref<1x128xi32, #tpu.memory_space<vmem>> -> memref<128xi32, #tpu.memory_space<vmem>>
    %dma_start3A_113 = arith.constant 0 : i32
    %dma_start3A_114 = arith.constant 0 : i32
    %dma_start3A_115 = tpu.memref_slice %arg3[%dma_start3A_113, %dma_start3A_114] : memref<253952x128xf32, #tpu.memory_space<hbm>> -> memref<253952x128xf32, #tpu.memory_space<hbm>>
    tpu.enqueue_indirect_dma source(%dma_start3A_115 : memref<253952x128xf32, #tpu.memory_space<hbm>>) target(%dma_start3A_109 : memref<128x128xf32, #tpu.memory_space<vmem>>) offsets(%dma_start3A_112 : memref<128xi32, #tpu.memory_space<vmem>>) semaphore(%arg11 : memref<!tpu.dma_semaphore, #tpu.memory_space<semaphore_mem>>)
    %dma_start3A_116 = arith.constant 7 : i32
    %dma_start3A_117 = arith.constant 384 : i32
    %dma_start3A_118 = arith.constant 0 : i32
    %dma_start3A_119 = tpu.memref_slice %arg9[%dma_start3A_117, %dma_start3A_118] : memref<512x128xf32, #tpu.memory_space<vmem>> -> memref<128x128xf32, #tpu.memory_space<vmem>>
    %dma_start3A_120 = arith.constant 0 : i32
    %dma_start3A_121 = tpu.memref_slice %arg7[%dma_start3A_116, %dma_start3A_120] : memref<8x128xi32, #tpu.memory_space<vmem>> -> memref<1x128xi32, #tpu.memory_space<vmem>>
    %dma_start3A_122 = tpu.memref_squeeze %dma_start3A_121 : memref<1x128xi32, #tpu.memory_space<vmem>> -> memref<128xi32, #tpu.memory_space<vmem>>
    %dma_start3A_123 = arith.constant 0 : i32
    %dma_start3A_124 = arith.constant 0 : i32
    %dma_start3A_125 = tpu.memref_slice %arg3[%dma_start3A_123, %dma_start3A_124] : memref<253952x128xf32, #tpu.memory_space<hbm>> -> memref<253952x128xf32, #tpu.memory_space<hbm>>
    tpu.enqueue_indirect_dma source(%dma_start3A_125 : memref<253952x128xf32, #tpu.memory_space<hbm>>) target(%dma_start3A_119 : memref<128x128xf32, #tpu.memory_space<vmem>>) offsets(%dma_start3A_122 : memref<128xi32, #tpu.memory_space<vmem>>) semaphore(%arg11 : memref<!tpu.dma_semaphore, #tpu.memory_space<semaphore_mem>>)
    %dma_wait3A_126 = arith.constant 4 : i32
    %dma_wait3A_127 = arith.constant 0 : i32
    %dma_wait3A_128 = arith.constant 0 : i32
    %dma_wait3A_129 = tpu.memref_slice %arg9[%dma_wait3A_127, %dma_wait3A_128] : memref<512x128xf32, #tpu.memory_space<vmem>> -> memref<128x128xf32, #tpu.memory_space<vmem>>
    %dma_wait3A_130 = arith.constant 0 : i32
    %dma_wait3A_131 = tpu.memref_slice %arg7[%dma_wait3A_126, %dma_wait3A_130] : memref<8x128xi32, #tpu.memory_space<vmem>> -> memref<1x128xi32, #tpu.memory_space<vmem>>
    %dma_wait3A_132 = tpu.memref_squeeze %dma_wait3A_131 : memref<1x128xi32, #tpu.memory_space<vmem>> -> memref<128xi32, #tpu.memory_space<vmem>>
    %dma_wait3A_133 = arith.constant 0 : i32
    %dma_wait3A_134 = arith.constant 0 : i32
    %dma_wait3A_135 = tpu.memref_slice %arg3[%dma_wait3A_133, %dma_wait3A_134] : memref<253952x128xf32, #tpu.memory_space<hbm>> -> memref<253952x128xf32, #tpu.memory_space<hbm>>
    tpu.wait_indirect_dma semaphore(%arg11 : memref<!tpu.dma_semaphore, #tpu.memory_space<semaphore_mem>>) src(%dma_wait3A_135 : memref<253952x128xf32, #tpu.memory_space<hbm>>) dst(%dma_wait3A_129 : memref<128x128xf32, #tpu.memory_space<vmem>>)
    %dma_wait3A_136 = arith.constant 5 : i32
    %dma_wait3A_137 = arith.constant 128 : i32
    %dma_wait3A_138 = arith.constant 0 : i32
    %dma_wait3A_139 = tpu.memref_slice %arg9[%dma_wait3A_137, %dma_wait3A_138] : memref<512x128xf32, #tpu.memory_space<vmem>> -> memref<128x128xf32, #tpu.memory_space<vmem>>
    %dma_wait3A_140 = arith.constant 0 : i32
    %dma_wait3A_141 = tpu.memref_slice %arg7[%dma_wait3A_136, %dma_wait3A_140] : memref<8x128xi32, #tpu.memory_space<vmem>> -> memref<1x128xi32, #tpu.memory_space<vmem>>
    %dma_wait3A_142 = tpu.memref_squeeze %dma_wait3A_141 : memref<1x128xi32, #tpu.memory_space<vmem>> -> memref<128xi32, #tpu.memory_space<vmem>>
    %dma_wait3A_143 = arith.constant 0 : i32
    %dma_wait3A_144 = arith.constant 0 : i32
    %dma_wait3A_145 = tpu.memref_slice %arg3[%dma_wait3A_143, %dma_wait3A_144] : memref<253952x128xf32, #tpu.memory_space<hbm>> -> memref<253952x128xf32, #tpu.memory_space<hbm>>
    tpu.wait_indirect_dma semaphore(%arg11 : memref<!tpu.dma_semaphore, #tpu.memory_space<semaphore_mem>>) src(%dma_wait3A_145 : memref<253952x128xf32, #tpu.memory_space<hbm>>) dst(%dma_wait3A_139 : memref<128x128xf32, #tpu.memory_space<vmem>>)
    %dma_wait3A_146 = arith.constant 6 : i32
    %dma_wait3A_147 = arith.constant 256 : i32
    %dma_wait3A_148 = arith.constant 0 : i32
    %dma_wait3A_149 = tpu.memref_slice %arg9[%dma_wait3A_147, %dma_wait3A_148] : memref<512x128xf32, #tpu.memory_space<vmem>> -> memref<128x128xf32, #tpu.memory_space<vmem>>
    %dma_wait3A_150 = arith.constant 0 : i32
    %dma_wait3A_151 = tpu.memref_slice %arg7[%dma_wait3A_146, %dma_wait3A_150] : memref<8x128xi32, #tpu.memory_space<vmem>> -> memref<1x128xi32, #tpu.memory_space<vmem>>
    %dma_wait3A_152 = tpu.memref_squeeze %dma_wait3A_151 : memref<1x128xi32, #tpu.memory_space<vmem>> -> memref<128xi32, #tpu.memory_space<vmem>>
    %dma_wait3A_153 = arith.constant 0 : i32
    %dma_wait3A_154 = arith.constant 0 : i32
    %dma_wait3A_155 = tpu.memref_slice %arg3[%dma_wait3A_153, %dma_wait3A_154] : memref<253952x128xf32, #tpu.memory_space<hbm>> -> memref<253952x128xf32, #tpu.memory_space<hbm>>
    tpu.wait_indirect_dma semaphore(%arg11 : memref<!tpu.dma_semaphore, #tpu.memory_space<semaphore_mem>>) src(%dma_wait3A_155 : memref<253952x128xf32, #tpu.memory_space<hbm>>) dst(%dma_wait3A_149 : memref<128x128xf32, #tpu.memory_space<vmem>>)
    %dma_wait3A_156 = arith.constant 7 : i32
    %dma_wait3A_157 = arith.constant 384 : i32
    %dma_wait3A_158 = arith.constant 0 : i32
    %dma_wait3A_159 = tpu.memref_slice %arg9[%dma_wait3A_157, %dma_wait3A_158] : memref<512x128xf32, #tpu.memory_space<vmem>> -> memref<128x128xf32, #tpu.memory_space<vmem>>
    %dma_wait3A_160 = arith.constant 0 : i32
    %dma_wait3A_161 = tpu.memref_slice %arg7[%dma_wait3A_156, %dma_wait3A_160] : memref<8x128xi32, #tpu.memory_space<vmem>> -> memref<1x128xi32, #tpu.memory_space<vmem>>
    %dma_wait3A_162 = tpu.memref_squeeze %dma_wait3A_161 : memref<1x128xi32, #tpu.memory_space<vmem>> -> memref<128xi32, #tpu.memory_space<vmem>>
    %dma_wait3A_163 = arith.constant 0 : i32
    %dma_wait3A_164 = arith.constant 0 : i32
    %dma_wait3A_165 = tpu.memref_slice %arg3[%dma_wait3A_163, %dma_wait3A_164] : memref<253952x128xf32, #tpu.memory_space<hbm>> -> memref<253952x128xf32, #tpu.memory_space<hbm>>
    tpu.wait_indirect_dma semaphore(%arg11 : memref<!tpu.dma_semaphore, #tpu.memory_space<semaphore_mem>>) src(%dma_wait3A_165 : memref<253952x128xf32, #tpu.memory_space<hbm>>) dst(%dma_wait3A_159 : memref<128x128xf32, #tpu.memory_space<vmem>>)
    %scan3A_166 = arith.constant 0 : i32
    %scan3A_167 = arith.constant 0 : i32
    %scan3A_168 = arith.constant 32 : i32
    %scan3A_169 = arith.addi %scan3A_167, %scan3A_168 : i32
    %scan3A_170 = arith.constant 1 : i32
    scf.for %scan3A_175 = %scan3A_167 to %scan3A_169 step %scan3A_170  : i32 {
      %mul3A_176 = arith.constant 16 : i32
      %mul3A_177 = arith.muli %scan3A_175, %mul3A_176 : i32
      %jit3A = arith.constant 128 : i32
      %div3A = arith.divsi %mul3A_177, %jit3A : i32
      %sign3A = arith.constant 0 : i32
      %sign3A_178 = arith.cmpi sgt, %mul3A_177, %sign3A : i32
      %sign3A_179 = arith.extui %sign3A_178 : i1 to i32
      %sign3A_180 = arith.constant 0 : i32
      %sign3A_181 = arith.cmpi slt, %mul3A_177, %sign3A_180 : i32
      %sign3A_182 = arith.extui %sign3A_181 : i1 to i32
      %sign3A_183 = arith.subi %sign3A_179, %sign3A_182 : i32
      %sign3A_184 = arith.constant 0 : i32
      %sign3A_185 = arith.cmpi sgt, %jit3A, %sign3A_184 : i32
      %sign3A_186 = arith.extui %sign3A_185 : i1 to i32
      %sign3A_187 = arith.constant 0 : i32
      %sign3A_188 = arith.cmpi slt, %jit3A, %sign3A_187 : i32
      %sign3A_189 = arith.extui %sign3A_188 : i1 to i32
      %sign3A_190 = arith.subi %sign3A_186, %sign3A_189 : i32
      %ne3A = arith.cmpi ne, %sign3A_183, %sign3A_190 : i32
      %rem3A = arith.remsi %mul3A_177, %jit3A : i32
      %ne3A_191 = arith.constant 0 : i32
      %ne3A_192 = arith.cmpi ne, %rem3A, %ne3A_191 : i32
      %and3A = arith.andi %ne3A, %ne3A_192 : i1
      %sub3A = arith.constant 1 : i32
      %sub3A_193 = arith.subi %div3A, %sub3A : i32
      %select_n3A = arith.select %and3A, %sub3A_193, %div3A : i32
      %add3A_194 = arith.constant 4 : i32
      %add3A_195 = arith.addi %add3A_194, %select_n3A : i32
      %jit3A_196 = arith.constant 128 : i32
      %eq3A = arith.constant 0 : i32
      %eq3A_197 = arith.cmpi eq, %jit3A_196, %eq3A : i32
      %jit3A_198 = arith.constant 1 : i32
      %select_n3A_199 = arith.select %eq3A_197, %jit3A_198, %jit3A_196 : i32
      %rem3A_200 = arith.remsi %mul3A_177, %select_n3A_199 : i32
      %ne3A_201 = arith.constant 0 : i32
      %ne3A_202 = arith.cmpi ne, %rem3A_200, %ne3A_201 : i32
      %lt3A = arith.constant 0 : i32
      %lt3A_203 = arith.cmpi slt, %rem3A_200, %lt3A : i32
      %lt3A_204 = arith.constant 0 : i32
      %lt3A_205 = arith.cmpi slt, %select_n3A_199, %lt3A_204 : i32
      %ne3A_206 = arith.xori %lt3A_203, %lt3A_205 : i1
      %and3A_207 = arith.andi %ne3A_206, %ne3A_202 : i1
      %add3A_208 = arith.addi %rem3A_200, %select_n3A_199 : i32
      %select_n3A_209 = arith.select %and3A_207, %add3A_208, %rem3A_200 : i32
      %get3A = arith.index_cast %add3A_195 : i32 to index
      %get3A_210 = arith.index_cast %select_n3A_209 : i32 to index
      %get3A_211 = tpu.vector_load %arg8[%get3A, %get3A_210] {strides = array<i32>} : memref<8x128xi32, #tpu.memory_space<vmem>>, vector<16xi32>,
      %mul3A_212 = arith.constant 4 : i32
      %mul3A_213 = arith.muli %scan3A_175, %mul3A_212 : i32
      %slice3A = vector.extract_strided_slice %get3A_211 {offsets = [0], sizes = [1], strides = [1]} : vector<16xi32> to vector<1xi32>
      %squeeze3A = vector.extract %slice3A[0] : i32 from vector<1xi32>
      %add3A_214 = arith.constant 0 : i32
      %add3A_215 = arith.addi %mul3A_177, %add3A_214 : i32
      %get3A_216 = arith.index_cast %add3A_215 : i32 to index
      %get3A_217 = arith.index_cast %squeeze3A : i32 to index
      %get3A_218 = tpu.vector_load %arg9[%get3A_216, %get3A_217] {strides = array<i32>} : memref<512x128xf32, #tpu.memory_space<vmem>>, vector<16xf32>,
      %add3A_219 = arith.constant 0 : i32
      %add3A_220 = arith.addi %mul3A_177, %add3A_219 : i32
      %add3A_221 = arith.constant 16 : i32
      %add3A_222 = arith.addi %squeeze3A, %add3A_221 : i32
      %get3A_223 = arith.index_cast %add3A_220 : i32 to index
      %get3A_224 = arith.index_cast %add3A_222 : i32 to index
      %get3A_225 = tpu.vector_load %arg9[%get3A_223, %get3A_224] {strides = array<i32>} : memref<512x128xf32, #tpu.memory_space<vmem>>, vector<16xf32>,
      %add3A_226 = arith.constant 0 : i32
      %add3A_227 = arith.addi %mul3A_213, %add3A_226 : i32
      %swap3A = arith.index_cast %add3A_227 : i32 to index
      %swap3A_228 = arith.constant 0 : index
      %swap3A_229 = tpu.vector_load %arg10[%swap3A, %swap3A_228] {strides = array<i32>} : memref<128x128xf32, #tpu.memory_space<vmem>>, vector<16xf32>,
      tpu.vector_store %arg10[%swap3A, %swap3A_228], %get3A_218 {strides = array<i32>} : memref<128x128xf32, #tpu.memory_space<vmem>>, vector<16xf32>,
      %add3A_230 = arith.constant 0 : i32
      %add3A_231 = arith.addi %mul3A_213, %add3A_230 : i32
      %swap3A_232 = arith.index_cast %add3A_231 : i32 to index
      %swap3A_233 = arith.constant 16 : index
      %swap3A_234 = tpu.vector_load %arg10[%swap3A_232, %swap3A_233] {strides = array<i32>} : memref<128x128xf32, #tpu.memory_space<vmem>>, vector<16xf32>,
      tpu.vector_store %arg10[%swap3A_232, %swap3A_233], %get3A_225 {strides = array<i32>} : memref<128x128xf32, #tpu.memory_space<vmem>>, vector<16xf32>,
      %slice3A_235 = vector.extract_strided_slice %get3A_211 {offsets = [1], sizes = [1], strides = [1]} : vector<16xi32> to vector<1xi32>
      %squeeze3A_236 = vector.extract %slice3A_235[0] : i32 from vector<1xi32>
      %add3A_237 = arith.constant 1 : i32
      %add3A_238 = arith.addi %mul3A_177, %add3A_237 : i32
      %get3A_239 = arith.index_cast %add3A_238 : i32 to index
      %get3A_240 = arith.index_cast %squeeze3A_236 : i32 to index
      %get3A_241 = tpu.vector_load %arg9[%get3A_239, %get3A_240] {strides = array<i32>} : memref<512x128xf32, #tpu.memory_space<vmem>>, vector<16xf32>,
      %add3A_242 = arith.constant 1 : i32
      %add3A_243 = arith.addi %mul3A_177, %add3A_242 : i32
      %add3A_244 = arith.constant 16 : i32
      %add3A_245 = arith.addi %squeeze3A_236, %add3A_244 : i32
      %get3A_246 = arith.index_cast %add3A_243 : i32 to index
      %get3A_247 = arith.index_cast %add3A_245 : i32 to index
      %get3A_248 = tpu.vector_load %arg9[%get3A_246, %get3A_247] {strides = array<i32>} : memref<512x128xf32, #tpu.memory_space<vmem>>, vector<16xf32>,
      %add3A_249 = arith.constant 0 : i32
      %add3A_250 = arith.addi %mul3A_213, %add3A_249 : i32
      %swap3A_251 = arith.index_cast %add3A_250 : i32 to index
      %swap3A_252 = arith.constant 32 : index
      %swap3A_253 = tpu.vector_load %arg10[%swap3A_251, %swap3A_252] {strides = array<i32>} : memref<128x128xf32, #tpu.memory_space<vmem>>, vector<16xf32>,
      tpu.vector_store %arg10[%swap3A_251, %swap3A_252], %get3A_241 {strides = array<i32>} : memref<128x128xf32, #tpu.memory_space<vmem>>, vector<16xf32>,
      %add3A_254 = arith.constant 0 : i32
      %add3A_255 = arith.addi %mul3A_213, %add3A_254 : i32
      %swap3A_256 = arith.index_cast %add3A_255 : i32 to index
      %swap3A_257 = arith.constant 48 : index
      %swap3A_258 = tpu.vector_load %arg10[%swap3A_256, %swap3A_257] {strides = array<i32>} : memref<128x128xf32, #tpu.memory_space<vmem>>, vector<16xf32>,
      tpu.vector_store %arg10[%swap3A_256, %swap3A_257], %get3A_248 {strides = array<i32>} : memref<128x128xf32, #tpu.memory_space<vmem>>, vector<16xf32>,
      %slice3A_259 = vector.extract_strided_slice %get3A_211 {offsets = [2], sizes = [1], strides = [1]} : vector<16xi32> to vector<1xi32>
      %squeeze3A_260 = vector.extract %slice3A_259[0] : i32 from vector<1xi32>
      %add3A_261 = arith.constant 2 : i32
      %add3A_262 = arith.addi %mul3A_177, %add3A_261 : i32
      %get3A_263 = arith.index_cast %add3A_262 : i32 to index
      %get3A_264 = arith.index_cast %squeeze3A_260 : i32 to index
      %get3A_265 = tpu.vector_load %arg9[%get3A_263, %get3A_264] {strides = array<i32>} : memref<512x128xf32, #tpu.memory_space<vmem>>, vector<16xf32>,
      %add3A_266 = arith.constant 2 : i32
      %add3A_267 = arith.addi %mul3A_177, %add3A_266 : i32
      %add3A_268 = arith.constant 16 : i32
      %add3A_269 = arith.addi %squeeze3A_260, %add3A_268 : i32
      %get3A_270 = arith.index_cast %add3A_267 : i32 to index
      %get3A_271 = arith.index_cast %add3A_269 : i32 to index
      %get3A_272 = tpu.vector_load %arg9[%get3A_270, %get3A_271] {strides = array<i32>} : memref<512x128xf32, #tpu.memory_space<vmem>>, vector<16xf32>,
      %add3A_273 = arith.constant 0 : i32
      %add3A_274 = arith.addi %mul3A_213, %add3A_273 : i32
      %swap3A_275 = arith.index_cast %add3A_274 : i32 to index
      %swap3A_276 = arith.constant 64 : index
      %swap3A_277 = tpu.vector_load %arg10[%swap3A_275, %swap3A_276] {strides = array<i32>} : memref<128x128xf32, #tpu.memory_space<vmem>>, vector<16xf32>,
      tpu.vector_store %arg10[%swap3A_275, %swap3A_276], %get3A_265 {strides = array<i32>} : memref<128x128xf32, #tpu.memory_space<vmem>>, vector<16xf32>,
      %add3A_278 = arith.constant 0 : i32
      %add3A_279 = arith.addi %mul3A_213, %add3A_278 : i32
      %swap3A_280 = arith.index_cast %add3A_279 : i32 to index
      %swap3A_281 = arith.constant 80 : index
      %swap3A_282 = tpu.vector_load %arg10[%swap3A_280, %swap3A_281] {strides = array<i32>} : memref<128x128xf32, #tpu.memory_space<vmem>>, vector<16xf32>,
      tpu.vector_store %arg10[%swap3A_280, %swap3A_281], %get3A_272 {strides = array<i32>} : memref<128x128xf32, #tpu.memory_space<vmem>>, vector<16xf32>,
      %slice3A_283 = vector.extract_strided_slice %get3A_211 {offsets = [3], sizes = [1], strides = [1]} : vector<16xi32> to vector<1xi32>
      %squeeze3A_284 = vector.extract %slice3A_283[0] : i32 from vector<1xi32>
      %add3A_285 = arith.constant 3 : i32
      %add3A_286 = arith.addi %mul3A_177, %add3A_285 : i32
      %get3A_287 = arith.index_cast %add3A_286 : i32 to index
      %get3A_288 = arith.index_cast %squeeze3A_284 : i32 to index
      %get3A_289 = tpu.vector_load %arg9[%get3A_287, %get3A_288] {strides = array<i32>} : memref<512x128xf32, #tpu.memory_space<vmem>>, vector<16xf32>,
      %add3A_290 = arith.constant 3 : i32
      %add3A_291 = arith.addi %mul3A_177, %add3A_290 : i32
      %add3A_292 = arith.constant 16 : i32
      %add3A_293 = arith.addi %squeeze3A_284, %add3A_292 : i32
      %get3A_294 = arith.index_cast %add3A_291 : i32 to index
      %get3A_295 = arith.index_cast %add3A_293 : i32 to index
      %get3A_296 = tpu.vector_load %arg9[%get3A_294, %get3A_295] {strides = array<i32>} : memref<512x128xf32, #tpu.memory_space<vmem>>, vector<16xf32>,
      %add3A_297 = arith.constant 0 : i32
      %add3A_298 = arith.addi %mul3A_213, %add3A_297 : i32
      %swap3A_299 = arith.index_cast %add3A_298 : i32 to index
      %swap3A_300 = arith.constant 96 : index
      %swap3A_301 = tpu.vector_load %arg10[%swap3A_299, %swap3A_300] {strides = array<i32>} : memref<128x128xf32, #tpu.memory_space<vmem>>, vector<16xf32>,
      tpu.vector_store %arg10[%swap3A_299, %swap3A_300], %get3A_289 {strides = array<i32>} : memref<128x128xf32, #tpu.memory_space<vmem>>, vector<16xf32>,
      %add3A_302 = arith.constant 0 : i32
      %add3A_303 = arith.addi %mul3A_213, %add3A_302 : i32
      %swap3A_304 = arith.index_cast %add3A_303 : i32 to index
      %swap3A_305 = arith.constant 112 : index
      %swap3A_306 = tpu.vector_load %arg10[%swap3A_304, %swap3A_305] {strides = array<i32>} : memref<128x128xf32, #tpu.memory_space<vmem>>, vector<16xf32>,
      tpu.vector_store %arg10[%swap3A_304, %swap3A_305], %get3A_296 {strides = array<i32>} : memref<128x128xf32, #tpu.memory_space<vmem>>, vector<16xf32>,
      %slice3A_307 = vector.extract_strided_slice %get3A_211 {offsets = [4], sizes = [1], strides = [1]} : vector<16xi32> to vector<1xi32>
      %squeeze3A_308 = vector.extract %slice3A_307[0] : i32 from vector<1xi32>
      %add3A_309 = arith.constant 4 : i32
      %add3A_310 = arith.addi %mul3A_177, %add3A_309 : i32
      %get3A_311 = arith.index_cast %add3A_310 : i32 to index
      %get3A_312 = arith.index_cast %squeeze3A_308 : i32 to index
      %get3A_313 = tpu.vector_load %arg9[%get3A_311, %get3A_312] {strides = array<i32>} : memref<512x128xf32, #tpu.memory_space<vmem>>, vector<16xf32>,
      %add3A_314 = arith.constant 4 : i32
      %add3A_315 = arith.addi %mul3A_177, %add3A_314 : i32
      %add3A_316 = arith.constant 16 : i32
      %add3A_317 = arith.addi %squeeze3A_308, %add3A_316 : i32
      %get3A_318 = arith.index_cast %add3A_315 : i32 to index
      %get3A_319 = arith.index_cast %add3A_317 : i32 to index
      %get3A_320 = tpu.vector_load %arg9[%get3A_318, %get3A_319] {strides = array<i32>} : memref<512x128xf32, #tpu.memory_space<vmem>>, vector<16xf32>,
      %add3A_321 = arith.constant 1 : i32
      %add3A_322 = arith.addi %mul3A_213, %add3A_321 : i32
      %swap3A_323 = arith.index_cast %add3A_322 : i32 to index
      %swap3A_324 = arith.constant 0 : index
      %swap3A_325 = tpu.vector_load %arg10[%swap3A_323, %swap3A_324] {strides = array<i32>} : memref<128x128xf32, #tpu.memory_space<vmem>>, vector<16xf32>,
      tpu.vector_store %arg10[%swap3A_323, %swap3A_324], %get3A_313 {strides = array<i32>} : memref<128x128xf32, #tpu.memory_space<vmem>>, vector<16xf32>,
      %add3A_326 = arith.constant 1 : i32
      %add3A_327 = arith.addi %mul3A_213, %add3A_326 : i32
      %swap3A_328 = arith.index_cast %add3A_327 : i32 to index
      %swap3A_329 = arith.constant 16 : index
      %swap3A_330 = tpu.vector_load %arg10[%swap3A_328, %swap3A_329] {strides = array<i32>} : memref<128x128xf32, #tpu.memory_space<vmem>>, vector<16xf32>,
      tpu.vector_store %arg10[%swap3A_328, %swap3A_329], %get3A_320 {strides = array<i32>} : memref<128x128xf32, #tpu.memory_space<vmem>>, vector<16xf32>,
      %slice3A_331 = vector.extract_strided_slice %get3A_211 {offsets = [5], sizes = [1], strides = [1]} : vector<16xi32> to vector<1xi32>
      %squeeze3A_332 = vector.extract %slice3A_331[0] : i32 from vector<1xi32>
      %add3A_333 = arith.constant 5 : i32
      %add3A_334 = arith.addi %mul3A_177, %add3A_333 : i32
      %get3A_335 = arith.index_cast %add3A_334 : i32 to index
      %get3A_336 = arith.index_cast %squeeze3A_332 : i32 to index
      %get3A_337 = tpu.vector_load %arg9[%get3A_335, %get3A_336] {strides = array<i32>} : memref<512x128xf32, #tpu.memory_space<vmem>>, vector<16xf32>,
      %add3A_338 = arith.constant 5 : i32
      %add3A_339 = arith.addi %mul3A_177, %add3A_338 : i32
      %add3A_340 = arith.constant 16 : i32
      %add3A_341 = arith.addi %squeeze3A_332, %add3A_340 : i32
      %get3A_342 = arith.index_cast %add3A_339 : i32 to index
      %get3A_343 = arith.index_cast %add3A_341 : i32 to index
      %get3A_344 = tpu.vector_load %arg9[%get3A_342, %get3A_343] {strides = array<i32>} : memref<512x128xf32, #tpu.memory_space<vmem>>, vector<16xf32>,
      %add3A_345 = arith.constant 1 : i32
      %add3A_346 = arith.addi %mul3A_213, %add3A_345 : i32
      %swap3A_347 = arith.index_cast %add3A_346 : i32 to index
      %swap3A_348 = arith.constant 32 : index
      %swap3A_349 = tpu.vector_load %arg10[%swap3A_347, %swap3A_348] {strides = array<i32>} : memref<128x128xf32, #tpu.memory_space<vmem>>, vector<16xf32>,
      tpu.vector_store %arg10[%swap3A_347, %swap3A_348], %get3A_337 {strides = array<i32>} : memref<128x128xf32, #tpu.memory_space<vmem>>, vector<16xf32>,
      %add3A_350 = arith.constant 1 : i32
      %add3A_351 = arith.addi %mul3A_213, %add3A_350 : i32
      %swap3A_352 = arith.index_cast %add3A_351 : i32 to index
      %swap3A_353 = arith.constant 48 : index
      %swap3A_354 = tpu.vector_load %arg10[%swap3A_352, %swap3A_353] {strides = array<i32>} : memref<128x128xf32, #tpu.memory_space<vmem>>, vector<16xf32>,
      tpu.vector_store %arg10[%swap3A_352, %swap3A_353], %get3A_344 {strides = array<i32>} : memref<128x128xf32, #tpu.memory_space<vmem>>, vector<16xf32>,
      %slice3A_355 = vector.extract_strided_slice %get3A_211 {offsets = [6], sizes = [1], strides = [1]} : vector<16xi32> to vector<1xi32>
      %squeeze3A_356 = vector.extract %slice3A_355[0] : i32 from vector<1xi32>
      %add3A_357 = arith.constant 6 : i32
      %add3A_358 = arith.addi %mul3A_177, %add3A_357 : i32
      %get3A_359 = arith.index_cast %add3A_358 : i32 to index
      %get3A_360 = arith.index_cast %squeeze3A_356 : i32 to index
      %get3A_361 = tpu.vector_load %arg9[%get3A_359, %get3A_360] {strides = array<i32>} : memref<512x128xf32, #tpu.memory_space<vmem>>, vector<16xf32>,
      %add3A_362 = arith.constant 6 : i32
      %add3A_363 = arith.addi %mul3A_177, %add3A_362 : i32
      %add3A_364 = arith.constant 16 : i32
      %add3A_365 = arith.addi %squeeze3A_356, %add3A_364 : i32
      %get3A_366 = arith.index_cast %add3A_363 : i32 to index
      %get3A_367 = arith.index_cast %add3A_365 : i32 to index
      %get3A_368 = tpu.vector_load %arg9[%get3A_366, %get3A_367] {strides = array<i32>} : memref<512x128xf32, #tpu.memory_space<vmem>>, vector<16xf32>,
      %add3A_369 = arith.constant 1 : i32
      %add3A_370 = arith.addi %mul3A_213, %add3A_369 : i32
      %swap3A_371 = arith.index_cast %add3A_370 : i32 to index
      %swap3A_372 = arith.constant 64 : index
      %swap3A_373 = tpu.vector_load %arg10[%swap3A_371, %swap3A_372] {strides = array<i32>} : memref<128x128xf32, #tpu.memory_space<vmem>>, vector<16xf32>,
      tpu.vector_store %arg10[%swap3A_371, %swap3A_372], %get3A_361 {strides = array<i32>} : memref<128x128xf32, #tpu.memory_space<vmem>>, vector<16xf32>,
      %add3A_374 = arith.constant 1 : i32
      %add3A_375 = arith.addi %mul3A_213, %add3A_374 : i32
      %swap3A_376 = arith.index_cast %add3A_375 : i32 to index
      %swap3A_377 = arith.constant 80 : index
      %swap3A_378 = tpu.vector_load %arg10[%swap3A_376, %swap3A_377] {strides = array<i32>} : memref<128x128xf32, #tpu.memory_space<vmem>>, vector<16xf32>,
      tpu.vector_store %arg10[%swap3A_376, %swap3A_377], %get3A_368 {strides = array<i32>} : memref<128x128xf32, #tpu.memory_space<vmem>>, vector<16xf32>,
      %slice3A_379 = vector.extract_strided_slice %get3A_211 {offsets = [7], sizes = [1], strides = [1]} : vector<16xi32> to vector<1xi32>
      %squeeze3A_380 = vector.extract %slice3A_379[0] : i32 from vector<1xi32>
      %add3A_381 = arith.constant 7 : i32
      %add3A_382 = arith.addi %mul3A_177, %add3A_381 : i32
      %get3A_383 = arith.index_cast %add3A_382 : i32 to index
      %get3A_384 = arith.index_cast %squeeze3A_380 : i32 to index
      %get3A_385 = tpu.vector_load %arg9[%get3A_383, %get3A_384] {strides = array<i32>} : memref<512x128xf32, #tpu.memory_space<vmem>>, vector<16xf32>,
      %add3A_386 = arith.constant 7 : i32
      %add3A_387 = arith.addi %mul3A_177, %add3A_386 : i32
      %add3A_388 = arith.constant 16 : i32
      %add3A_389 = arith.addi %squeeze3A_380, %add3A_388 : i32
      %get3A_390 = arith.index_cast %add3A_387 : i32 to index
      %get3A_391 = arith.index_cast %add3A_389 : i32 to index
      %get3A_392 = tpu.vector_load %arg9[%get3A_390, %get3A_391] {strides = array<i32>} : memref<512x128xf32, #tpu.memory_space<vmem>>, vector<16xf32>,
      %add3A_393 = arith.constant 1 : i32
      %add3A_394 = arith.addi %mul3A_213, %add3A_393 : i32
      %swap3A_395 = arith.index_cast %add3A_394 : i32 to index
      %swap3A_396 = arith.constant 96 : index
      %swap3A_397 = tpu.vector_load %arg10[%swap3A_395, %swap3A_396] {strides = array<i32>} : memref<128x128xf32, #tpu.memory_space<vmem>>, vector<16xf32>,
      tpu.vector_store %arg10[%swap3A_395, %swap3A_396], %get3A_385 {strides = array<i32>} : memref<128x128xf32, #tpu.memory_space<vmem>>, vector<16xf32>,
      %add3A_398 = arith.constant 1 : i32
      %add3A_399 = arith.addi %mul3A_213, %add3A_398 : i32
      %swap3A_400 = arith.index_cast %add3A_399 : i32 to index
      %swap3A_401 = arith.constant 112 : index
      %swap3A_402 = tpu.vector_load %arg10[%swap3A_400, %swap3A_401] {strides = array<i32>} : memref<128x128xf32, #tpu.memory_space<vmem>>, vector<16xf32>,
      tpu.vector_store %arg10[%swap3A_400, %swap3A_401], %get3A_392 {strides = array<i32>} : memref<128x128xf32, #tpu.memory_space<vmem>>, vector<16xf32>,
      %slice3A_403 = vector.extract_strided_slice %get3A_211 {offsets = [8], sizes = [1], strides = [1]} : vector<16xi32> to vector<1xi32>
      %squeeze3A_404 = vector.extract %slice3A_403[0] : i32 from vector<1xi32>
      %add3A_405 = arith.constant 8 : i32
      %add3A_406 = arith.addi %mul3A_177, %add3A_405 : i32
      %get3A_407 = arith.index_cast %add3A_406 : i32 to index
      %get3A_408 = arith.index_cast %squeeze3A_404 : i32 to index
      %get3A_409 = tpu.vector_load %arg9[%get3A_407, %get3A_408] {strides = array<i32>} : memref<512x128xf32, #tpu.memory_space<vmem>>, vector<16xf32>,
      %add3A_410 = arith.constant 8 : i32
      %add3A_411 = arith.addi %mul3A_177, %add3A_410 : i32
      %add3A_412 = arith.constant 16 : i32
      %add3A_413 = arith.addi %squeeze3A_404, %add3A_412 : i32
      %get3A_414 = arith.index_cast %add3A_411 : i32 to index
      %get3A_415 = arith.index_cast %add3A_413 : i32 to index
      %get3A_416 = tpu.vector_load %arg9[%get3A_414, %get3A_415] {strides = array<i32>} : memref<512x128xf32, #tpu.memory_space<vmem>>, vector<16xf32>,
      %add3A_417 = arith.constant 2 : i32
      %add3A_418 = arith.addi %mul3A_213, %add3A_417 : i32
      %swap3A_419 = arith.index_cast %add3A_418 : i32 to index
      %swap3A_420 = arith.constant 0 : index
      %swap3A_421 = tpu.vector_load %arg10[%swap3A_419, %swap3A_420] {strides = array<i32>} : memref<128x128xf32, #tpu.memory_space<vmem>>, vector<16xf32>,
      tpu.vector_store %arg10[%swap3A_419, %swap3A_420], %get3A_409 {strides = array<i32>} : memref<128x128xf32, #tpu.memory_space<vmem>>, vector<16xf32>,
      %add3A_422 = arith.constant 2 : i32
      %add3A_423 = arith.addi %mul3A_213, %add3A_422 : i32
      %swap3A_424 = arith.index_cast %add3A_423 : i32 to index
      %swap3A_425 = arith.constant 16 : index
      %swap3A_426 = tpu.vector_load %arg10[%swap3A_424, %swap3A_425] {strides = array<i32>} : memref<128x128xf32, #tpu.memory_space<vmem>>, vector<16xf32>,
      tpu.vector_store %arg10[%swap3A_424, %swap3A_425], %get3A_416 {strides = array<i32>} : memref<128x128xf32, #tpu.memory_space<vmem>>, vector<16xf32>,
      %slice3A_427 = vector.extract_strided_slice %get3A_211 {offsets = [9], sizes = [1], strides = [1]} : vector<16xi32> to vector<1xi32>
      %squeeze3A_428 = vector.extract %slice3A_427[0] : i32 from vector<1xi32>
      %add3A_429 = arith.constant 9 : i32
      %add3A_430 = arith.addi %mul3A_177, %add3A_429 : i32
      %get3A_431 = arith.index_cast %add3A_430 : i32 to index
      %get3A_432 = arith.index_cast %squeeze3A_428 : i32 to index
      %get3A_433 = tpu.vector_load %arg9[%get3A_431, %get3A_432] {strides = array<i32>} : memref<512x128xf32, #tpu.memory_space<vmem>>, vector<16xf32>,
      %add3A_434 = arith.constant 9 : i32
      %add3A_435 = arith.addi %mul3A_177, %add3A_434 : i32
      %add3A_436 = arith.constant 16 : i32
      %add3A_437 = arith.addi %squeeze3A_428, %add3A_436 : i32
      %get3A_438 = arith.index_cast %add3A_435 : i32 to index
      %get3A_439 = arith.index_cast %add3A_437 : i32 to index
      %get3A_440 = tpu.vector_load %arg9[%get3A_438, %get3A_439] {strides = array<i32>} : memref<512x128xf32, #tpu.memory_space<vmem>>, vector<16xf32>,
      %add3A_441 = arith.constant 2 : i32
      %add3A_442 = arith.addi %mul3A_213, %add3A_441 : i32
      %swap3A_443 = arith.index_cast %add3A_442 : i32 to index
      %swap3A_444 = arith.constant 32 : index
      %swap3A_445 = tpu.vector_load %arg10[%swap3A_443, %swap3A_444] {strides = array<i32>} : memref<128x128xf32, #tpu.memory_space<vmem>>, vector<16xf32>,
      tpu.vector_store %arg10[%swap3A_443, %swap3A_444], %get3A_433 {strides = array<i32>} : memref<128x128xf32, #tpu.memory_space<vmem>>, vector<16xf32>,
      %add3A_446 = arith.constant 2 : i32
      %add3A_447 = arith.addi %mul3A_213, %add3A_446 : i32
      %swap3A_448 = arith.index_cast %add3A_447 : i32 to index
      %swap3A_449 = arith.constant 48 : index
      %swap3A_450 = tpu.vector_load %arg10[%swap3A_448, %swap3A_449] {strides = array<i32>} : memref<128x128xf32, #tpu.memory_space<vmem>>, vector<16xf32>,
      tpu.vector_store %arg10[%swap3A_448, %swap3A_449], %get3A_440 {strides = array<i32>} : memref<128x128xf32, #tpu.memory_space<vmem>>, vector<16xf32>,
      %slice3A_451 = vector.extract_strided_slice %get3A_211 {offsets = [10], sizes = [1], strides = [1]} : vector<16xi32> to vector<1xi32>
      %squeeze3A_452 = vector.extract %slice3A_451[0] : i32 from vector<1xi32>
      %add3A_453 = arith.constant 10 : i32
      %add3A_454 = arith.addi %mul3A_177, %add3A_453 : i32
      %get3A_455 = arith.index_cast %add3A_454 : i32 to index
      %get3A_456 = arith.index_cast %squeeze3A_452 : i32 to index
      %get3A_457 = tpu.vector_load %arg9[%get3A_455, %get3A_456] {strides = array<i32>} : memref<512x128xf32, #tpu.memory_space<vmem>>, vector<16xf32>,
      %add3A_458 = arith.constant 10 : i32
      %add3A_459 = arith.addi %mul3A_177, %add3A_458 : i32
      %add3A_460 = arith.constant 16 : i32
      %add3A_461 = arith.addi %squeeze3A_452, %add3A_460 : i32
      %get3A_462 = arith.index_cast %add3A_459 : i32 to index
      %get3A_463 = arith.index_cast %add3A_461 : i32 to index
      %get3A_464 = tpu.vector_load %arg9[%get3A_462, %get3A_463] {strides = array<i32>} : memref<512x128xf32, #tpu.memory_space<vmem>>, vector<16xf32>,
      %add3A_465 = arith.constant 2 : i32
      %add3A_466 = arith.addi %mul3A_213, %add3A_465 : i32
      %swap3A_467 = arith.index_cast %add3A_466 : i32 to index
      %swap3A_468 = arith.constant 64 : index
      %swap3A_469 = tpu.vector_load %arg10[%swap3A_467, %swap3A_468] {strides = array<i32>} : memref<128x128xf32, #tpu.memory_space<vmem>>, vector<16xf32>,
      tpu.vector_store %arg10[%swap3A_467, %swap3A_468], %get3A_457 {strides = array<i32>} : memref<128x128xf32, #tpu.memory_space<vmem>>, vector<16xf32>,
      %add3A_470 = arith.constant 2 : i32
      %add3A_471 = arith.addi %mul3A_213, %add3A_470 : i32
      %swap3A_472 = arith.index_cast %add3A_471 : i32 to index
      %swap3A_473 = arith.constant 80 : index
      %swap3A_474 = tpu.vector_load %arg10[%swap3A_472, %swap3A_473] {strides = array<i32>} : memref<128x128xf32, #tpu.memory_space<vmem>>, vector<16xf32>,
      tpu.vector_store %arg10[%swap3A_472, %swap3A_473], %get3A_464 {strides = array<i32>} : memref<128x128xf32, #tpu.memory_space<vmem>>, vector<16xf32>,
      %slice3A_475 = vector.extract_strided_slice %get3A_211 {offsets = [11], sizes = [1], strides = [1]} : vector<16xi32> to vector<1xi32>
      %squeeze3A_476 = vector.extract %slice3A_475[0] : i32 from vector<1xi32>
      %add3A_477 = arith.constant 11 : i32
      %add3A_478 = arith.addi %mul3A_177, %add3A_477 : i32
      %get3A_479 = arith.index_cast %add3A_478 : i32 to index
      %get3A_480 = arith.index_cast %squeeze3A_476 : i32 to index
      %get3A_481 = tpu.vector_load %arg9[%get3A_479, %get3A_480] {strides = array<i32>} : memref<512x128xf32, #tpu.memory_space<vmem>>, vector<16xf32>,
      %add3A_482 = arith.constant 11 : i32
      %add3A_483 = arith.addi %mul3A_177, %add3A_482 : i32
      %add3A_484 = arith.constant 16 : i32
      %add3A_485 = arith.addi %squeeze3A_476, %add3A_484 : i32
      %get3A_486 = arith.index_cast %add3A_483 : i32 to index
      %get3A_487 = arith.index_cast %add3A_485 : i32 to index
      %get3A_488 = tpu.vector_load %arg9[%get3A_486, %get3A_487] {strides = array<i32>} : memref<512x128xf32, #tpu.memory_space<vmem>>, vector<16xf32>,
      %add3A_489 = arith.constant 2 : i32
      %add3A_490 = arith.addi %mul3A_213, %add3A_489 : i32
      %swap3A_491 = arith.index_cast %add3A_490 : i32 to index
      %swap3A_492 = arith.constant 96 : index
      %swap3A_493 = tpu.vector_load %arg10[%swap3A_491, %swap3A_492] {strides = array<i32>} : memref<128x128xf32, #tpu.memory_space<vmem>>, vector<16xf32>,
      tpu.vector_store %arg10[%swap3A_491, %swap3A_492], %get3A_481 {strides = array<i32>} : memref<128x128xf32, #tpu.memory_space<vmem>>, vector<16xf32>,
      %add3A_494 = arith.constant 2 : i32
      %add3A_495 = arith.addi %mul3A_213, %add3A_494 : i32
      %swap3A_496 = arith.index_cast %add3A_495 : i32 to index
      %swap3A_497 = arith.constant 112 : index
      %swap3A_498 = tpu.vector_load %arg10[%swap3A_496, %swap3A_497] {strides = array<i32>} : memref<128x128xf32, #tpu.memory_space<vmem>>, vector<16xf32>,
      tpu.vector_store %arg10[%swap3A_496, %swap3A_497], %get3A_488 {strides = array<i32>} : memref<128x128xf32, #tpu.memory_space<vmem>>, vector<16xf32>,
      %slice3A_499 = vector.extract_strided_slice %get3A_211 {offsets = [12], sizes = [1], strides = [1]} : vector<16xi32> to vector<1xi32>
      %squeeze3A_500 = vector.extract %slice3A_499[0] : i32 from vector<1xi32>
      %add3A_501 = arith.constant 12 : i32
      %add3A_502 = arith.addi %mul3A_177, %add3A_501 : i32
      %get3A_503 = arith.index_cast %add3A_502 : i32 to index
      %get3A_504 = arith.index_cast %squeeze3A_500 : i32 to index
      %get3A_505 = tpu.vector_load %arg9[%get3A_503, %get3A_504] {strides = array<i32>} : memref<512x128xf32, #tpu.memory_space<vmem>>, vector<16xf32>,
      %add3A_506 = arith.constant 12 : i32
      %add3A_507 = arith.addi %mul3A_177, %add3A_506 : i32
      %add3A_508 = arith.constant 16 : i32
      %add3A_509 = arith.addi %squeeze3A_500, %add3A_508 : i32
      %get3A_510 = arith.index_cast %add3A_507 : i32 to index
      %get3A_511 = arith.index_cast %add3A_509 : i32 to index
      %get3A_512 = tpu.vector_load %arg9[%get3A_510, %get3A_511] {strides = array<i32>} : memref<512x128xf32, #tpu.memory_space<vmem>>, vector<16xf32>,
      %add3A_513 = arith.constant 3 : i32
      %add3A_514 = arith.addi %mul3A_213, %add3A_513 : i32
      %swap3A_515 = arith.index_cast %add3A_514 : i32 to index
      %swap3A_516 = arith.constant 0 : index
      %swap3A_517 = tpu.vector_load %arg10[%swap3A_515, %swap3A_516] {strides = array<i32>} : memref<128x128xf32, #tpu.memory_space<vmem>>, vector<16xf32>,
      tpu.vector_store %arg10[%swap3A_515, %swap3A_516], %get3A_505 {strides = array<i32>} : memref<128x128xf32, #tpu.memory_space<vmem>>, vector<16xf32>,
      %add3A_518 = arith.constant 3 : i32
      %add3A_519 = arith.addi %mul3A_213, %add3A_518 : i32
      %swap3A_520 = arith.index_cast %add3A_519 : i32 to index
      %swap3A_521 = arith.constant 16 : index
      %swap3A_522 = tpu.vector_load %arg10[%swap3A_520, %swap3A_521] {strides = array<i32>} : memref<128x128xf32, #tpu.memory_space<vmem>>, vector<16xf32>,
      tpu.vector_store %arg10[%swap3A_520, %swap3A_521], %get3A_512 {strides = array<i32>} : memref<128x128xf32, #tpu.memory_space<vmem>>, vector<16xf32>,
      %slice3A_523 = vector.extract_strided_slice %get3A_211 {offsets = [13], sizes = [1], strides = [1]} : vector<16xi32> to vector<1xi32>
      %squeeze3A_524 = vector.extract %slice3A_523[0] : i32 from vector<1xi32>
      %add3A_525 = arith.constant 13 : i32
      %add3A_526 = arith.addi %mul3A_177, %add3A_525 : i32
      %get3A_527 = arith.index_cast %add3A_526 : i32 to index
      %get3A_528 = arith.index_cast %squeeze3A_524 : i32 to index
      %get3A_529 = tpu.vector_load %arg9[%get3A_527, %get3A_528] {strides = array<i32>} : memref<512x128xf32, #tpu.memory_space<vmem>>, vector<16xf32>,
      %add3A_530 = arith.constant 13 : i32
      %add3A_531 = arith.addi %mul3A_177, %add3A_530 : i32
      %add3A_532 = arith.constant 16 : i32
      %add3A_533 = arith.addi %squeeze3A_524, %add3A_532 : i32
      %get3A_534 = arith.index_cast %add3A_531 : i32 to index
      %get3A_535 = arith.index_cast %add3A_533 : i32 to index
      %get3A_536 = tpu.vector_load %arg9[%get3A_534, %get3A_535] {strides = array<i32>} : memref<512x128xf32, #tpu.memory_space<vmem>>, vector<16xf32>,
      %add3A_537 = arith.constant 3 : i32
      %add3A_538 = arith.addi %mul3A_213, %add3A_537 : i32
      %swap3A_539 = arith.index_cast %add3A_538 : i32 to index
      %swap3A_540 = arith.constant 32 : index
      %swap3A_541 = tpu.vector_load %arg10[%swap3A_539, %swap3A_540] {strides = array<i32>} : memref<128x128xf32, #tpu.memory_space<vmem>>, vector<16xf32>,
      tpu.vector_store %arg10[%swap3A_539, %swap3A_540], %get3A_529 {strides = array<i32>} : memref<128x128xf32, #tpu.memory_space<vmem>>, vector<16xf32>,
      %add3A_542 = arith.constant 3 : i32
      %add3A_543 = arith.addi %mul3A_213, %add3A_542 : i32
      %swap3A_544 = arith.index_cast %add3A_543 : i32 to index
      %swap3A_545 = arith.constant 48 : index
      %swap3A_546 = tpu.vector_load %arg10[%swap3A_544, %swap3A_545] {strides = array<i32>} : memref<128x128xf32, #tpu.memory_space<vmem>>, vector<16xf32>,
      tpu.vector_store %arg10[%swap3A_544, %swap3A_545], %get3A_536 {strides = array<i32>} : memref<128x128xf32, #tpu.memory_space<vmem>>, vector<16xf32>,
      %slice3A_547 = vector.extract_strided_slice %get3A_211 {offsets = [14], sizes = [1], strides = [1]} : vector<16xi32> to vector<1xi32>
      %squeeze3A_548 = vector.extract %slice3A_547[0] : i32 from vector<1xi32>
      %add3A_549 = arith.constant 14 : i32
      %add3A_550 = arith.addi %mul3A_177, %add3A_549 : i32
      %get3A_551 = arith.index_cast %add3A_550 : i32 to index
      %get3A_552 = arith.index_cast %squeeze3A_548 : i32 to index
      %get3A_553 = tpu.vector_load %arg9[%get3A_551, %get3A_552] {strides = array<i32>} : memref<512x128xf32, #tpu.memory_space<vmem>>, vector<16xf32>,
      %add3A_554 = arith.constant 14 : i32
      %add3A_555 = arith.addi %mul3A_177, %add3A_554 : i32
      %add3A_556 = arith.constant 16 : i32
      %add3A_557 = arith.addi %squeeze3A_548, %add3A_556 : i32
      %get3A_558 = arith.index_cast %add3A_555 : i32 to index
      %get3A_559 = arith.index_cast %add3A_557 : i32 to index
      %get3A_560 = tpu.vector_load %arg9[%get3A_558, %get3A_559] {strides = array<i32>} : memref<512x128xf32, #tpu.memory_space<vmem>>, vector<16xf32>,
      %add3A_561 = arith.constant 3 : i32
      %add3A_562 = arith.addi %mul3A_213, %add3A_561 : i32
      %swap3A_563 = arith.index_cast %add3A_562 : i32 to index
      %swap3A_564 = arith.constant 64 : index
      %swap3A_565 = tpu.vector_load %arg10[%swap3A_563, %swap3A_564] {strides = array<i32>} : memref<128x128xf32, #tpu.memory_space<vmem>>, vector<16xf32>,
      tpu.vector_store %arg10[%swap3A_563, %swap3A_564], %get3A_553 {strides = array<i32>} : memref<128x128xf32, #tpu.memory_space<vmem>>, vector<16xf32>,
      %add3A_566 = arith.constant 3 : i32
      %add3A_567 = arith.addi %mul3A_213, %add3A_566 : i32
      %swap3A_568 = arith.index_cast %add3A_567 : i32 to index
      %swap3A_569 = arith.constant 80 : index
      %swap3A_570 = tpu.vector_load %arg10[%swap3A_568, %swap3A_569] {strides = array<i32>} : memref<128x128xf32, #tpu.memory_space<vmem>>, vector<16xf32>,
      tpu.vector_store %arg10[%swap3A_568, %swap3A_569], %get3A_560 {strides = array<i32>} : memref<128x128xf32, #tpu.memory_space<vmem>>, vector<16xf32>,
      %slice3A_571 = vector.extract_strided_slice %get3A_211 {offsets = [15], sizes = [1], strides = [1]} : vector<16xi32> to vector<1xi32>
      %squeeze3A_572 = vector.extract %slice3A_571[0] : i32 from vector<1xi32>
      %add3A_573 = arith.constant 15 : i32
      %add3A_574 = arith.addi %mul3A_177, %add3A_573 : i32
      %get3A_575 = arith.index_cast %add3A_574 : i32 to index
      %get3A_576 = arith.index_cast %squeeze3A_572 : i32 to index
      %get3A_577 = tpu.vector_load %arg9[%get3A_575, %get3A_576] {strides = array<i32>} : memref<512x128xf32, #tpu.memory_space<vmem>>, vector<16xf32>,
      %add3A_578 = arith.constant 15 : i32
      %add3A_579 = arith.addi %mul3A_177, %add3A_578 : i32
      %add3A_580 = arith.constant 16 : i32
      %add3A_581 = arith.addi %squeeze3A_572, %add3A_580 : i32
      %get3A_582 = arith.index_cast %add3A_579 : i32 to index
      %get3A_583 = arith.index_cast %add3A_581 : i32 to index
      %get3A_584 = tpu.vector_load %arg9[%get3A_582, %get3A_583] {strides = array<i32>} : memref<512x128xf32, #tpu.memory_space<vmem>>, vector<16xf32>,
      %add3A_585 = arith.constant 3 : i32
      %add3A_586 = arith.addi %mul3A_213, %add3A_585 : i32
      %swap3A_587 = arith.index_cast %add3A_586 : i32 to index
      %swap3A_588 = arith.constant 96 : index
      %swap3A_589 = tpu.vector_load %arg10[%swap3A_587, %swap3A_588] {strides = array<i32>} : memref<128x128xf32, #tpu.memory_space<vmem>>, vector<16xf32>,
      tpu.vector_store %arg10[%swap3A_587, %swap3A_588], %get3A_577 {strides = array<i32>} : memref<128x128xf32, #tpu.memory_space<vmem>>, vector<16xf32>,
      %add3A_590 = arith.constant 3 : i32
      %add3A_591 = arith.addi %mul3A_213, %add3A_590 : i32
      %swap3A_592 = arith.index_cast %add3A_591 : i32 to index
      %swap3A_593 = arith.constant 112 : index
      %swap3A_594 = tpu.vector_load %arg10[%swap3A_592, %swap3A_593] {strides = array<i32>} : memref<128x128xf32, #tpu.memory_space<vmem>>, vector<16xf32>,
      tpu.vector_store %arg10[%swap3A_592, %swap3A_593], %get3A_584 {strides = array<i32>} : memref<128x128xf32, #tpu.memory_space<vmem>>, vector<16xf32>,
    }
    %scan3A_171 = arith.constant 32 : i32
    %mul3A_172 = arith.constant 128 : i32
    %mul3A_173 = arith.muli %add3A, %mul3A_172 : i32
    %run_scoped3A_174 = arith.constant 1 : i32
    "tpu.region"() ({
      %run_scoped3A_175 = tpu.sem_alloc : memref<!tpu.dma_semaphore, #tpu.memory_space<semaphore_mem>>
      %dma_start3A_176 = arith.constant 0 : i32
      %dma_start3A_177 = tpu.memref_slice %arg6[%run_scoped3A_174, %mul3A_173, %dma_start3A_176] : memref<2x4096x128xf32, #tpu.memory_space<hbm>> -> memref<1x128x128xf32, #tpu.memory_space<hbm>>
      %dma_start3A_178 = tpu.memref_squeeze %dma_start3A_177 : memref<1x128x128xf32, #tpu.memory_space<hbm>> -> memref<128x128xf32, #tpu.memory_space<hbm>>
      %dma_start3A_179 = arith.constant 0 : i32
      %dma_start3A_180 = tpu.memref_slice %arg6[%run_scoped3A_174, %mul3A_173, %dma_start3A_179] : memref<2x4096x128xf32, #tpu.memory_space<hbm>> -> memref<1x128x128xf32, #tpu.memory_space<hbm>>
      %dma_start3A_181 = tpu.memref_squeeze %dma_start3A_180 : memref<1x128x128xf32, #tpu.memory_space<hbm>> -> memref<128x128xf32, #tpu.memory_space<hbm>>
      tpu.enqueue_dma source(%arg10 : memref<128x128xf32, #tpu.memory_space<vmem>>) target(%dma_start3A_181 : memref<128x128xf32, #tpu.memory_space<hbm>>) target_semaphore(%run_scoped3A_175 : memref<!tpu.dma_semaphore, #tpu.memory_space<semaphore_mem>>)
      %dma_wait3A_182 = arith.constant 0 : i32
      %dma_wait3A_183 = tpu.memref_slice %arg6[%run_scoped3A_174, %mul3A_173, %dma_wait3A_182] : memref<2x4096x128xf32, #tpu.memory_space<hbm>> -> memref<1x128x128xf32, #tpu.memory_space<hbm>>
      %dma_wait3A_184 = tpu.memref_squeeze %dma_wait3A_183 : memref<1x128x128xf32, #tpu.memory_space<hbm>> -> memref<128x128xf32, #tpu.memory_space<hbm>>
      %dma_wait3A_185 = arith.constant 0 : i32
      %dma_wait3A_186 = tpu.memref_slice %arg6[%run_scoped3A_174, %mul3A_173, %dma_wait3A_185] : memref<2x4096x128xf32, #tpu.memory_space<hbm>> -> memref<1x128x128xf32, #tpu.memory_space<hbm>>
      %dma_wait3A_187 = tpu.memref_squeeze %dma_wait3A_186 : memref<1x128x128xf32, #tpu.memory_space<hbm>> -> memref<128x128xf32, #tpu.memory_space<hbm>>
      tpu.wait_dma2 semaphore(%run_scoped3A_175 : memref<!tpu.dma_semaphore, #tpu.memory_space<semaphore_mem>>) src(%arg10 : memref<128x128xf32, #tpu.memory_space<vmem>>) dst(%dma_wait3A_187 : memref<128x128xf32, #tpu.memory_space<hbm>>)
      tpu.yield
    }) : () -> ()
    return
  }
}

module attributes {stable_mosaic.version = 14 : i64} {
  func.func @_tpack3_body(%arg0: i32, %arg1: i32, %arg2: memref<1x32x4096xf32, #tpu.memory_space<vmem>>, %arg3: memref<1x32x4096xf32, #tpu.memory_space<vmem>>, %arg4: memref<1x32x4096xf32, #tpu.memory_space<vmem>>, %arg5: memref<1x32x4096xf32, #tpu.memory_space<vmem>>, %arg6: memref<4096x128xf32, #tpu.memory_space<vmem>>) attributes {dimension_semantics = [#tpu.dimension_semantics<arbitrary>, #tpu.dimension_semantics<arbitrary>], iteration_bounds = array<i64: 26, 7>, scalar_prefetch = 0 : i64, scratch_operands = 0 : i64, tpu.core_type = #tpu.core_type<tc>, window_params = [{transform_indices = @transform_0, window_bounds = array<i64: 1, 32, 4096>}, {transform_indices = @transform_1, window_bounds = array<i64: 1, 32, 4096>}, {transform_indices = @transform_2, window_bounds = array<i64: 1, 32, 4096>}, {transform_indices = @transform_3, window_bounds = array<i64: 1, 32, 4096>}, {transform_indices = @transform_4, window_bounds = array<i64: 4096, 128>}]} {
    %get3A = arith.constant 0 : index
    %get3A_0 = arith.constant 0 : index
    %get3A_1 = arith.constant 0 : index
    %get3A_2 = vector.load %arg2[%get3A, %get3A_0, %get3A_1] : memref<1x32x4096xf32, #tpu.memory_space<vmem>>, vector<1x32x4096xf32>
    %get3A_3 = vector.shape_cast %get3A_2 : vector<1x32x4096xf32> to vector<32x4096xf32>
    %get3A_4 = arith.constant 0 : index
    %get3A_5 = arith.constant 0 : index
    %get3A_6 = arith.constant 0 : index
    %get3A_7 = vector.load %arg3[%get3A_4, %get3A_5, %get3A_6] : memref<1x32x4096xf32, #tpu.memory_space<vmem>>, vector<1x32x4096xf32>
    %get3A_8 = vector.shape_cast %get3A_7 : vector<1x32x4096xf32> to vector<32x4096xf32>
    %get3A_9 = arith.constant 0 : index
    %get3A_10 = arith.constant 0 : index
    %get3A_11 = arith.constant 0 : index
    %get3A_12 = vector.load %arg4[%get3A_9, %get3A_10, %get3A_11] : memref<1x32x4096xf32, #tpu.memory_space<vmem>>, vector<1x32x4096xf32>
    %get3A_13 = vector.shape_cast %get3A_12 : vector<1x32x4096xf32> to vector<32x4096xf32>
    %get3A_14 = arith.constant 0 : index
    %get3A_15 = arith.constant 0 : index
    %get3A_16 = arith.constant 0 : index
    %get3A_17 = vector.load %arg5[%get3A_14, %get3A_15, %get3A_16] : memref<1x32x4096xf32, #tpu.memory_space<vmem>>, vector<1x32x4096xf32>
    %get3A_18 = vector.shape_cast %get3A_17 : vector<1x32x4096xf32> to vector<32x4096xf32>
    %iota3A = tpu.iota {dimensions = array<i32: 0>} : vector<128x128xi32>
    %iota3A_19 = tpu.iota {dimensions = array<i32: 1>} : vector<128x128xi32>
    %add3A = arith.constant 0 : i32
    %add3A_20 = vector.broadcast %add3A : i32 to vector<128x128xi32>
    %add3A_21 = arith.addi %iota3A, %add3A_20 : vector<128x128xi32>
    %eq3A = arith.cmpi eq, %add3A_21, %iota3A_19 : vector<128x128xi32>
    %convert_element_type3A = arith.extui %eq3A : vector<128x128xi1> to vector<128x128xi32>
    %convert_element_type3A_22 = arith.sitofp %convert_element_type3A : vector<128x128xi32> to vector<128x128xf32>
    %convert_element_type3A_23 = arith.truncf %convert_element_type3A_22 : vector<128x128xf32> to vector<128x128xbf16>
    %convert_element_type3A_24 = arith.truncf %get3A_3 : vector<32x4096xf32> to vector<32x4096xbf16>
    %slice3A = vector.extract_strided_slice %convert_element_type3A_23 {offsets = [0, 0], sizes = [32, 128], strides = [1, 1]} : vector<128x128xbf16> to vector<32x128xbf16>
    %dot_general3A = arith.constant dense<0.000000e+00> : vector<4096x128xf32>
    %dot_general3A_25 = tpu.matmul %convert_element_type3A_24, %slice3A, %dot_general3A {dimension_numbers = #tpu.dot_dimension_numbers<[0], [0], [1], [1], [0, 1, 1, 1], [], []>, transpose_lhs_hint = false} : vector<32x4096xbf16>, vector<32x128xbf16>, vector<4096x128xf32> -> vector<4096x128xf32>
    %convert_element_type3A_26 = arith.truncf %get3A_8 : vector<32x4096xf32> to vector<32x4096xbf16>
    %slice3A_27 = vector.extract_strided_slice %convert_element_type3A_23 {offsets = [32, 0], sizes = [32, 128], strides = [1, 1]} : vector<128x128xbf16> to vector<32x128xbf16>
    %dot_general3A_28 = arith.constant dense<0.000000e+00> : vector<4096x128xf32>
    %dot_general3A_29 = tpu.matmul %convert_element_type3A_26, %slice3A_27, %dot_general3A_28 {dimension_numbers = #tpu.dot_dimension_numbers<[0], [0], [1], [1], [0, 1, 1, 1], [], []>, transpose_lhs_hint = false} : vector<32x4096xbf16>, vector<32x128xbf16>, vector<4096x128xf32> -> vector<4096x128xf32>
    %add3A_30 = arith.addf %dot_general3A_25, %dot_general3A_29 : vector<4096x128xf32>
    %convert_element_type3A_31 = arith.truncf %get3A_13 : vector<32x4096xf32> to vector<32x4096xbf16>
    %slice3A_32 = vector.extract_strided_slice %convert_element_type3A_23 {offsets = [64, 0], sizes = [32, 128], strides = [1, 1]} : vector<128x128xbf16> to vector<32x128xbf16>
    %dot_general3A_33 = arith.constant dense<0.000000e+00> : vector<4096x128xf32>
    %dot_general3A_34 = tpu.matmul %convert_element_type3A_31, %slice3A_32, %dot_general3A_33 {dimension_numbers = #tpu.dot_dimension_numbers<[0], [0], [1], [1], [0, 1, 1, 1], [], []>, transpose_lhs_hint = false} : vector<32x4096xbf16>, vector<32x128xbf16>, vector<4096x128xf32> -> vector<4096x128xf32>
    %add3A_35 = arith.addf %add3A_30, %dot_general3A_34 : vector<4096x128xf32>
    %convert_element_type3A_36 = arith.truncf %get3A_18 : vector<32x4096xf32> to vector<32x4096xbf16>
    %slice3A_37 = vector.extract_strided_slice %convert_element_type3A_23 {offsets = [96, 0], sizes = [32, 128], strides = [1, 1]} : vector<128x128xbf16> to vector<32x128xbf16>
    %dot_general3A_38 = arith.constant dense<0.000000e+00> : vector<4096x128xf32>
    %dot_general3A_39 = tpu.matmul %convert_element_type3A_36, %slice3A_37, %dot_general3A_38 {dimension_numbers = #tpu.dot_dimension_numbers<[0], [0], [1], [1], [0, 1, 1, 1], [], []>, transpose_lhs_hint = false} : vector<32x4096xbf16>, vector<32x128xbf16>, vector<4096x128xf32> -> vector<4096x128xf32>
    %add3A_40 = arith.addf %add3A_35, %dot_general3A_39 : vector<4096x128xf32>
    %swap3A = arith.constant 0 : index
    %swap3A_41 = arith.constant 0 : index
    %swap3A_42 = vector.load %arg6[%swap3A, %swap3A_41] : memref<4096x128xf32, #tpu.memory_space<vmem>>, vector<4096x128xf32>
    tpu.vector_store %arg6[%swap3A, %swap3A_41], %add3A_40 {strides = array<i32>} : memref<4096x128xf32, #tpu.memory_space<vmem>>, vector<4096x128xf32>,
    return
  }
  func.func @transform_0(%arg0: i32, %arg1: i32) -> (i32, i32, i32) {
    %mul3A = arith.constant 4 : i32
    %mul3A_0 = arith.muli %mul3A, %arg1 : i32
    %add3A = arith.constant 0 : i32
    %add3A_1 = arith.addi %mul3A_0, %add3A : i32
    %min3A = arith.constant 24 : i32
    %min3A_2 = arith.minsi %add3A_1, %min3A : i32
    %c0_i32 = arith.constant 0 : i32
    %c0_i32_3 = arith.constant 0 : i32
    return %arg0, %c0_i32, %min3A_2 : i32, i32, i32
  }
  func.func @transform_1(%arg0: i32, %arg1: i32) -> (i32, i32, i32) {
    %mul3A = arith.constant 4 : i32
    %mul3A_0 = arith.muli %mul3A, %arg1 : i32
    %add3A = arith.constant 1 : i32
    %add3A_1 = arith.addi %mul3A_0, %add3A : i32
    %min3A = arith.constant 24 : i32
    %min3A_2 = arith.minsi %add3A_1, %min3A : i32
    %c0_i32 = arith.constant 0 : i32
    %c0_i32_3 = arith.constant 0 : i32
    return %arg0, %c0_i32, %min3A_2 : i32, i32, i32
  }
  func.func @transform_2(%arg0: i32, %arg1: i32) -> (i32, i32, i32) {
    %mul3A = arith.constant 4 : i32
    %mul3A_0 = arith.muli %mul3A, %arg1 : i32
    %add3A = arith.constant 2 : i32
    %add3A_1 = arith.addi %mul3A_0, %add3A : i32
    %min3A = arith.constant 24 : i32
    %min3A_2 = arith.minsi %add3A_1, %min3A : i32
    %c0_i32 = arith.constant 0 : i32
    %c0_i32_3 = arith.constant 0 : i32
    return %arg0, %c0_i32, %min3A_2 : i32, i32, i32
  }
  func.func @transform_3(%arg0: i32, %arg1: i32) -> (i32, i32, i32) {
    %mul3A = arith.constant 4 : i32
    %mul3A_0 = arith.muli %mul3A, %arg1 : i32
    %add3A = arith.constant 3 : i32
    %add3A_1 = arith.addi %mul3A_0, %add3A : i32
    %min3A = arith.constant 24 : i32
    %min3A_2 = arith.minsi %add3A_1, %min3A : i32
    %c0_i32 = arith.constant 0 : i32
    %c0_i32_3 = arith.constant 0 : i32
    return %arg0, %c0_i32, %min3A_2 : i32, i32, i32
  }
  func.func @transform_4(%arg0: i32, %arg1: i32) -> (i32, i32) {
    %mul3A = arith.constant 7 : i32
    %mul3A_0 = arith.muli %arg0, %mul3A : i32
    %add3A = arith.addi %mul3A_0, %arg1 : i32
    %c0_i32 = arith.constant 0 : i32
    %c0_i32_1 = arith.constant 0 : i32
    return %add3A, %c0_i32 : i32, i32
  }
}

module attributes {stable_mosaic.version = 14 : i64} {
  func.func @_tpack2_body(%arg0: i32, %arg1: memref<32x4096xf32, #tpu.memory_space<vmem>>, %arg2: memref<32x4096xf32, #tpu.memory_space<vmem>>, %arg3: memref<32x4096xf32, #tpu.memory_space<vmem>>, %arg4: memref<32x4096xf32, #tpu.memory_space<vmem>>, %arg5: memref<4096x128xf32, #tpu.memory_space<vmem>>) attributes {dimension_semantics = [#tpu.dimension_semantics<arbitrary>], iteration_bounds = array<i64: 62>, scalar_prefetch = 0 : i64, scratch_operands = 0 : i64, tpu.core_type = #tpu.core_type<tc>, window_params = [{transform_indices = @transform_0, window_bounds = array<i64: 32, 4096>}, {transform_indices = @transform_1, window_bounds = array<i64: 32, 4096>}, {transform_indices = @transform_2, window_bounds = array<i64: 32, 4096>}, {transform_indices = @transform_3, window_bounds = array<i64: 32, 4096>}, {transform_indices = @transform_4, window_bounds = array<i64: 4096, 128>}]} {
    %get3A = arith.constant 0 : index
    %get3A_0 = arith.constant 0 : index
    %get3A_1 = vector.load %arg1[%get3A, %get3A_0] : memref<32x4096xf32, #tpu.memory_space<vmem>>, vector<32x4096xf32>
    %get3A_2 = arith.constant 0 : index
    %get3A_3 = arith.constant 0 : index
    %get3A_4 = vector.load %arg2[%get3A_2, %get3A_3] : memref<32x4096xf32, #tpu.memory_space<vmem>>, vector<32x4096xf32>
    %get3A_5 = arith.constant 0 : index
    %get3A_6 = arith.constant 0 : index
    %get3A_7 = vector.load %arg3[%get3A_5, %get3A_6] : memref<32x4096xf32, #tpu.memory_space<vmem>>, vector<32x4096xf32>
    %get3A_8 = arith.constant 0 : index
    %get3A_9 = arith.constant 0 : index
    %get3A_10 = vector.load %arg4[%get3A_8, %get3A_9] : memref<32x4096xf32, #tpu.memory_space<vmem>>, vector<32x4096xf32>
    %iota3A = tpu.iota {dimensions = array<i32: 0>} : vector<128x128xi32>
    %iota3A_11 = tpu.iota {dimensions = array<i32: 1>} : vector<128x128xi32>
    %add3A = arith.constant 0 : i32
    %add3A_12 = vector.broadcast %add3A : i32 to vector<128x128xi32>
    %add3A_13 = arith.addi %iota3A, %add3A_12 : vector<128x128xi32>
    %eq3A = arith.cmpi eq, %add3A_13, %iota3A_11 : vector<128x128xi32>
    %convert_element_type3A = arith.extui %eq3A : vector<128x128xi1> to vector<128x128xi32>
    %convert_element_type3A_14 = arith.sitofp %convert_element_type3A : vector<128x128xi32> to vector<128x128xf32>
    %convert_element_type3A_15 = arith.truncf %convert_element_type3A_14 : vector<128x128xf32> to vector<128x128xbf16>
    %convert_element_type3A_16 = arith.truncf %get3A_1 : vector<32x4096xf32> to vector<32x4096xbf16>
    %slice3A = vector.extract_strided_slice %convert_element_type3A_15 {offsets = [0, 0], sizes = [32, 128], strides = [1, 1]} : vector<128x128xbf16> to vector<32x128xbf16>
    %dot_general3A = arith.constant dense<0.000000e+00> : vector<4096x128xf32>
    %dot_general3A_17 = tpu.matmul %convert_element_type3A_16, %slice3A, %dot_general3A {dimension_numbers = #tpu.dot_dimension_numbers<[0], [0], [1], [1], [0, 1, 1, 1], [], []>, transpose_lhs_hint = false} : vector<32x4096xbf16>, vector<32x128xbf16>, vector<4096x128xf32> -> vector<4096x128xf32>
    %convert_element_type3A_18 = arith.truncf %get3A_4 : vector<32x4096xf32> to vector<32x4096xbf16>
    %slice3A_19 = vector.extract_strided_slice %convert_element_type3A_15 {offsets = [32, 0], sizes = [32, 128], strides = [1, 1]} : vector<128x128xbf16> to vector<32x128xbf16>
    %dot_general3A_20 = arith.constant dense<0.000000e+00> : vector<4096x128xf32>
    %dot_general3A_21 = tpu.matmul %convert_element_type3A_18, %slice3A_19, %dot_general3A_20 {dimension_numbers = #tpu.dot_dimension_numbers<[0], [0], [1], [1], [0, 1, 1, 1], [], []>, transpose_lhs_hint = false} : vector<32x4096xbf16>, vector<32x128xbf16>, vector<4096x128xf32> -> vector<4096x128xf32>
    %add3A_22 = arith.addf %dot_general3A_17, %dot_general3A_21 : vector<4096x128xf32>
    %convert_element_type3A_23 = arith.truncf %get3A_7 : vector<32x4096xf32> to vector<32x4096xbf16>
    %slice3A_24 = vector.extract_strided_slice %convert_element_type3A_15 {offsets = [64, 0], sizes = [32, 128], strides = [1, 1]} : vector<128x128xbf16> to vector<32x128xbf16>
    %dot_general3A_25 = arith.constant dense<0.000000e+00> : vector<4096x128xf32>
    %dot_general3A_26 = tpu.matmul %convert_element_type3A_23, %slice3A_24, %dot_general3A_25 {dimension_numbers = #tpu.dot_dimension_numbers<[0], [0], [1], [1], [0, 1, 1, 1], [], []>, transpose_lhs_hint = false} : vector<32x4096xbf16>, vector<32x128xbf16>, vector<4096x128xf32> -> vector<4096x128xf32>
    %add3A_27 = arith.addf %add3A_22, %dot_general3A_26 : vector<4096x128xf32>
    %convert_element_type3A_28 = arith.truncf %get3A_10 : vector<32x4096xf32> to vector<32x4096xbf16>
    %slice3A_29 = vector.extract_strided_slice %convert_element_type3A_15 {offsets = [96, 0], sizes = [32, 128], strides = [1, 1]} : vector<128x128xbf16> to vector<32x128xbf16>
    %dot_general3A_30 = arith.constant dense<0.000000e+00> : vector<4096x128xf32>
    %dot_general3A_31 = tpu.matmul %convert_element_type3A_28, %slice3A_29, %dot_general3A_30 {dimension_numbers = #tpu.dot_dimension_numbers<[0], [0], [1], [1], [0, 1, 1, 1], [], []>, transpose_lhs_hint = false} : vector<32x4096xbf16>, vector<32x128xbf16>, vector<4096x128xf32> -> vector<4096x128xf32>
    %add3A_32 = arith.addf %add3A_27, %dot_general3A_31 : vector<4096x128xf32>
    %swap3A = arith.constant 0 : index
    %swap3A_33 = arith.constant 0 : index
    %swap3A_34 = vector.load %arg5[%swap3A, %swap3A_33] : memref<4096x128xf32, #tpu.memory_space<vmem>>, vector<4096x128xf32>
    tpu.vector_store %arg5[%swap3A, %swap3A_33], %add3A_32 {strides = array<i32>} : memref<4096x128xf32, #tpu.memory_space<vmem>>, vector<4096x128xf32>,
    return
  }
  func.func @transform_0(%arg0: i32) -> (i32, i32) {
    %mul3A = arith.constant 4 : i32
    %mul3A_0 = arith.muli %mul3A, %arg0 : i32
    %add3A = arith.constant 0 : i32
    %add3A_1 = arith.addi %mul3A_0, %add3A : i32
    %min3A = arith.constant 244 : i32
    %min3A_2 = arith.minsi %add3A_1, %min3A : i32
    %c0_i32 = arith.constant 0 : i32
    %c0_i32_3 = arith.constant 0 : i32
    return %c0_i32, %min3A_2 : i32, i32
  }
  func.func @transform_1(%arg0: i32) -> (i32, i32) {
    %mul3A = arith.constant 4 : i32
    %mul3A_0 = arith.muli %mul3A, %arg0 : i32
    %add3A = arith.constant 1 : i32
    %add3A_1 = arith.addi %mul3A_0, %add3A : i32
    %min3A = arith.constant 244 : i32
    %min3A_2 = arith.minsi %add3A_1, %min3A : i32
    %c0_i32 = arith.constant 0 : i32
    %c0_i32_3 = arith.constant 0 : i32
    return %c0_i32, %min3A_2 : i32, i32
  }
  func.func @transform_2(%arg0: i32) -> (i32, i32) {
    %mul3A = arith.constant 4 : i32
    %mul3A_0 = arith.muli %mul3A, %arg0 : i32
    %add3A = arith.constant 2 : i32
    %add3A_1 = arith.addi %mul3A_0, %add3A : i32
    %min3A = arith.constant 244 : i32
    %min3A_2 = arith.minsi %add3A_1, %min3A : i32
    %c0_i32 = arith.constant 0 : i32
    %c0_i32_3 = arith.constant 0 : i32
    return %c0_i32, %min3A_2 : i32, i32
  }
  func.func @transform_3(%arg0: i32) -> (i32, i32) {
    %mul3A = arith.constant 4 : i32
    %mul3A_0 = arith.muli %mul3A, %arg0 : i32
    %add3A = arith.constant 3 : i32
    %add3A_1 = arith.addi %mul3A_0, %add3A : i32
    %min3A = arith.constant 244 : i32
    %min3A_2 = arith.minsi %add3A_1, %min3A : i32
    %c0_i32 = arith.constant 0 : i32
    %c0_i32_3 = arith.constant 0 : i32
    return %c0_i32, %min3A_2 : i32, i32
  }
  func.func @transform_4(%arg0: i32) -> (i32, i32) {
    %c0_i32 = arith.constant 0 : i32
    %c0_i32_0 = arith.constant 0 : i32
    return %arg0, %c0_i32 : i32, i32
  }
}

module attributes {stable_mosaic.version = 14 : i64} {
  func.func @_mlp_body(%arg0: i32, %arg1: memref<26x128x128xf32, #tpu.memory_space<vmem>>, %arg2: memref<2x128x128xf32, #tpu.memory_space<vmem>>, %arg3: memref<28x128x256xf32, #tpu.memory_space<vmem>>, %arg4: memref<1x256xf32, #tpu.memory_space<vmem>>, %arg5: memref<256x4xf32, #tpu.memory_space<vmem>>, %arg6: memref<1x4xf32, #tpu.memory_space<vmem>>, %arg7: memref<128x4xf32, #tpu.memory_space<vmem>>) attributes {dimension_semantics = [#tpu.dimension_semantics<arbitrary>], iteration_bounds = array<i64: 32>, scalar_prefetch = 0 : i64, scratch_operands = 0 : i64, tpu.core_type = #tpu.core_type<tc>, window_params = [{transform_indices = @transform_0, window_bounds = array<i64: 26, 128, 128>}, {transform_indices = @transform_1, window_bounds = array<i64: 2, 128, 128>}, {pipeline_mode = #tpu.pipeline_mode<synchronous>, transform_indices = @transform_2, window_bounds = array<i64: 28, 128, 256>}, {pipeline_mode = #tpu.pipeline_mode<synchronous>, transform_indices = @transform_3, window_bounds = array<i64: 1, 256>}, {pipeline_mode = #tpu.pipeline_mode<synchronous>, transform_indices = @transform_4, window_bounds = array<i64: 256, 4>}, {pipeline_mode = #tpu.pipeline_mode<synchronous>, transform_indices = @transform_5, window_bounds = array<i64: 1, 4>}, {transform_indices = @transform_6, window_bounds = array<i64: 128, 4>}]} {
    %get3A = arith.constant 0 : index
    %get3A_0 = arith.constant 0 : index
    %get3A_1 = vector.load %arg4[%get3A, %get3A_0] : memref<1x256xf32, #tpu.memory_space<vmem>>, vector<1x256xf32>
    %broadcast_in_dim3A = vector.shape_cast %get3A_1 : vector<1x256xf32> to vector<1x256xf32>
    %broadcast_in_dim3A_2 = vector.broadcast %broadcast_in_dim3A : vector<1x256xf32> to vector<128x256xf32>
    %get3A_3 = arith.constant 0 : index
    %get3A_4 = arith.constant 0 : index
    %get3A_5 = arith.constant 0 : index
    %get3A_6 = vector.load %arg2[%get3A_3, %get3A_4, %get3A_5] : memref<2x128x128xf32, #tpu.memory_space<vmem>>, vector<1x128x128xf32>
    %get3A_7 = vector.shape_cast %get3A_6 : vector<1x128x128xf32> to vector<128x128xf32>
    %get3A_8 = arith.constant 0 : index
    %get3A_9 = arith.constant 0 : index
    %get3A_10 = arith.constant 0 : index
    %get3A_11 = vector.load %arg3[%get3A_8, %get3A_9, %get3A_10] : memref<28x128x256xf32, #tpu.memory_space<vmem>>, vector<1x128x256xf32>
    %get3A_12 = vector.shape_cast %get3A_11 : vector<1x128x256xf32> to vector<128x256xf32>
    %dot_general3A = arith.constant dense<0.000000e+00> : vector<128x256xf32>
    %dot_general3A_13 = tpu.matmul %get3A_7, %get3A_12, %dot_general3A {dimension_numbers = #tpu.dot_dimension_numbers<[1], [0], [0], [1], [0, 0, 1, 1], [], []>, transpose_lhs_hint = false} : vector<128x128xf32>, vector<128x256xf32>, vector<128x256xf32> -> vector<128x256xf32>
    %add3A = arith.addf %broadcast_in_dim3A_2, %dot_general3A_13 : vector<128x256xf32>
    %get3A_14 = arith.constant 1 : index
    %get3A_15 = arith.constant 0 : index
    %get3A_16 = arith.constant 0 : index
    %get3A_17 = vector.load %arg2[%get3A_14, %get3A_15, %get3A_16] : memref<2x128x128xf32, #tpu.memory_space<vmem>>, vector<1x128x128xf32>
    %get3A_18 = vector.shape_cast %get3A_17 : vector<1x128x128xf32> to vector<128x128xf32>
    %get3A_19 = arith.constant 1 : index
    %get3A_20 = arith.constant 0 : index
    %get3A_21 = arith.constant 0 : index
    %get3A_22 = vector.load %arg3[%get3A_19, %get3A_20, %get3A_21] : memref<28x128x256xf32, #tpu.memory_space<vmem>>, vector<1x128x256xf32>
    %get3A_23 = vector.shape_cast %get3A_22 : vector<1x128x256xf32> to vector<128x256xf32>
    %dot_general3A_24 = arith.constant dense<0.000000e+00> : vector<128x256xf32>
    %dot_general3A_25 = tpu.matmul %get3A_18, %get3A_23, %dot_general3A_24 {dimension_numbers = #tpu.dot_dimension_numbers<[1], [0], [0], [1], [0, 0, 1, 1], [], []>, transpose_lhs_hint = false} : vector<128x128xf32>, vector<128x256xf32>, vector<128x256xf32> -> vector<128x256xf32>
    %add3A_26 = arith.addf %add3A, %dot_general3A_25 : vector<128x256xf32>
    %get3A_27 = arith.constant 0 : index
    %get3A_28 = arith.constant 0 : index
    %get3A_29 = arith.constant 0 : index
    %get3A_30 = vector.load %arg1[%get3A_27, %get3A_28, %get3A_29] : memref<26x128x128xf32, #tpu.memory_space<vmem>>, vector<1x128x128xf32>
    %get3A_31 = vector.shape_cast %get3A_30 : vector<1x128x128xf32> to vector<128x128xf32>
    %get3A_32 = arith.constant 2 : index
    %get3A_33 = arith.constant 0 : index
    %get3A_34 = arith.constant 0 : index
    %get3A_35 = vector.load %arg3[%get3A_32, %get3A_33, %get3A_34] : memref<28x128x256xf32, #tpu.memory_space<vmem>>, vector<1x128x256xf32>
    %get3A_36 = vector.shape_cast %get3A_35 : vector<1x128x256xf32> to vector<128x256xf32>
    %dot_general3A_37 = arith.constant dense<0.000000e+00> : vector<128x256xf32>
    %dot_general3A_38 = tpu.matmul %get3A_31, %get3A_36, %dot_general3A_37 {dimension_numbers = #tpu.dot_dimension_numbers<[1], [0], [0], [1], [0, 0, 1, 1], [], []>, transpose_lhs_hint = false} : vector<128x128xf32>, vector<128x256xf32>, vector<128x256xf32> -> vector<128x256xf32>
    %add3A_39 = arith.addf %add3A_26, %dot_general3A_38 : vector<128x256xf32>
    %get3A_40 = arith.constant 1 : index
    %get3A_41 = arith.constant 0 : index
    %get3A_42 = arith.constant 0 : index
    %get3A_43 = vector.load %arg1[%get3A_40, %get3A_41, %get3A_42] : memref<26x128x128xf32, #tpu.memory_space<vmem>>, vector<1x128x128xf32>
    %get3A_44 = vector.shape_cast %get3A_43 : vector<1x128x128xf32> to vector<128x128xf32>
    %get3A_45 = arith.constant 3 : index
    %get3A_46 = arith.constant 0 : index
    %get3A_47 = arith.constant 0 : index
    %get3A_48 = vector.load %arg3[%get3A_45, %get3A_46, %get3A_47] : memref<28x128x256xf32, #tpu.memory_space<vmem>>, vector<1x128x256xf32>
    %get3A_49 = vector.shape_cast %get3A_48 : vector<1x128x256xf32> to vector<128x256xf32>
    %dot_general3A_50 = arith.constant dense<0.000000e+00> : vector<128x256xf32>
    %dot_general3A_51 = tpu.matmul %get3A_44, %get3A_49, %dot_general3A_50 {dimension_numbers = #tpu.dot_dimension_numbers<[1], [0], [0], [1], [0, 0, 1, 1], [], []>, transpose_lhs_hint = false} : vector<128x128xf32>, vector<128x256xf32>, vector<128x256xf32> -> vector<128x256xf32>
    %add3A_52 = arith.addf %add3A_39, %dot_general3A_51 : vector<128x256xf32>
    %get3A_53 = arith.constant 2 : index
    %get3A_54 = arith.constant 0 : index
    %get3A_55 = arith.constant 0 : index
    %get3A_56 = vector.load %arg1[%get3A_53, %get3A_54, %get3A_55] : memref<26x128x128xf32, #tpu.memory_space<vmem>>, vector<1x128x128xf32>
    %get3A_57 = vector.shape_cast %get3A_56 : vector<1x128x128xf32> to vector<128x128xf32>
    %get3A_58 = arith.constant 4 : index
    %get3A_59 = arith.constant 0 : index
    %get3A_60 = arith.constant 0 : index
    %get3A_61 = vector.load %arg3[%get3A_58, %get3A_59, %get3A_60] : memref<28x128x256xf32, #tpu.memory_space<vmem>>, vector<1x128x256xf32>
    %get3A_62 = vector.shape_cast %get3A_61 : vector<1x128x256xf32> to vector<128x256xf32>
    %dot_general3A_63 = arith.constant dense<0.000000e+00> : vector<128x256xf32>
    %dot_general3A_64 = tpu.matmul %get3A_57, %get3A_62, %dot_general3A_63 {dimension_numbers = #tpu.dot_dimension_numbers<[1], [0], [0], [1], [0, 0, 1, 1], [], []>, transpose_lhs_hint = false} : vector<128x128xf32>, vector<128x256xf32>, vector<128x256xf32> -> vector<128x256xf32>
    %add3A_65 = arith.addf %add3A_52, %dot_general3A_64 : vector<128x256xf32>
    %get3A_66 = arith.constant 3 : index
    %get3A_67 = arith.constant 0 : index
    %get3A_68 = arith.constant 0 : index
    %get3A_69 = vector.load %arg1[%get3A_66, %get3A_67, %get3A_68] : memref<26x128x128xf32, #tpu.memory_space<vmem>>, vector<1x128x128xf32>
    %get3A_70 = vector.shape_cast %get3A_69 : vector<1x128x128xf32> to vector<128x128xf32>
    %get3A_71 = arith.constant 5 : index
    %get3A_72 = arith.constant 0 : index
    %get3A_73 = arith.constant 0 : index
    %get3A_74 = vector.load %arg3[%get3A_71, %get3A_72, %get3A_73] : memref<28x128x256xf32, #tpu.memory_space<vmem>>, vector<1x128x256xf32>
    %get3A_75 = vector.shape_cast %get3A_74 : vector<1x128x256xf32> to vector<128x256xf32>
    %dot_general3A_76 = arith.constant dense<0.000000e+00> : vector<128x256xf32>
    %dot_general3A_77 = tpu.matmul %get3A_70, %get3A_75, %dot_general3A_76 {dimension_numbers = #tpu.dot_dimension_numbers<[1], [0], [0], [1], [0, 0, 1, 1], [], []>, transpose_lhs_hint = false} : vector<128x128xf32>, vector<128x256xf32>, vector<128x256xf32> -> vector<128x256xf32>
    %add3A_78 = arith.addf %add3A_65, %dot_general3A_77 : vector<128x256xf32>
    %get3A_79 = arith.constant 4 : index
    %get3A_80 = arith.constant 0 : index
    %get3A_81 = arith.constant 0 : index
    %get3A_82 = vector.load %arg1[%get3A_79, %get3A_80, %get3A_81] : memref<26x128x128xf32, #tpu.memory_space<vmem>>, vector<1x128x128xf32>
    %get3A_83 = vector.shape_cast %get3A_82 : vector<1x128x128xf32> to vector<128x128xf32>
    %get3A_84 = arith.constant 6 : index
    %get3A_85 = arith.constant 0 : index
    %get3A_86 = arith.constant 0 : index
    %get3A_87 = vector.load %arg3[%get3A_84, %get3A_85, %get3A_86] : memref<28x128x256xf32, #tpu.memory_space<vmem>>, vector<1x128x256xf32>
    %get3A_88 = vector.shape_cast %get3A_87 : vector<1x128x256xf32> to vector<128x256xf32>
    %dot_general3A_89 = arith.constant dense<0.000000e+00> : vector<128x256xf32>
    %dot_general3A_90 = tpu.matmul %get3A_83, %get3A_88, %dot_general3A_89 {dimension_numbers = #tpu.dot_dimension_numbers<[1], [0], [0], [1], [0, 0, 1, 1], [], []>, transpose_lhs_hint = false} : vector<128x128xf32>, vector<128x256xf32>, vector<128x256xf32> -> vector<128x256xf32>
    %add3A_91 = arith.addf %add3A_78, %dot_general3A_90 : vector<128x256xf32>
    %get3A_92 = arith.constant 5 : index
    %get3A_93 = arith.constant 0 : index
    %get3A_94 = arith.constant 0 : index
    %get3A_95 = vector.load %arg1[%get3A_92, %get3A_93, %get3A_94] : memref<26x128x128xf32, #tpu.memory_space<vmem>>, vector<1x128x128xf32>
    %get3A_96 = vector.shape_cast %get3A_95 : vector<1x128x128xf32> to vector<128x128xf32>
    %get3A_97 = arith.constant 7 : index
    %get3A_98 = arith.constant 0 : index
    %get3A_99 = arith.constant 0 : index
    %get3A_100 = vector.load %arg3[%get3A_97, %get3A_98, %get3A_99] : memref<28x128x256xf32, #tpu.memory_space<vmem>>, vector<1x128x256xf32>
    %get3A_101 = vector.shape_cast %get3A_100 : vector<1x128x256xf32> to vector<128x256xf32>
    %dot_general3A_102 = arith.constant dense<0.000000e+00> : vector<128x256xf32>
    %dot_general3A_103 = tpu.matmul %get3A_96, %get3A_101, %dot_general3A_102 {dimension_numbers = #tpu.dot_dimension_numbers<[1], [0], [0], [1], [0, 0, 1, 1], [], []>, transpose_lhs_hint = false} : vector<128x128xf32>, vector<128x256xf32>, vector<128x256xf32> -> vector<128x256xf32>
    %add3A_104 = arith.addf %add3A_91, %dot_general3A_103 : vector<128x256xf32>
    %get3A_105 = arith.constant 6 : index
    %get3A_106 = arith.constant 0 : index
    %get3A_107 = arith.constant 0 : index
    %get3A_108 = vector.load %arg1[%get3A_105, %get3A_106, %get3A_107] : memref<26x128x128xf32, #tpu.memory_space<vmem>>, vector<1x128x128xf32>
    %get3A_109 = vector.shape_cast %get3A_108 : vector<1x128x128xf32> to vector<128x128xf32>
    %get3A_110 = arith.constant 8 : index
    %get3A_111 = arith.constant 0 : index
    %get3A_112 = arith.constant 0 : index
    %get3A_113 = vector.load %arg3[%get3A_110, %get3A_111, %get3A_112] : memref<28x128x256xf32, #tpu.memory_space<vmem>>, vector<1x128x256xf32>
    %get3A_114 = vector.shape_cast %get3A_113 : vector<1x128x256xf32> to vector<128x256xf32>
    %dot_general3A_115 = arith.constant dense<0.000000e+00> : vector<128x256xf32>
    %dot_general3A_116 = tpu.matmul %get3A_109, %get3A_114, %dot_general3A_115 {dimension_numbers = #tpu.dot_dimension_numbers<[1], [0], [0], [1], [0, 0, 1, 1], [], []>, transpose_lhs_hint = false} : vector<128x128xf32>, vector<128x256xf32>, vector<128x256xf32> -> vector<128x256xf32>
    %add3A_117 = arith.addf %add3A_104, %dot_general3A_116 : vector<128x256xf32>
    %get3A_118 = arith.constant 7 : index
    %get3A_119 = arith.constant 0 : index
    %get3A_120 = arith.constant 0 : index
    %get3A_121 = vector.load %arg1[%get3A_118, %get3A_119, %get3A_120] : memref<26x128x128xf32, #tpu.memory_space<vmem>>, vector<1x128x128xf32>
    %get3A_122 = vector.shape_cast %get3A_121 : vector<1x128x128xf32> to vector<128x128xf32>
    %get3A_123 = arith.constant 9 : index
    %get3A_124 = arith.constant 0 : index
    %get3A_125 = arith.constant 0 : index
    %get3A_126 = vector.load %arg3[%get3A_123, %get3A_124, %get3A_125] : memref<28x128x256xf32, #tpu.memory_space<vmem>>, vector<1x128x256xf32>
    %get3A_127 = vector.shape_cast %get3A_126 : vector<1x128x256xf32> to vector<128x256xf32>
    %dot_general3A_128 = arith.constant dense<0.000000e+00> : vector<128x256xf32>
    %dot_general3A_129 = tpu.matmul %get3A_122, %get3A_127, %dot_general3A_128 {dimension_numbers = #tpu.dot_dimension_numbers<[1], [0], [0], [1], [0, 0, 1, 1], [], []>, transpose_lhs_hint = false} : vector<128x128xf32>, vector<128x256xf32>, vector<128x256xf32> -> vector<128x256xf32>
    %add3A_130 = arith.addf %add3A_117, %dot_general3A_129 : vector<128x256xf32>
    %get3A_131 = arith.constant 8 : index
    %get3A_132 = arith.constant 0 : index
    %get3A_133 = arith.constant 0 : index
    %get3A_134 = vector.load %arg1[%get3A_131, %get3A_132, %get3A_133] : memref<26x128x128xf32, #tpu.memory_space<vmem>>, vector<1x128x128xf32>
    %get3A_135 = vector.shape_cast %get3A_134 : vector<1x128x128xf32> to vector<128x128xf32>
    %get3A_136 = arith.constant 10 : index
    %get3A_137 = arith.constant 0 : index
    %get3A_138 = arith.constant 0 : index
    %get3A_139 = vector.load %arg3[%get3A_136, %get3A_137, %get3A_138] : memref<28x128x256xf32, #tpu.memory_space<vmem>>, vector<1x128x256xf32>
    %get3A_140 = vector.shape_cast %get3A_139 : vector<1x128x256xf32> to vector<128x256xf32>
    %dot_general3A_141 = arith.constant dense<0.000000e+00> : vector<128x256xf32>
    %dot_general3A_142 = tpu.matmul %get3A_135, %get3A_140, %dot_general3A_141 {dimension_numbers = #tpu.dot_dimension_numbers<[1], [0], [0], [1], [0, 0, 1, 1], [], []>, transpose_lhs_hint = false} : vector<128x128xf32>, vector<128x256xf32>, vector<128x256xf32> -> vector<128x256xf32>
    %add3A_143 = arith.addf %add3A_130, %dot_general3A_142 : vector<128x256xf32>
    %get3A_144 = arith.constant 9 : index
    %get3A_145 = arith.constant 0 : index
    %get3A_146 = arith.constant 0 : index
    %get3A_147 = vector.load %arg1[%get3A_144, %get3A_145, %get3A_146] : memref<26x128x128xf32, #tpu.memory_space<vmem>>, vector<1x128x128xf32>
    %get3A_148 = vector.shape_cast %get3A_147 : vector<1x128x128xf32> to vector<128x128xf32>
    %get3A_149 = arith.constant 11 : index
    %get3A_150 = arith.constant 0 : index
    %get3A_151 = arith.constant 0 : index
    %get3A_152 = vector.load %arg3[%get3A_149, %get3A_150, %get3A_151] : memref<28x128x256xf32, #tpu.memory_space<vmem>>, vector<1x128x256xf32>
    %get3A_153 = vector.shape_cast %get3A_152 : vector<1x128x256xf32> to vector<128x256xf32>
    %dot_general3A_154 = arith.constant dense<0.000000e+00> : vector<128x256xf32>
    %dot_general3A_155 = tpu.matmul %get3A_148, %get3A_153, %dot_general3A_154 {dimension_numbers = #tpu.dot_dimension_numbers<[1], [0], [0], [1], [0, 0, 1, 1], [], []>, transpose_lhs_hint = false} : vector<128x128xf32>, vector<128x256xf32>, vector<128x256xf32> -> vector<128x256xf32>
    %add3A_156 = arith.addf %add3A_143, %dot_general3A_155 : vector<128x256xf32>
    %get3A_157 = arith.constant 10 : index
    %get3A_158 = arith.constant 0 : index
    %get3A_159 = arith.constant 0 : index
    %get3A_160 = vector.load %arg1[%get3A_157, %get3A_158, %get3A_159] : memref<26x128x128xf32, #tpu.memory_space<vmem>>, vector<1x128x128xf32>
    %get3A_161 = vector.shape_cast %get3A_160 : vector<1x128x128xf32> to vector<128x128xf32>
    %get3A_162 = arith.constant 12 : index
    %get3A_163 = arith.constant 0 : index
    %get3A_164 = arith.constant 0 : index
    %get3A_165 = vector.load %arg3[%get3A_162, %get3A_163, %get3A_164] : memref<28x128x256xf32, #tpu.memory_space<vmem>>, vector<1x128x256xf32>
    %get3A_166 = vector.shape_cast %get3A_165 : vector<1x128x256xf32> to vector<128x256xf32>
    %dot_general3A_167 = arith.constant dense<0.000000e+00> : vector<128x256xf32>
    %dot_general3A_168 = tpu.matmul %get3A_161, %get3A_166, %dot_general3A_167 {dimension_numbers = #tpu.dot_dimension_numbers<[1], [0], [0], [1], [0, 0, 1, 1], [], []>, transpose_lhs_hint = false} : vector<128x128xf32>, vector<128x256xf32>, vector<128x256xf32> -> vector<128x256xf32>
    %add3A_169 = arith.addf %add3A_156, %dot_general3A_168 : vector<128x256xf32>
    %get3A_170 = arith.constant 11 : index
    %get3A_171 = arith.constant 0 : index
    %get3A_172 = arith.constant 0 : index
    %get3A_173 = vector.load %arg1[%get3A_170, %get3A_171, %get3A_172] : memref<26x128x128xf32, #tpu.memory_space<vmem>>, vector<1x128x128xf32>
    %get3A_174 = vector.shape_cast %get3A_173 : vector<1x128x128xf32> to vector<128x128xf32>
    %get3A_175 = arith.constant 13 : index
    %get3A_176 = arith.constant 0 : index
    %get3A_177 = arith.constant 0 : index
    %get3A_178 = vector.load %arg3[%get3A_175, %get3A_176, %get3A_177] : memref<28x128x256xf32, #tpu.memory_space<vmem>>, vector<1x128x256xf32>
    %get3A_179 = vector.shape_cast %get3A_178 : vector<1x128x256xf32> to vector<128x256xf32>
    %dot_general3A_180 = arith.constant dense<0.000000e+00> : vector<128x256xf32>
    %dot_general3A_181 = tpu.matmul %get3A_174, %get3A_179, %dot_general3A_180 {dimension_numbers = #tpu.dot_dimension_numbers<[1], [0], [0], [1], [0, 0, 1, 1], [], []>, transpose_lhs_hint = false} : vector<128x128xf32>, vector<128x256xf32>, vector<128x256xf32> -> vector<128x256xf32>
    %add3A_182 = arith.addf %add3A_169, %dot_general3A_181 : vector<128x256xf32>
    %get3A_183 = arith.constant 12 : index
    %get3A_184 = arith.constant 0 : index
    %get3A_185 = arith.constant 0 : index
    %get3A_186 = vector.load %arg1[%get3A_183, %get3A_184, %get3A_185] : memref<26x128x128xf32, #tpu.memory_space<vmem>>, vector<1x128x128xf32>
    %get3A_187 = vector.shape_cast %get3A_186 : vector<1x128x128xf32> to vector<128x128xf32>
    %get3A_188 = arith.constant 14 : index
    %get3A_189 = arith.constant 0 : index
    %get3A_190 = arith.constant 0 : index
    %get3A_191 = vector.load %arg3[%get3A_188, %get3A_189, %get3A_190] : memref<28x128x256xf32, #tpu.memory_space<vmem>>, vector<1x128x256xf32>
    %get3A_192 = vector.shape_cast %get3A_191 : vector<1x128x256xf32> to vector<128x256xf32>
    %dot_general3A_193 = arith.constant dense<0.000000e+00> : vector<128x256xf32>
    %dot_general3A_194 = tpu.matmul %get3A_187, %get3A_192, %dot_general3A_193 {dimension_numbers = #tpu.dot_dimension_numbers<[1], [0], [0], [1], [0, 0, 1, 1], [], []>, transpose_lhs_hint = false} : vector<128x128xf32>, vector<128x256xf32>, vector<128x256xf32> -> vector<128x256xf32>
    %add3A_195 = arith.addf %add3A_182, %dot_general3A_194 : vector<128x256xf32>
    %get3A_196 = arith.constant 13 : index
    %get3A_197 = arith.constant 0 : index
    %get3A_198 = arith.constant 0 : index
    %get3A_199 = vector.load %arg1[%get3A_196, %get3A_197, %get3A_198] : memref<26x128x128xf32, #tpu.memory_space<vmem>>, vector<1x128x128xf32>
    %get3A_200 = vector.shape_cast %get3A_199 : vector<1x128x128xf32> to vector<128x128xf32>
    %get3A_201 = arith.constant 15 : index
    %get3A_202 = arith.constant 0 : index
    %get3A_203 = arith.constant 0 : index
    %get3A_204 = vector.load %arg3[%get3A_201, %get3A_202, %get3A_203] : memref<28x128x256xf32, #tpu.memory_space<vmem>>, vector<1x128x256xf32>
    %get3A_205 = vector.shape_cast %get3A_204 : vector<1x128x256xf32> to vector<128x256xf32>
    %dot_general3A_206 = arith.constant dense<0.000000e+00> : vector<128x256xf32>
    %dot_general3A_207 = tpu.matmul %get3A_200, %get3A_205, %dot_general3A_206 {dimension_numbers = #tpu.dot_dimension_numbers<[1], [0], [0], [1], [0, 0, 1, 1], [], []>, transpose_lhs_hint = false} : vector<128x128xf32>, vector<128x256xf32>, vector<128x256xf32> -> vector<128x256xf32>
    %add3A_208 = arith.addf %add3A_195, %dot_general3A_207 : vector<128x256xf32>
    %get3A_209 = arith.constant 14 : index
    %get3A_210 = arith.constant 0 : index
    %get3A_211 = arith.constant 0 : index
    %get3A_212 = vector.load %arg1[%get3A_209, %get3A_210, %get3A_211] : memref<26x128x128xf32, #tpu.memory_space<vmem>>, vector<1x128x128xf32>
    %get3A_213 = vector.shape_cast %get3A_212 : vector<1x128x128xf32> to vector<128x128xf32>
    %get3A_214 = arith.constant 16 : index
    %get3A_215 = arith.constant 0 : index
    %get3A_216 = arith.constant 0 : index
    %get3A_217 = vector.load %arg3[%get3A_214, %get3A_215, %get3A_216] : memref<28x128x256xf32, #tpu.memory_space<vmem>>, vector<1x128x256xf32>
    %get3A_218 = vector.shape_cast %get3A_217 : vector<1x128x256xf32> to vector<128x256xf32>
    %dot_general3A_219 = arith.constant dense<0.000000e+00> : vector<128x256xf32>
    %dot_general3A_220 = tpu.matmul %get3A_213, %get3A_218, %dot_general3A_219 {dimension_numbers = #tpu.dot_dimension_numbers<[1], [0], [0], [1], [0, 0, 1, 1], [], []>, transpose_lhs_hint = false} : vector<128x128xf32>, vector<128x256xf32>, vector<128x256xf32> -> vector<128x256xf32>
    %add3A_221 = arith.addf %add3A_208, %dot_general3A_220 : vector<128x256xf32>
    %get3A_222 = arith.constant 15 : index
    %get3A_223 = arith.constant 0 : index
    %get3A_224 = arith.constant 0 : index
    %get3A_225 = vector.load %arg1[%get3A_222, %get3A_223, %get3A_224] : memref<26x128x128xf32, #tpu.memory_space<vmem>>, vector<1x128x128xf32>
    %get3A_226 = vector.shape_cast %get3A_225 : vector<1x128x128xf32> to vector<128x128xf32>
    %get3A_227 = arith.constant 17 : index
    %get3A_228 = arith.constant 0 : index
    %get3A_229 = arith.constant 0 : index
    %get3A_230 = vector.load %arg3[%get3A_227, %get3A_228, %get3A_229] : memref<28x128x256xf32, #tpu.memory_space<vmem>>, vector<1x128x256xf32>
    %get3A_231 = vector.shape_cast %get3A_230 : vector<1x128x256xf32> to vector<128x256xf32>
    %dot_general3A_232 = arith.constant dense<0.000000e+00> : vector<128x256xf32>
    %dot_general3A_233 = tpu.matmul %get3A_226, %get3A_231, %dot_general3A_232 {dimension_numbers = #tpu.dot_dimension_numbers<[1], [0], [0], [1], [0, 0, 1, 1], [], []>, transpose_lhs_hint = false} : vector<128x128xf32>, vector<128x256xf32>, vector<128x256xf32> -> vector<128x256xf32>
    %add3A_234 = arith.addf %add3A_221, %dot_general3A_233 : vector<128x256xf32>
    %get3A_235 = arith.constant 16 : index
    %get3A_236 = arith.constant 0 : index
    %get3A_237 = arith.constant 0 : index
    %get3A_238 = vector.load %arg1[%get3A_235, %get3A_236, %get3A_237] : memref<26x128x128xf32, #tpu.memory_space<vmem>>, vector<1x128x128xf32>
    %get3A_239 = vector.shape_cast %get3A_238 : vector<1x128x128xf32> to vector<128x128xf32>
    %get3A_240 = arith.constant 18 : index
    %get3A_241 = arith.constant 0 : index
    %get3A_242 = arith.constant 0 : index
    %get3A_243 = vector.load %arg3[%get3A_240, %get3A_241, %get3A_242] : memref<28x128x256xf32, #tpu.memory_space<vmem>>, vector<1x128x256xf32>
    %get3A_244 = vector.shape_cast %get3A_243 : vector<1x128x256xf32> to vector<128x256xf32>
    %dot_general3A_245 = arith.constant dense<0.000000e+00> : vector<128x256xf32>
    %dot_general3A_246 = tpu.matmul %get3A_239, %get3A_244, %dot_general3A_245 {dimension_numbers = #tpu.dot_dimension_numbers<[1], [0], [0], [1], [0, 0, 1, 1], [], []>, transpose_lhs_hint = false} : vector<128x128xf32>, vector<128x256xf32>, vector<128x256xf32> -> vector<128x256xf32>
    %add3A_247 = arith.addf %add3A_234, %dot_general3A_246 : vector<128x256xf32>
    %get3A_248 = arith.constant 17 : index
    %get3A_249 = arith.constant 0 : index
    %get3A_250 = arith.constant 0 : index
    %get3A_251 = vector.load %arg1[%get3A_248, %get3A_249, %get3A_250] : memref<26x128x128xf32, #tpu.memory_space<vmem>>, vector<1x128x128xf32>
    %get3A_252 = vector.shape_cast %get3A_251 : vector<1x128x128xf32> to vector<128x128xf32>
    %get3A_253 = arith.constant 19 : index
    %get3A_254 = arith.constant 0 : index
    %get3A_255 = arith.constant 0 : index
    %get3A_256 = vector.load %arg3[%get3A_253, %get3A_254, %get3A_255] : memref<28x128x256xf32, #tpu.memory_space<vmem>>, vector<1x128x256xf32>
    %get3A_257 = vector.shape_cast %get3A_256 : vector<1x128x256xf32> to vector<128x256xf32>
    %dot_general3A_258 = arith.constant dense<0.000000e+00> : vector<128x256xf32>
    %dot_general3A_259 = tpu.matmul %get3A_252, %get3A_257, %dot_general3A_258 {dimension_numbers = #tpu.dot_dimension_numbers<[1], [0], [0], [1], [0, 0, 1, 1], [], []>, transpose_lhs_hint = false} : vector<128x128xf32>, vector<128x256xf32>, vector<128x256xf32> -> vector<128x256xf32>
    %add3A_260 = arith.addf %add3A_247, %dot_general3A_259 : vector<128x256xf32>
    %get3A_261 = arith.constant 18 : index
    %get3A_262 = arith.constant 0 : index
    %get3A_263 = arith.constant 0 : index
    %get3A_264 = vector.load %arg1[%get3A_261, %get3A_262, %get3A_263] : memref<26x128x128xf32, #tpu.memory_space<vmem>>, vector<1x128x128xf32>
    %get3A_265 = vector.shape_cast %get3A_264 : vector<1x128x128xf32> to vector<128x128xf32>
    %get3A_266 = arith.constant 20 : index
    %get3A_267 = arith.constant 0 : index
    %get3A_268 = arith.constant 0 : index
    %get3A_269 = vector.load %arg3[%get3A_266, %get3A_267, %get3A_268] : memref<28x128x256xf32, #tpu.memory_space<vmem>>, vector<1x128x256xf32>
    %get3A_270 = vector.shape_cast %get3A_269 : vector<1x128x256xf32> to vector<128x256xf32>
    %dot_general3A_271 = arith.constant dense<0.000000e+00> : vector<128x256xf32>
    %dot_general3A_272 = tpu.matmul %get3A_265, %get3A_270, %dot_general3A_271 {dimension_numbers = #tpu.dot_dimension_numbers<[1], [0], [0], [1], [0, 0, 1, 1], [], []>, transpose_lhs_hint = false} : vector<128x128xf32>, vector<128x256xf32>, vector<128x256xf32> -> vector<128x256xf32>
    %add3A_273 = arith.addf %add3A_260, %dot_general3A_272 : vector<128x256xf32>
    %get3A_274 = arith.constant 19 : index
    %get3A_275 = arith.constant 0 : index
    %get3A_276 = arith.constant 0 : index
    %get3A_277 = vector.load %arg1[%get3A_274, %get3A_275, %get3A_276] : memref<26x128x128xf32, #tpu.memory_space<vmem>>, vector<1x128x128xf32>
    %get3A_278 = vector.shape_cast %get3A_277 : vector<1x128x128xf32> to vector<128x128xf32>
    %get3A_279 = arith.constant 21 : index
    %get3A_280 = arith.constant 0 : index
    %get3A_281 = arith.constant 0 : index
    %get3A_282 = vector.load %arg3[%get3A_279, %get3A_280, %get3A_281] : memref<28x128x256xf32, #tpu.memory_space<vmem>>, vector<1x128x256xf32>
    %get3A_283 = vector.shape_cast %get3A_282 : vector<1x128x256xf32> to vector<128x256xf32>
    %dot_general3A_284 = arith.constant dense<0.000000e+00> : vector<128x256xf32>
    %dot_general3A_285 = tpu.matmul %get3A_278, %get3A_283, %dot_general3A_284 {dimension_numbers = #tpu.dot_dimension_numbers<[1], [0], [0], [1], [0, 0, 1, 1], [], []>, transpose_lhs_hint = false} : vector<128x128xf32>, vector<128x256xf32>, vector<128x256xf32> -> vector<128x256xf32>
    %add3A_286 = arith.addf %add3A_273, %dot_general3A_285 : vector<128x256xf32>
    %get3A_287 = arith.constant 20 : index
    %get3A_288 = arith.constant 0 : index
    %get3A_289 = arith.constant 0 : index
    %get3A_290 = vector.load %arg1[%get3A_287, %get3A_288, %get3A_289] : memref<26x128x128xf32, #tpu.memory_space<vmem>>, vector<1x128x128xf32>
    %get3A_291 = vector.shape_cast %get3A_290 : vector<1x128x128xf32> to vector<128x128xf32>
    %get3A_292 = arith.constant 22 : index
    %get3A_293 = arith.constant 0 : index
    %get3A_294 = arith.constant 0 : index
    %get3A_295 = vector.load %arg3[%get3A_292, %get3A_293, %get3A_294] : memref<28x128x256xf32, #tpu.memory_space<vmem>>, vector<1x128x256xf32>
    %get3A_296 = vector.shape_cast %get3A_295 : vector<1x128x256xf32> to vector<128x256xf32>
    %dot_general3A_297 = arith.constant dense<0.000000e+00> : vector<128x256xf32>
    %dot_general3A_298 = tpu.matmul %get3A_291, %get3A_296, %dot_general3A_297 {dimension_numbers = #tpu.dot_dimension_numbers<[1], [0], [0], [1], [0, 0, 1, 1], [], []>, transpose_lhs_hint = false} : vector<128x128xf32>, vector<128x256xf32>, vector<128x256xf32> -> vector<128x256xf32>
    %add3A_299 = arith.addf %add3A_286, %dot_general3A_298 : vector<128x256xf32>
    %get3A_300 = arith.constant 21 : index
    %get3A_301 = arith.constant 0 : index
    %get3A_302 = arith.constant 0 : index
    %get3A_303 = vector.load %arg1[%get3A_300, %get3A_301, %get3A_302] : memref<26x128x128xf32, #tpu.memory_space<vmem>>, vector<1x128x128xf32>
    %get3A_304 = vector.shape_cast %get3A_303 : vector<1x128x128xf32> to vector<128x128xf32>
    %get3A_305 = arith.constant 23 : index
    %get3A_306 = arith.constant 0 : index
    %get3A_307 = arith.constant 0 : index
    %get3A_308 = vector.load %arg3[%get3A_305, %get3A_306, %get3A_307] : memref<28x128x256xf32, #tpu.memory_space<vmem>>, vector<1x128x256xf32>
    %get3A_309 = vector.shape_cast %get3A_308 : vector<1x128x256xf32> to vector<128x256xf32>
    %dot_general3A_310 = arith.constant dense<0.000000e+00> : vector<128x256xf32>
    %dot_general3A_311 = tpu.matmul %get3A_304, %get3A_309, %dot_general3A_310 {dimension_numbers = #tpu.dot_dimension_numbers<[1], [0], [0], [1], [0, 0, 1, 1], [], []>, transpose_lhs_hint = false} : vector<128x128xf32>, vector<128x256xf32>, vector<128x256xf32> -> vector<128x256xf32>
    %add3A_312 = arith.addf %add3A_299, %dot_general3A_311 : vector<128x256xf32>
    %get3A_313 = arith.constant 22 : index
    %get3A_314 = arith.constant 0 : index
    %get3A_315 = arith.constant 0 : index
    %get3A_316 = vector.load %arg1[%get3A_313, %get3A_314, %get3A_315] : memref<26x128x128xf32, #tpu.memory_space<vmem>>, vector<1x128x128xf32>
    %get3A_317 = vector.shape_cast %get3A_316 : vector<1x128x128xf32> to vector<128x128xf32>
    %get3A_318 = arith.constant 24 : index
    %get3A_319 = arith.constant 0 : index
    %get3A_320 = arith.constant 0 : index
    %get3A_321 = vector.load %arg3[%get3A_318, %get3A_319, %get3A_320] : memref<28x128x256xf32, #tpu.memory_space<vmem>>, vector<1x128x256xf32>
    %get3A_322 = vector.shape_cast %get3A_321 : vector<1x128x256xf32> to vector<128x256xf32>
    %dot_general3A_323 = arith.constant dense<0.000000e+00> : vector<128x256xf32>
    %dot_general3A_324 = tpu.matmul %get3A_317, %get3A_322, %dot_general3A_323 {dimension_numbers = #tpu.dot_dimension_numbers<[1], [0], [0], [1], [0, 0, 1, 1], [], []>, transpose_lhs_hint = false} : vector<128x128xf32>, vector<128x256xf32>, vector<128x256xf32> -> vector<128x256xf32>
    %add3A_325 = arith.addf %add3A_312, %dot_general3A_324 : vector<128x256xf32>
    %get3A_326 = arith.constant 23 : index
    %get3A_327 = arith.constant 0 : index
    %get3A_328 = arith.constant 0 : index
    %get3A_329 = vector.load %arg1[%get3A_326, %get3A_327, %get3A_328] : memref<26x128x128xf32, #tpu.memory_space<vmem>>, vector<1x128x128xf32>
    %get3A_330 = vector.shape_cast %get3A_329 : vector<1x128x128xf32> to vector<128x128xf32>
    %get3A_331 = arith.constant 25 : index
    %get3A_332 = arith.constant 0 : index
    %get3A_333 = arith.constant 0 : index
    %get3A_334 = vector.load %arg3[%get3A_331, %get3A_332, %get3A_333] : memref<28x128x256xf32, #tpu.memory_space<vmem>>, vector<1x128x256xf32>
    %get3A_335 = vector.shape_cast %get3A_334 : vector<1x128x256xf32> to vector<128x256xf32>
    %dot_general3A_336 = arith.constant dense<0.000000e+00> : vector<128x256xf32>
    %dot_general3A_337 = tpu.matmul %get3A_330, %get3A_335, %dot_general3A_336 {dimension_numbers = #tpu.dot_dimension_numbers<[1], [0], [0], [1], [0, 0, 1, 1], [], []>, transpose_lhs_hint = false} : vector<128x128xf32>, vector<128x256xf32>, vector<128x256xf32> -> vector<128x256xf32>
    %add3A_338 = arith.addf %add3A_325, %dot_general3A_337 : vector<128x256xf32>
    %get3A_339 = arith.constant 24 : index
    %get3A_340 = arith.constant 0 : index
    %get3A_341 = arith.constant 0 : index
    %get3A_342 = vector.load %arg1[%get3A_339, %get3A_340, %get3A_341] : memref<26x128x128xf32, #tpu.memory_space<vmem>>, vector<1x128x128xf32>
    %get3A_343 = vector.shape_cast %get3A_342 : vector<1x128x128xf32> to vector<128x128xf32>
    %get3A_344 = arith.constant 26 : index
    %get3A_345 = arith.constant 0 : index
    %get3A_346 = arith.constant 0 : index
    %get3A_347 = vector.load %arg3[%get3A_344, %get3A_345, %get3A_346] : memref<28x128x256xf32, #tpu.memory_space<vmem>>, vector<1x128x256xf32>
    %get3A_348 = vector.shape_cast %get3A_347 : vector<1x128x256xf32> to vector<128x256xf32>
    %dot_general3A_349 = arith.constant dense<0.000000e+00> : vector<128x256xf32>
    %dot_general3A_350 = tpu.matmul %get3A_343, %get3A_348, %dot_general3A_349 {dimension_numbers = #tpu.dot_dimension_numbers<[1], [0], [0], [1], [0, 0, 1, 1], [], []>, transpose_lhs_hint = false} : vector<128x128xf32>, vector<128x256xf32>, vector<128x256xf32> -> vector<128x256xf32>
    %add3A_351 = arith.addf %add3A_338, %dot_general3A_350 : vector<128x256xf32>
    %get3A_352 = arith.constant 25 : index
    %get3A_353 = arith.constant 0 : index
    %get3A_354 = arith.constant 0 : index
    %get3A_355 = vector.load %arg1[%get3A_352, %get3A_353, %get3A_354] : memref<26x128x128xf32, #tpu.memory_space<vmem>>, vector<1x128x128xf32>
    %get3A_356 = vector.shape_cast %get3A_355 : vector<1x128x128xf32> to vector<128x128xf32>
    %get3A_357 = arith.constant 27 : index
    %get3A_358 = arith.constant 0 : index
    %get3A_359 = arith.constant 0 : index
    %get3A_360 = vector.load %arg3[%get3A_357, %get3A_358, %get3A_359] : memref<28x128x256xf32, #tpu.memory_space<vmem>>, vector<1x128x256xf32>
    %get3A_361 = vector.shape_cast %get3A_360 : vector<1x128x256xf32> to vector<128x256xf32>
    %dot_general3A_362 = arith.constant dense<0.000000e+00> : vector<128x256xf32>
    %dot_general3A_363 = tpu.matmul %get3A_356, %get3A_361, %dot_general3A_362 {dimension_numbers = #tpu.dot_dimension_numbers<[1], [0], [0], [1], [0, 0, 1, 1], [], []>, transpose_lhs_hint = false} : vector<128x128xf32>, vector<128x256xf32>, vector<128x256xf32> -> vector<128x256xf32>
    %add3A_364 = arith.addf %add3A_351, %dot_general3A_363 : vector<128x256xf32>
    %max3A = arith.constant 0.000000e+00 : f32
    %max3A_365 = vector.broadcast %max3A : f32 to vector<128x256xf32>
    %max3A_366 = arith.maximumf %add3A_364, %max3A_365 : vector<128x256xf32>
    %get3A_367 = arith.constant 0 : index
    %get3A_368 = arith.constant 0 : index
    %get3A_369 = vector.load %arg5[%get3A_367, %get3A_368] : memref<256x4xf32, #tpu.memory_space<vmem>>, vector<256x4xf32>
    %dot_general3A_370 = arith.constant dense<0.000000e+00> : vector<128x4xf32>
    %dot_general3A_371 = tpu.matmul %max3A_366, %get3A_369, %dot_general3A_370 {dimension_numbers = #tpu.dot_dimension_numbers<[1], [0], [0], [1], [0, 0, 1, 1], [], []>, transpose_lhs_hint = false} : vector<128x256xf32>, vector<256x4xf32>, vector<128x4xf32> -> vector<128x4xf32>
    %get3A_372 = arith.constant 0 : index
    %get3A_373 = arith.constant 0 : index
    %get3A_374 = vector.load %arg6[%get3A_372, %get3A_373] : memref<1x4xf32, #tpu.memory_space<vmem>>, vector<1x4xf32>
    %add3A_375 = vector.broadcast %get3A_374 : vector<1x4xf32> to vector<128x4xf32>
    %add3A_376 = arith.addf %dot_general3A_371, %add3A_375 : vector<128x4xf32>
    %logistic3A = arith.negf %add3A_376 : vector<128x4xf32>
    %logistic3A_377 = math.exp %logistic3A : vector<128x4xf32>
    %logistic3A_378 = arith.constant 1.000000e+00 : f32
    %logistic3A_379 = vector.broadcast %logistic3A_378 : f32 to vector<128x4xf32>
    %logistic3A_380 = arith.addf %logistic3A_379, %logistic3A_377 : vector<128x4xf32>
    %logistic3A_381 = arith.divf %logistic3A_379, %logistic3A_380 : vector<128x4xf32>
    %swap3A = arith.constant 0 : index
    %swap3A_382 = arith.constant 0 : index
    %swap3A_383 = vector.load %arg7[%swap3A, %swap3A_382] : memref<128x4xf32, #tpu.memory_space<vmem>>, vector<128x4xf32>
    tpu.vector_store %arg7[%swap3A, %swap3A_382], %logistic3A_381 {strides = array<i32>} : memref<128x4xf32, #tpu.memory_space<vmem>>, vector<128x4xf32>,
    return
  }
  func.func @transform_0(%arg0: i32) -> (i32, i32, i32) {
    %c0_i32 = arith.constant 0 : i32
    %c0_i32_0 = arith.constant 0 : i32
    %c0_i32_1 = arith.constant 0 : i32
    return %c0_i32, %arg0, %c0_i32_0 : i32, i32, i32
  }
  func.func @transform_1(%arg0: i32) -> (i32, i32, i32) {
    %c0_i32 = arith.constant 0 : i32
    %c0_i32_0 = arith.constant 0 : i32
    %c0_i32_1 = arith.constant 0 : i32
    return %c0_i32, %arg0, %c0_i32_0 : i32, i32, i32
  }
  func.func @transform_2(%arg0: i32) -> (i32, i32, i32) {
    %c0_i32 = arith.constant 0 : i32
    %c0_i32_0 = arith.constant 0 : i32
    %c0_i32_1 = arith.constant 0 : i32
    %c0_i32_2 = arith.constant 0 : i32
    return %c0_i32, %c0_i32_0, %c0_i32_1 : i32, i32, i32
  }
  func.func @transform_3(%arg0: i32) -> (i32, i32) {
    %c0_i32 = arith.constant 0 : i32
    %c0_i32_0 = arith.constant 0 : i32
    %c0_i32_1 = arith.constant 0 : i32
    return %c0_i32, %c0_i32_0 : i32, i32
  }
  func.func @transform_4(%arg0: i32) -> (i32, i32) {
    %c0_i32 = arith.constant 0 : i32
    %c0_i32_0 = arith.constant 0 : i32
    %c0_i32_1 = arith.constant 0 : i32
    return %c0_i32, %c0_i32_0 : i32, i32
  }
  func.func @transform_5(%arg0: i32) -> (i32, i32) {
    %c0_i32 = arith.constant 0 : i32
    %c0_i32_0 = arith.constant 0 : i32
    %c0_i32_1 = arith.constant 0 : i32
    return %c0_i32, %c0_i32_0 : i32, i32
  }
  func.func @transform_6(%arg0: i32) -> (i32, i32) {
    %c0_i32 = arith.constant 0 : i32
    %c0_i32_0 = arith.constant 0 : i32
    return %arg0, %c0_i32 : i32, i32
  }
}

</mosaic_0001>

<sc_bundles>
// kernel: kernel.11.cloned.1.call-start
scs
__scs_entry_jumppad:
0x0: {  	(pc) =	sbr.rel $0x88, $3  }
0x1: {  	(tag) =	ssettag $0x0;
	lr =	simm.s32 $0x1  }
0x2: {  	[smem:$0x3F97] =	sst lr;
	_ =	strace $0xD0000000  }
0x3: {  	_ = 	snop  }
0x4: {  	_ = 	snop  }
0x5: {  	_ = 	snop  }
0x6: {  	_ = 	snop  }
0x7: {  	_ = 	snop  }
__scs_overlays_trampoline_lowered:
0x8: {  	[smem:$0x3FA6] =	sst s0  }
0x9: {  	[smem:$0x3FA7] =	sst s1  }
0xa: {  	[smem:$0x3FA8] =	sst s2  }
0xb: {  	[smem:$0x3FA9] =	sst s3  }
0xc: {  	[smem:$0x3FAA] =	sst s4  }
0xd: {  	[smem:$0x3FAB] =	sst s5  }
0xe: {  	[smem:$0x3FAC] =	sst s6  }
0xf: {  	[smem:$0x3FAD] =	sst s7  }
0x10: {  	[smem:$0x3FAE] =	sst s8  }
0x11: {  	[smem:$0x3FAF] =	sst s9;
	s0 =	simm.s32 @!p0 $0x0  }
0x12: {  	s1 =	sld [smem:$0x3F95];
	s0 =	simm.s32 @p0 $0x1  }
0x13: {  	[smem:$0x3FB0] =	sst s0;
	s0 =	simm.s32 @!p1 $0x0  }
0x14: {  	s2 =	sld [smem:$0x3F94];
	s0 =	simm.s32 @p1 $0x1  }
0x15: {  	[smem:$0x3FB1] =	sst s0;
	s0 =	simm.s32 @!p2 $0x0  }
0x16: {  	s3 =	sld [smem:$0x3FDB];
	s0 =	simm.s32 @p2 $0x1  }
0x17: {  	s4 =	simm.s32 $0x1BF5;
	[smem:$0x3FB3] =	sst s0  }
0x18: {  	s0 =	sld [smem:$0x3F96];
	_ =	swait.ge [sflag:s4], $0x0  }
0x19: {  	s7 =	sld [smem:$0x3F97]  }
0x1a: {  	s8 =	sadd.s32 $0xFFFFE003, lr  }
0x1b: {  	s9 =	sadd.s32 $0xFFFFFEF7, lr;
	s5 =	simm.s32 $0xFFFFFFFF;
	p2 =	slt.u32 s8, $0xFFFFF086  }
0x1c: {  	p1 =	slt.u32 s9, $0xF7A;
	s5 =	simm.s32 @!p2 $0x0  }
0x1d: {  	s5 =	simm.s32 @p1 $0x1;
	p0 =	seq.s32 s7, s2  }
0x1e: {  	s7 =	smul.u32 @!p0 $0xF7A, s2;
	p2 =	seq.s32 @!p0 s5, $0x0  }
0x1f: {  	s9 =	smul.u32 $0xF7A, s1;
	s8 =	simm.s32 @!p0 $0x1BF5;
	p2 =	por !p2, p0  }
0x20: {  	[sflag:s8] =	ssyncset.s32 @!p0 $0xFFFFF086;
	s6 =	sadd.s32 @!p0 s3, s7;
	s7 =	simm.s32 @!p0 $0x108  }
0x21: {  	s3 =	sadd.s32 s3, s9;
	s6 =	sadd.s32 @!p0 $0x88, s6;
	s7 =	simm.s32 @p2 $0x1082  }
0x22: {  	[simem:s7], [sflag:s8] =	dma.local @!p0 [hbm:s6], $0xF7A  }
0x23: {  	s9 =	sor.u32 $0xD0000000, s2;
	s6 =	simm.s32 $0x108;
	_ =	swait.ge @!p0 [sflag:s8], $0x0  }
0x24: {  	s3 =	sadd.s32 $0x88, s3;
	s6 =	simm.s32 @!p1 $0x1082;
	[sflag:s4] =	ssyncset.s32 $0xFFFFF086  }
0x25: {  	[simem:s6], [sflag:s4] =	dma.local [hbm:s3], $0xF7A  }
0x26: {  	[smem:$0x3F97] =	sst s1;
	(tag) =	ssettag s2;
	_ =	strace s9  }
0x27: {  	s1 =	sld [smem:$0x3FA7]  }
0x28: {  	s2 =	sld [smem:$0x3FA8]  }
0x29: {  	s4 =	sld [smem:$0x3FAA]  }
0x2a: {  	p0 =	seq.s32 s5, $0x0;
	s5 =	sld [smem:$0x3FAB]  }
0x2b: {  	s6 =	sld [smem:$0x3FAC]  }
0x2c: {  	s7 =	sld [smem:$0x3FAD]  }
0x2d: {  	s3 =	simm.s32 $0x108;
	s8 =	sld [smem:$0x3FAE]  }
0x2e: {  	s3 =	simm.s32 @!p0 $0x1082;
	s9 =	sld [smem:$0x3FAF]  }
0x2f: {  	lr =	sadd.s32 s0, s3;
	s0 =	sld [smem:$0x3FA6]  }
0x30: {  	s3 =	sld [smem:$0x3FA9]  }
0x31: {  	[smem:$0x3FB2] =	sst s10  }
0x32: {  	s10 =	sld [smem:$0x3FB0];
	_ =	sdelay $0x3  }
0x33: {  	p0 =	seq.s32 s10, $0x1;
	s10 =	sld [smem:$0x3FB2];
	_ =	sdelay $0x3  }
0x34: {  	[smem:$0x3FB2] =	sst s10  }
0x35: {  	s10 =	sld [smem:$0x3FB1];
	_ =	sdelay $0x3  }
0x36: {  	p1 =	seq.s32 s10, $0x1;
	s10 =	sld [smem:$0x3FB2];
	_ =	sdelay $0x3  }
0x37: {  	[smem:$0x3FB2] =	sst s10  }
0x38: {  	s10 =	sld [smem:$0x3FB3]  }
0x39: {  	_ = 	snop;
	(pc) =	sbr.ind lr, $3  }
0x3a: {  	_ = 	snop  }
0x3b: {  	_ = 	snop  }
0x3c: {  	p2 =	seq.s32 s10, $0x1;
	s10 =	sld [smem:$0x3FB2]  }
0x3d: {  	_ =	shalt  }
0x3e: {  	_ =	shalt  }
0x3f: {  	_ =	shalt  }
0x40: {  	_ =	shalt  }
0x41: {  	_ =	shalt  }
0x42: {  	_ =	shalt  }
0x43: {  	_ =	shalt  }
0x44: {  	_ =	shalt  }
0x45: {  	_ =	shalt  }
0x46: {  	_ =	shalt  }
0x47: {  	_ =	shalt  }
0x48: {  	_ =	shalt  }
0x49: {  	_ =	shalt  }
0x4a: {  	_ =	shalt  }
0x4b: {  	_ =	shalt  }
0x4c: {  	_ =	shalt  }
0x4d: {  	_ =	shalt  }
0x4e: {  	_ =	shalt  }
0x4f: {  	_ =	shalt  }
0x50: {  	_ =	shalt  }
0x51: {  	_ =	shalt  }
0x52: {  	_ =	shalt  }
0x53: {  	_ =	shalt  }
0x54: {  	_ =	shalt  }
0x55: {  	_ =	shalt  }
0x56: {  	_ =	shalt  }
0x57: {  	_ =	shalt  }
0x58: {  	_ =	shalt  }
0x59: {  	_ =	shalt  }
0x5a: {  	_ =	shalt  }
0x5b: {  	_ =	shalt  }
0x5c: {  	_ =	shalt  }
0x5d: {  	_ =	shalt  }
0x5e: {  	_ =	shalt  }
0x5f: {  	_ =	shalt  }
0x60: {  	_ =	shalt  }
0x61: {  	_ =	shalt  }
0x62: {  	_ =	shalt  }
0x63: {  	_ =	shalt  }
0x64: {  	_ =	shalt  }
0x65: {  	_ =	shalt  }
0x66: {  	_ =	shalt  }
0x67: {  	_ =	shalt  }
0x68: {  	_ =	shalt  }
0x69: {  	_ =	shalt  }
0x6a: {  	_ =	shalt  }
0x6b: {  	_ =	shalt  }
0x6c: {  	_ =	shalt  }
0x6d: {  	_ =	shalt  }
0x6e: {  	_ =	shalt  }
0x6f: {  	_ =	shalt  }
0x70: {  	_ =	shalt  }
0x71: {  	_ =	shalt  }
0x72: {  	_ =	shalt  }
0x73: {  	_ =	shalt  }
0x74: {  	_ =	shalt  }
0x75: {  	_ =	shalt  }
0x76: {  	_ =	shalt  }
0x77: {  	_ =	shalt  }
0x78: {  	_ =	shalt  }
0x79: {  	_ =	shalt  }
0x7a: {  	_ =	shalt  }
0x7b: {  	_ =	shalt  }
0x7c: {  	_ =	shalt  }
0x7d: {  	_ =	shalt  }
0x7e: {  	_ =	shalt  }
0x7f: {  	_ =	shalt  }
0x80: {  	_ =	shalt  }
0x81: {  	_ =	shalt  }
0x82: {  	_ =	shalt  }
0x83: {  	_ =	shalt  }
0x84: {  	_ =	shalt  }
0x85: {  	_ =	shalt  }
0x86: {  	_ =	shalt  }
0x87: {  	_ =	shalt  }
.Lfunc_end0:
.L_simem_size_0:
called_computation.1_lowered:
.L_overlay_start_0:
0x88: {  	s2 =	sld [smem:$0x3FD9]  }
0x89: {  	s3 =	sld [smem:$0x3FFE];
	_ =	sdelay $0x1  }
0x8a: {  	s1 =	srdreg.scid  }
0x8b: {  	s0 =	sand.u32 $0x1, s1  }
0x8c: {  	s17 =	sshll.u32 s0, $0xA;
	s2 =	sadd.s32 s3, s2  }
0x8d: {  	s2 =	sadd.s32 s2, s17  }
0x8e: {  	[smem:$0x3FBE] =	sst s2  }
0x8f: {  	_ = 	snop  }
0x90: {  	(tm) =	ssettm $0x1  }
0x91: {  	s18 =	sld [smem:$0x3FFB];
	_ =	sdelay $0x3  }
0x92: {  	_ =	strace s18  }
0x93: {  	s2 =	sld [smem:$0x3FFC];
	_ =	sdelay $0x3  }
0x94: {  	_ =	strace s2  }
0x95: {  	s2 =	sld [smem:$0x3FFD];
	_ =	sdelay $0x3  }
0x96: {  	_ =	strace s2  }
0x97: {  	_ =	strace $0x8FFFFFFF  }
0x98: {  	s19 =	sld [smem:$0x3FDB];
	_ =	sdelay $0x1  }
0x99: {  	s20 =	simm.s32 $_scs_section_size  }
0x9a: {  	s4 =	simm.s32 $_size__tile_overlayer_lowered;
	s5 =	simm.s32 $_tile_overlayer_lowered  }
0x9b: {  	s6 =	simm.s32 $0x1BFF;
	s21 =	sshll.u32 s5, $0x1;
	s3 =	sadd.s32 s20, s19  }
0x9c: {  	s22 =	simm.s32 $0x0;
	s4 =	sshll.u32 s4, $0x1;
	s5 =	sadd.s32 s21, s3  }
0x9d: {  	[timem:s22], [sflag:s6] =	dma.local [hbm:s5], s4  }
0x9e: {  	_ =	swait.ge [sflag:s6], s4  }
0x9f: {  	s4 =	ssub.s32 $0x0, s4;
	[sflag:s6] =	ssyncset.done $0x0  }
0xa0: {  	[sflag:s6] =	ssyncadd.s32 s4;
	_ =	sdelay $0x1  }
0xa1: {  	s23 =	simm.s32 $0x1B8B  }
0xa2: {  	_ =	swait.ge [sflag:s23], $0x1  }
0xa3: {  	[sflag:s23] =	ssyncset.done $0x0  }
0xa4: {  	[sflag:s23] =	ssyncadd.s32 $0xFFFFFFFF  }
0xa5: {  	s4 =	sld [smem:$0x0]  }
0xa6: {  	s5 =	sand.u32 $0xFFFFFFFE, s1  }
0xa7: {  	p0 =	sne.s32 s1, s5  }
0xa8: {  	s5 =	sshll.u32 @p0 s5, $0xE  }
0xa9: {  	s5 =	sadd.s32 @p0 $0x11B8D, s5;
	s6 =	sshll.u32 @p0 s4, $0x11  }
0xaa: {  	s5 =	sor.u32 @p0 s6, s5  }
0xab: {  	[sflag:s5] =	ssyncadd.remote.s32 @p0 $0x1;
	_ =	sdelay $0x1  }
0xac: {  	s5 =	simm.s32 @p0 $0x1B8D  }
0xad: {  	_ =	swait.eq @p0 [sflag:s5], $0x1  }
0xae: {  	[sflag:s5] =	ssyncadd.s32 @p0 $0xFFFFFFFF  }
0xaf: {  	s6 =	sshll.u32 @!p0 s1, $0xE  }
0xb0: {  	s6 =	sor.u32 @!p0 $0x4000, s6;
	s5 =	simm.s32 @!p0 $0x1B8D  }
0xb1: {  	s4 =	sshll.u32 @!p0 s4, $0x11;
	s6 =	sadd.s32 @!p0 $0x11B8D, s6;
	_ =	swait.eq @!p0 [sflag:s5], $0x1  }
0xb2: {  	s4 =	sor.u32 @!p0 s4, s6;
	[sflag:s5] =	ssyncadd.s32 @!p0 $0xFFFFFFFF  }
0xb3: {  	s25 =	simm.s32 $0x1B8E;
	s24 =	sld [smem:$0x3FFE];
	[sflag:s4] =	ssyncadd.remote.s32 @!p0 $0x1  }
0xb4: {  	s26 =	simm.s32 $execute0_lowered;
	[smem:$0x3FD2] =	sst s25  }
0xb5: {  	s5 =	sshll.u32 s26, $0x1;
	_ =	strace $0x80000049;
	[dreg:$0x1] =	wrdreg $0xFFFFFFFF  }
0xb6: {  	s28 =	simm.s32 $_size_execute0_lowered;
	s3 =	sadd.s32 s3, s5;
	[dreg:$0x0] =	wrdreg $0x0  }
0xb7: {  	s5 =	sshll.u32 s28, $0x1;
	[dreg:$0x2] =	wrdreg s3  }
0xb8: {  	[dreg:$0x3] =	wrdreg s5  }
0xb9: {  	[dreg:$0x4] =	wrdreg $0xC0  }
0xba: {  	_ =	task [dreg:s22], $0x5FFFF  }
0xbb: {  	[dreg:$0x1] =	wrdreg $0xFFFFFFFF  }
0xbc: {  	[dreg:$0x0] =	wrdreg $0x60  }
0xbd: {  	[dreg:$0x2] =	wrdreg s24  }
0xbe: {  	[dreg:$0x3] =	wrdreg $0xA  }
0xbf: {  	_ =	task.clear_ibuf [dreg:s22], $0x4FFFF;
	_ =	strace $0x90000049  }
0xc0: {  	s29 =	simm.s32 $0xA;
	_ =	strace $0x8000004B  }
0xc1: {  	_ =	swait.ge [sflag:s29], $0x1  }
0xc2: {  	[sflag:s29] =	ssyncadd.s32 $0xFFFFFFFF  }
0xc3: {  	_ =	strace $0x9000004B  }
0xc4: {  	_ =	sfence  }
0xc5: {  	s30 =	sld [smem:$0x0];
	_ =	sdelay $0x2  }
0xc6: {  	s31 =	sshll.u32 s1, $0xD;
	s1 =	sshrl.u32 s1, $0x2  }
0xc7: {  	s4 =	sand.u32 $0x4000, s31;
	s1 =	sadd.s32 s1, s30  }
0xc8: {  	s0 =	sor.u32 s4, s0;
	s1 =	sshll.u32 s1, $0x11  }
0xc9: {  	s0 =	sor.u32 s1, s0  }
0xca: {  	s0 =	sadd.s32 $0x8F2B, s0  }
0xcb: {  	[sflag:s0] =	ssyncadd.remote.s32 $0x1  }
0xcc: {  	_ =	sfence.sel $0xFFFF  }
0xcd: {  	[dreg:$0x0] =	wrdreg $0xFFFFFFFF;
	(pc) =	sbr.abs _section_cstart, $3  }
0xce: {  	[dreg:$0x1] =	wrdreg $0xFFFFFFFF  }
0xcf: {  	_ =	task.clear_ibuf [dreg:s22], $0x2FFFF;
	_ =	strace $0x9FFFFFFF  }
0xd0: {  	(tm) =	ssettm $0x7FFFFFFF  }
0xd1: {  	_ =	shalt  }
tec
execute0_lowered:
.L_overlay_start_1:
0x0: {  	(tag) =	ssettag $0x1  }
0x1: {  	s0 =	rddreg [dreg:$0x0]  }
0x2: {  	s2 =	simm.s32 $0x0;
	s1 =	srdreg.scid;
	s4 =	stileid.u32  }
0x3: {  	s10 =	simm.s32 $0x2;
	s12 =	simm.s32 $0x80;
	s19 =	simm.s32 $0x1  }
0x4: {  	s20 =	simm.s32 $0x10800;
	s25 =	simm.s32 $0x0;
	[smem:$0x7FF] =	sst s2  }
0x5: {  	s3 =	sadd.s32 $0xD1B000, s0;
	s1 =	sand.u32 $0x1, s1;
	s5 =	sshll.u32 s4, $0x1  }
0x6: {  	s4 =	sadd.s32 $0x10FB000, s0;
	_ =	strace $0x8000004A;
	s5 =	sor.u32 s1, s5  }
0x7: {  	s1 =	ssub.s32 $0x2, s1;
	s6 =	sshll.u32 s5, $0x7;
	s5 =	sshll.u32 s5, $0xB  }
0x8: {  	s7 =	sshrl.u32 s1, $0x1;
	s6 =	sadd.s32 s6, s0;
	s0 =	sadd.s32 s5, s0  }
0x9: {  	s1 =	ssub.s32 s1, s7;
	s5 =	sadd.s32 $0x14DB000, s6;
	s6 =	sadd.s32 $0x14DC000, s6  }
0xa: {  	s7 =	sadd.s32 $0x14DD000, s0;
	s8 =	sadd.s32 $0x14ED000, s0;
	s9 =	smax.u32 s1, $0x1  }
.LBB2_1:
0xb: {  	[tilespmem:s2], [sflag:$0x2] =	stream.linear.gather [hbm4b:s5+s2], $0x400, $0x38;
	[tilespmem:$0x14800] =	vst v63  }
0xc: {  	_ =	swait.ge [sflag:s10], $0x400  }
0xd: {  	[sflag:s10] =	ssyncset.done $0x0  }
0xe: {  	s0 =	simm.s32 $0x400;
	[sflag:s10] =	ssyncadd.s32 $0xFFFFFC00  }
0xf: {  	[tilespmem:s0], [sflag:$0x2] =	stream.linear.gather [hbm4b:s6+s2], $0x400, $0x38;
	[tilespmem:$0x14800] =	vst v63  }
0x10: {  	_ =	swait.ge [sflag:s10], $0x400  }
0x11: {  	[sflag:s10] =	ssyncset.done $0x0  }
0x12: {  	s21 =	simm.s32 $0x800;
	[sflag:s10] =	ssyncadd.s32 $0xFFFFFC00  }
0x13: {  	[tilespmem:s21], [sflag:$0x1] =	stream.indirect.gather [hbm4b:s3+s12], $0x80, s2, s12, $0xb8;
	[tilespmem:$0x14800] =	vst v63  }
0x14: {  	s22 =	simm.s32 $0x4800  }
0x15: {  	[tilespmem:s22], [sflag:$0x1] =	stream.indirect.gather [hbm4b:s3+s12], $0x80, s12, s12, $0xb8;
	[tilespmem:$0x14800] =	vst v63  }
0x16: {  	s23 =	simm.s32 $0x100;
	s1 =	simm.s32 $0x8800  }
0x17: {  	[tilespmem:s1], [sflag:$0x1] =	stream.indirect.gather [hbm4b:s3+s12], $0x80, s23, s12, $0xb8;
	[tilespmem:$0x14800] =	vst v63  }
0x18: {  	s24 =	simm.s32 $0x180;
	s26 =	simm.s32 $0xC800  }
0x19: {  	[tilespmem:s26], [sflag:$0x1] =	stream.indirect.gather [hbm4b:s3+s12], $0x80, s24, s12, $0xb8;
	[tilespmem:$0x14800] =	vst v63  }
0x1a: {  	_ =	swait.ge [sflag:s19], $0x4000  }
0x1b: {  	[sflag:s19] =	ssyncset.done $0x0  }
0x1c: {  	[sflag:s19] =	ssyncadd.s32 $0xFFFFC000  }
0x1d: {  	_ =	swait.ge [sflag:s19], $0x4000  }
0x1e: {  	[sflag:s19] =	ssyncset.done $0x0  }
0x1f: {  	[sflag:s19] =	ssyncadd.s32 $0xFFFFC000  }
0x20: {  	_ =	swait.ge [sflag:s19], $0x4000  }
0x21: {  	[sflag:s19] =	ssyncset.done $0x0  }
0x22: {  	[sflag:s19] =	ssyncadd.s32 $0xFFFFC000  }
0x23: {  	s1 =	sand.u32 $0x600, s2;
	_ =	swait.ge [sflag:s19], $0x4000  }
0x24: {  	s11 =	sand.u32 $0x70, s2;
	s0 =	sshrl.u32 s1, $0x2;
	[sflag:s19] =	ssyncset.done $0x0  }
0x25: {  	s0 =	sor.u32 s11, s0;
	[sflag:s19] =	ssyncadd.s32 $0xFFFFC000  }
0x26: {  	v0 =	vld [tilespmem:s0+$0x400];
	_ =	sdelay $0x4  }
0x27: {  	(v2sf) =	vpush v0, $0x0;
	_ =	sdelay $0x6  }
0x28: {  	(v2sf) =	vpush v0, $0x1;
	_ =	sdelay $0x6  }
0x29: {  	(v2sf) =	vpush v0, $0x2  }
0x2a: {  	s13 =	spop (v2sf)  }
0x2b: {  	s14 =	sand.u32 $0x7, s13;
	s0 =	sshll.u32 s13, $0x2  }
0x2c: {  	s0 =	sand.u32 $0xFFFFFFE0, s0;
	s1 =	sshll.u32 s14, $0x2  }
0x2d: {  	s0 =	sor.u32 s1, s0  }
0x2e: {  	s0 =	sshra.s32 s0, $0x2  }
0x2f: {  	s0 =	sadd.s32 $0x0, s0  }
0x30: {  	(v2sf) =	vpush v0, $0x3;
	v1 =	vld [tilespmem:s0+$0x800]  }
0x31: {  	s15 =	spop (v2sf);
	v2 =	vld [tilespmem:s0+$0x810]  }
0x32: {  	s16 =	sand.u32 $0x7, s15;
	s1 =	sshll.u32 s15, $0x2  }
0x33: {  	s1 =	sand.u32 $0xFFFFFFE0, s1;
	s0 =	sshll.u32 s16, $0x2  }
0x34: {  	s26 =	simm.s32 $0x10900;
	s0 =	sor.u32 s0, s1  }
0x35: {  	s0 =	sshra.s32 s0, $0x2;
	[tilespmem:s26+$0xFFFFFF00] =	vst v1  }
0x36: {  	s0 =	sadd.s32 $0x0, s0;
	[tilespmem:s26+$0xFFFFFF10] =	vst v2  }
0x37: {  	(v2sf) =	vpush v0, $0x4;
	v1 =	vld [tilespmem:s0+$0x880]  }
0x38: {  	s17 =	spop (v2sf);
	v2 =	vld [tilespmem:s0+$0x890]  }
0x39: {  	s18 =	sand.u32 $0x7, s17;
	s1 =	sshll.u32 s17, $0x2  }
0x3a: {  	s1 =	sand.u32 $0xFFFFFFE0, s1;
	s0 =	sshll.u32 s18, $0x2  }
0x3b: {  	s0 =	sor.u32 s0, s1  }
0x3c: {  	s0 =	sshra.s32 s0, $0x2;
	[tilespmem:s26+$0xFFFFFF20] =	vst v1  }
0x3d: {  	s0 =	sadd.s32 $0x0, s0;
	[tilespmem:s26+$0xFFFFFF30] =	vst v2  }
0x3e: {  	(v2sf) =	vpush v0, $0x5;
	v1 =	vld [tilespmem:s0+$0x900]  }
0x3f: {  	s21 =	spop (v2sf);
	v2 =	vld [tilespmem:s0+$0x910]  }
0x40: {  	s22 =	sand.u32 $0x7, s21;
	s1 =	sshll.u32 s21, $0x2  }
0x41: {  	s1 =	sand.u32 $0xFFFFFFE0, s1;
	s0 =	sshll.u32 s22, $0x2  }
0x42: {  	s0 =	sor.u32 s0, s1  }
0x43: {  	s0 =	sshra.s32 s0, $0x2;
	[tilespmem:s26+$0xFFFFFF40] =	vst v1  }
0x44: {  	s0 =	sadd.s32 $0x0, s0;
	[tilespmem:s26+$0xFFFFFF50] =	vst v2  }
0x45: {  	(v2sf) =	vpush v0, $0x6;
	v1 =	vld [tilespmem:s0+$0x980]  }
0x46: {  	s23 =	spop (v2sf);
	v2 =	vld [tilespmem:s0+$0x990]  }
0x47: {  	s24 =	sand.u32 $0x7, s23;
	s1 =	sshll.u32 s23, $0x2  }
0x48: {  	s1 =	sand.u32 $0xFFFFFFE0, s1;
	s0 =	sshll.u32 s24, $0x2  }
0x49: {  	s0 =	sor.u32 s0, s1  }
0x4a: {  	s0 =	sshra.s32 s0, $0x2;
	[tilespmem:s26+$0xFFFFFF60] =	vst v1  }
0x4b: {  	s0 =	sadd.s32 $0x0, s0;
	[tilespmem:s26+$0xFFFFFF70] =	vst v2  }
0x4c: {  	(v2sf) =	vpush v0, $0x7;
	v1 =	vld [tilespmem:s0+$0xA00]  }
0x4d: {  	s11 =	spop (v2sf);
	v2 =	vld [tilespmem:s0+$0xA10]  }
0x4e: {  	s13 =	sand.u32 $0x7, s11;
	s1 =	sshll.u32 s11, $0x2  }
0x4f: {  	s1 =	sand.u32 $0xFFFFFFE0, s1;
	s0 =	sshll.u32 s13, $0x2  }
0x50: {  	s0 =	sor.u32 s0, s1  }
0x51: {  	s0 =	sshra.s32 s0, $0x2;
	[tilespmem:s26+$0xFFFFFF80] =	vst v1  }
0x52: {  	s0 =	sadd.s32 $0x0, s0;
	[tilespmem:s26+$0xFFFFFF90] =	vst v2  }
0x53: {  	(v2sf) =	vpush v0, $0x8;
	v1 =	vld [tilespmem:s0+$0xA80]  }
0x54: {  	s14 =	spop (v2sf);
	v2 =	vld [tilespmem:s0+$0xA90]  }
0x55: {  	s15 =	sand.u32 $0x7, s14;
	s1 =	sshll.u32 s14, $0x2  }
0x56: {  	s1 =	sand.u32 $0xFFFFFFE0, s1;
	s0 =	sshll.u32 s15, $0x2  }
0x57: {  	s0 =	sor.u32 s0, s1  }
0x58: {  	s0 =	sshra.s32 s0, $0x2;
	[tilespmem:s26+$0xFFFFFFA0] =	vst v1  }
0x59: {  	s0 =	sadd.s32 $0x0, s0;
	[tilespmem:s26+$0xFFFFFFB0] =	vst v2  }
0x5a: {  	(v2sf) =	vpush v0, $0x9;
	v1 =	vld [tilespmem:s0+$0xB00]  }
0x5b: {  	s16 =	spop (v2sf);
	v2 =	vld [tilespmem:s0+$0xB10]  }
0x5c: {  	s17 =	sand.u32 $0x7, s16;
	s1 =	sshll.u32 s16, $0x2  }
0x5d: {  	s1 =	sand.u32 $0xFFFFFFE0, s1;
	s0 =	sshll.u32 s17, $0x2  }
0x5e: {  	s0 =	sor.u32 s0, s1  }
0x5f: {  	s0 =	sshra.s32 s0, $0x2;
	[tilespmem:s26+$0xFFFFFFC0] =	vst v1  }
0x60: {  	s0 =	sadd.s32 $0x0, s0;
	[tilespmem:s26+$0xFFFFFFD0] =	vst v2  }
0x61: {  	(v2sf) =	vpush v0, $0xA;
	v1 =	vld [tilespmem:s0+$0xB80]  }
0x62: {  	s18 =	spop (v2sf);
	v2 =	vld [tilespmem:s0+$0xB90]  }
0x63: {  	s21 =	sand.u32 $0x7, s18;
	s1 =	sshll.u32 s18, $0x2  }
0x64: {  	s1 =	sand.u32 $0xFFFFFFE0, s1;
	s0 =	sshll.u32 s21, $0x2  }
0x65: {  	s0 =	sor.u32 s0, s1  }
0x66: {  	s0 =	sshra.s32 s0, $0x2;
	[tilespmem:s26+$0xFFFFFFE0] =	vst v1  }
0x67: {  	s0 =	sadd.s32 $0x0, s0;
	[tilespmem:s26+$0xFFFFFFF0] =	vst v2  }
0x68: {  	(v2sf) =	vpush v0, $0xB;
	v1 =	vld [tilespmem:s0+$0xC00]  }
0x69: {  	s22 =	spop (v2sf);
	v2 =	vld [tilespmem:s0+$0xC10]  }
0x6a: {  	s23 =	sand.u32 $0x7, s22;
	s1 =	sshll.u32 s22, $0x2  }
0x6b: {  	s1 =	sand.u32 $0xFFFFFFE0, s1;
	s0 =	sshll.u32 s23, $0x2  }
0x6c: {  	s0 =	sor.u32 s0, s1  }
0x6d: {  	s0 =	sshra.s32 s0, $0x2;
	[tilespmem:s26+$0x0] =	vst v1  }
0x6e: {  	s0 =	sadd.s32 $0x0, s0;
	[tilespmem:s26+$0x10] =	vst v2  }
0x6f: {  	(v2sf) =	vpush v0, $0xC;
	v1 =	vld [tilespmem:s0+$0xC80]  }
0x70: {  	s24 =	spop (v2sf);
	v2 =	vld [tilespmem:s0+$0xC90]  }
0x71: {  	s11 =	sand.u32 $0x7, s24;
	s1 =	sshll.u32 s24, $0x2  }
0x72: {  	s1 =	sand.u32 $0xFFFFFFE0, s1;
	s0 =	sshll.u32 s11, $0x2  }
0x73: {  	s0 =	sor.u32 s0, s1  }
0x74: {  	(v2sf) =	vpush v0, $0xD;
	s0 =	sshra.s32 s0, $0x2;
	[tilespmem:s26+$0x20] =	vst v1  }
0x75: {  	(v2sf) =	vpush v0, $0xE;
	s0 =	sadd.s32 $0x0, s0;
	[tilespmem:s26+$0x30] =	vst v2  }
0x76: {  	v1 =	vld [tilespmem:s0+$0xD00]  }
0x77: {  	(v2sf) =	vpush v0, $0xF;
	s13 =	spop (v2sf);
	v0 =	vld [tilespmem:s0+$0xD10]  }
0x78: {  	s14 =	sand.u32 $0x7, s13;
	s1 =	sshll.u32 s13, $0x2  }
0x79: {  	s1 =	sand.u32 $0xFFFFFFE0, s1;
	s0 =	sshll.u32 s14, $0x2  }
0x7a: {  	s0 =	sor.u32 s0, s1  }
0x7b: {  	s0 =	sshra.s32 s0, $0x2;
	[tilespmem:s26+$0x40] =	vst v1  }
0x7c: {  	s0 =	sadd.s32 $0x0, s0;
	[tilespmem:s26+$0x50] =	vst v0  }
0x7d: {  	v0 =	vld [tilespmem:s0+$0xD80]  }
0x7e: {  	s15 =	spop (v2sf);
	v1 =	vld [tilespmem:s0+$0xD90]  }
0x7f: {  	s16 =	sand.u32 $0x7, s15;
	s1 =	sshll.u32 s15, $0x2  }
0x80: {  	s1 =	sand.u32 $0xFFFFFFE0, s1;
	s0 =	sshll.u32 s16, $0x2  }
0x81: {  	s0 =	sor.u32 s0, s1  }
0x82: {  	s28 =	simm.s32 $0x2000;
	s0 =	sshra.s32 s0, $0x2;
	[tilespmem:s26+$0x60] =	vst v0  }
0x83: {  	s30 =	simm.s32 $0x0;
	s17 =	spop (v2sf);
	s13 =	sadd.s32 $0x0, s0;
	[tilespmem:s26+$0x70] =	vst v1  }
0x84: {  	s31 =	simm.s32 $0x0;
	s11 =	sand.u32 $0x7, s17;
	s14 =	spop (v2sf);
	v0 =	vld [tilespmem:s13+$0xE00]  }
0x85: {  	s29 =	simm.s32 $0x10900;
	s11 =	sshll.u32 s11, $0x2;
	s18 =	sand.u32 $0x7, s14;
	v1 =	vld [tilespmem:s13+$0xE10]  }
0x86: {  	s21 =	sshll.u32 s14, $0x2;
	s22 =	spop (v2sf);
	s1 =	sshll.u32 s17, $0x2  }
0x87: {  	s15 =	sand.u32 $0x7, s22;
	s14 =	sshll.u32 s22, $0x2;
	s1 =	sand.u32 $0xFFFFFFE0, s1  }
0x88: {  	s14 =	sand.u32 $0xFFFFFFE0, s14;
	s15 =	sshll.u32 s15, $0x2;
	s1 =	sor.u32 s11, s1  }
0x89: {  	s11 =	sshll.u32 s18, $0x2;
	s17 =	sshra.s32 s1, $0x2;
	s13 =	sand.u32 $0xFFFFFFE0, s21;
	[tilespmem:s26+$0x80] =	vst v0  }
0x8a: {  	s24 =	sor.u32 s15, s14;
	s23 =	sor.u32 s11, s13;
	s13 =	sadd.s32 $0x0, s17;
	[tilespmem:s26+$0x90] =	vst v1  }
0x8b: {  	s0 =	simm.s32 $0x0;
	s1 =	sshra.s32 s24, $0x2;
	s11 =	sshra.s32 s23, $0x2;
	v0 =	vld [tilespmem:s13+$0xE80]  }
.LBB2_2:
0x8c: {  	v1 =	vld [tilespmem:s13+$0xE90];
	s30 =	sadd.s32 $0x40, s30;
	s31 =	sadd.s32 $0x10, s31;
	s26 =	sadd.s32 $0x200, s26  }
0x8d: {  	p0 =	sne.s32 s28, $0x3E000;
	s13 =	smov.u32 s28;
	s28 =	sadd.s32 $0x2000, s28  }
0x8e: {  	_ =	sdelay $0x1  }
0x8f: {  	[tilespmem:s29+$0xA0] =	vst v0  }
0x90: {  	s11 =	sadd.s32 s0, s11;
	[tilespmem:s29+$0xB0] =	vst v1  }
0x91: {  	v0 =	vld [tilespmem:s11+$0xF00]  }
0x92: {  	v1 =	vld [tilespmem:s11+$0xF10];
	_ =	sdelay $0x3  }
0x93: {  	[tilespmem:s29+$0xC0] =	vst v0  }
0x94: {  	s0 =	sadd.s32 s0, s1;
	[tilespmem:s29+$0xD0] =	vst v1  }
0x95: {  	v0 =	vld [tilespmem:s0+$0xF80]  }
0x96: {  	s1 =	sand.u32 $0x600, s30;
	v1 =	vld [tilespmem:s0+$0xF90]  }
0x97: {  	s1 =	sshrl.u32 s1, $0x2;
	s0 =	sand.u32 $0x70, s31  }
0x98: {  	s0 =	sor.u32 s0, s1;
	_ =	sdelay $0x1  }
0x99: {  	[tilespmem:s29+$0xE0] =	vst v0  }
0x9a: {  	[tilespmem:s29+$0xF0] =	vst v1;
	s29 =	smov.u32 s26  }
0x9b: {  	v0 =	vld [tilespmem:s0+$0x400];
	_ =	sdelay $0x4  }
0x9c: {  	(v2sf) =	vpush v0, $0x0  }
0x9d: {  	(v2sf) =	vpush v0, $0x1;
	_ =	sdelay $0x1  }
0x9e: {  	(v2sf) =	vpush v0, $0x2;
	_ =	sdelay $0x3  }
0x9f: {  	(v2sf) =	vpush v0, $0x3;
	_ =	sdelay $0x1  }
0xa0: {  	(v2sf) =	vpush v0, $0x4;
	_ =	sdelay $0x2  }
0xa1: {  	(v2sf) =	vpush v0, $0x5;
	_ =	sdelay $0x1  }
0xa2: {  	(v2sf) =	vpush v0, $0x6  }
0xa3: {  	s0 =	sshra.s32 s13, $0x2;
	s1 =	spop (v2sf)  }
0xa4: {  	s11 =	sand.u32 $0x7, s1;
	s1 =	sshll.u32 s1, $0x2;
	s13 =	spop (v2sf)  }
0xa5: {  	s1 =	sand.u32 $0xFFFFFFE0, s1;
	s11 =	sshll.u32 s11, $0x2;
	s14 =	sand.u32 $0x7, s13;
	(v2sf) =	vpush v0, $0x7  }
0xa6: {  	s1 =	sor.u32 s11, s1;
	s11 =	sshll.u32 s13, $0x2;
	s13 =	spop (v2sf)  }
0xa7: {  	s1 =	sshra.s32 s1, $0x2;
	s11 =	sand.u32 $0xFFFFFFE0, s11;
	s15 =	sand.u32 $0x7, s13  }
0xa8: {  	s14 =	sshll.u32 s14, $0x2;
	s13 =	sshll.u32 s13, $0x2;
	s1 =	sadd.s32 s0, s1;
	(v2sf) =	vpush v0, $0x8  }
0xa9: {  	s11 =	sor.u32 s14, s11;
	s13 =	sand.u32 $0xFFFFFFE0, s13;
	s14 =	sshll.u32 s15, $0x2;
	v1 =	vld [tilespmem:s1+$0x800]  }
0xaa: {  	v2 =	vld [tilespmem:s1+$0x810];
	s1 =	sshra.s32 s11, $0x2;
	s11 =	sor.u32 s14, s13;
	s13 =	spop (v2sf);
	(v2sf) =	vpush v0, $0x9  }
0xab: {  	s17 =	sshra.s32 s11, $0x2;
	s11 =	sand.u32 $0x7, s13;
	s13 =	sshll.u32 s13, $0x2  }
0xac: {  	s13 =	sand.u32 $0xFFFFFFE0, s13;
	s11 =	sshll.u32 s11, $0x2;
	s14 =	spop (v2sf)  }
0xad: {  	s11 =	sor.u32 s11, s13;
	s13 =	sand.u32 $0x7, s14;
	s15 =	sshll.u32 s14, $0x2;
	(v2sf) =	vpush v0, $0xA  }
0xae: {  	[tilespmem:s26+$0xFFFFFF00] =	vst v1;
	s14 =	sshra.s32 s11, $0x2;
	s11 =	sand.u32 $0xFFFFFFE0, s15;
	s13 =	sshll.u32 s13, $0x2  }
0xaf: {  	s1 =	sadd.s32 s0, s1;
	[tilespmem:s26+$0xFFFFFF10] =	vst v2;
	s11 =	sor.u32 s13, s11;
	s13 =	spop (v2sf);
	(v2sf) =	vpush v0, $0xB  }
0xb0: {  	v1 =	vld [tilespmem:s1+$0x880];
	s11 =	sshra.s32 s11, $0x2;
	s15 =	sand.u32 $0x7, s13;
	s13 =	sshll.u32 s13, $0x2  }
0xb1: {  	v2 =	vld [tilespmem:s1+$0x890];
	s1 =	sand.u32 $0xFFFFFFE0, s13;
	s13 =	sshll.u32 s15, $0x2;
	s15 =	spop (v2sf);
	(v2sf) =	vpush v0, $0xC  }
0xb2: {  	s1 =	sor.u32 s13, s1;
	s13 =	sand.u32 $0x7, s15;
	s15 =	sshll.u32 s15, $0x2  }
0xb3: {  	s1 =	sshra.s32 s1, $0x2;
	s15 =	sand.u32 $0xFFFFFFE0, s15;
	s13 =	sshll.u32 s13, $0x2  }
0xb4: {  	s13 =	sor.u32 s13, s15;
	s21 =	spop (v2sf)  }
0xb5: {  	[tilespmem:s26+$0xFFFFFF20] =	vst v1;
	s15 =	sshra.s32 s13, $0x2;
	s13 =	sand.u32 $0x7, s21;
	s21 =	sshll.u32 s21, $0x2;
	(v2sf) =	vpush v0, $0xD  }
0xb6: {  	s17 =	sadd.s32 s0, s17;
	[tilespmem:s26+$0xFFFFFF30] =	vst v2;
	s21 =	sand.u32 $0xFFFFFFE0, s21;
	s13 =	sshll.u32 s13, $0x2  }
0xb7: {  	v1 =	vld [tilespmem:s17+$0x900];
	s13 =	sor.u32 s13, s21;
	s21 =	spop (v2sf);
	(v2sf) =	vpush v0, $0xE  }
0xb8: {  	v2 =	vld [tilespmem:s17+$0x910];
	s23 =	sshra.s32 s13, $0x2;
	s13 =	sand.u32 $0x7, s21;
	s17 =	sshll.u32 s21, $0x2  }
0xb9: {  	s17 =	sand.u32 $0xFFFFFFE0, s17;
	s13 =	sshll.u32 s13, $0x2;
	s21 =	spop (v2sf)  }
0xba: {  	s13 =	sor.u32 s13, s17;
	s17 =	sand.u32 $0x7, s21;
	s21 =	sshll.u32 s21, $0x2;
	(v2sf) =	vpush v0, $0xF  }
0xbb: {  	s13 =	sshra.s32 s13, $0x2;
	s21 =	sand.u32 $0xFFFFFFE0, s21;
	s17 =	sshll.u32 s17, $0x2  }
0xbc: {  	[tilespmem:s26+$0xFFFFFF40] =	vst v1;
	s17 =	sor.u32 s17, s21;
	s22 =	spop (v2sf)  }
0xbd: {  	s14 =	sadd.s32 s0, s14;
	[tilespmem:s26+$0xFFFFFF50] =	vst v2;
	s21 =	sshra.s32 s17, $0x2;
	s17 =	sand.u32 $0x7, s22  }
0xbe: {  	s22 =	sshll.u32 s22, $0x2;
	v0 =	vld [tilespmem:s14+$0x980];
	s24 =	spop (v2sf)  }
0xbf: {  	s17 =	sshll.u32 s17, $0x2;
	v1 =	vld [tilespmem:s14+$0x990];
	s14 =	sand.u32 $0xFFFFFFE0, s22;
	s22 =	sand.u32 $0x7, s24  }
0xc0: {  	s14 =	sor.u32 s17, s14;
	s17 =	sshll.u32 s24, $0x2;
	s24 =	spop (v2sf)  }
0xc1: {  	s22 =	sshll.u32 s22, $0x2;
	s14 =	sshra.s32 s14, $0x2;
	s17 =	sand.u32 $0xFFFFFFE0, s17  }
0xc2: {  	s16 =	sshll.u32 s24, $0x2;
	s17 =	sor.u32 s22, s17;
	s22 =	sand.u32 $0x7, s24  }
0xc3: {  	s16 =	sand.u32 $0xFFFFFFE0, s16;
	[tilespmem:s26+$0xFFFFFF60] =	vst v0;
	s24 =	sshra.s32 s17, $0x2;
	s17 =	sshll.u32 s22, $0x2  }
0xc4: {  	s11 =	sadd.s32 s0, s11;
	[tilespmem:s26+$0xFFFFFF70] =	vst v1;
	s16 =	sor.u32 s17, s16;
	s22 =	spop (v2sf)  }
0xc5: {  	v0 =	vld [tilespmem:s11+$0xA00];
	s17 =	sshra.s32 s16, $0x2;
	s16 =	sand.u32 $0x7, s22;
	s22 =	sshll.u32 s22, $0x2  }
0xc6: {  	v1 =	vld [tilespmem:s11+$0xA10];
	s11 =	sand.u32 $0xFFFFFFE0, s22;
	s16 =	sshll.u32 s16, $0x2;
	s22 =	spop (v2sf)  }
0xc7: {  	s11 =	sor.u32 s16, s11;
	s16 =	sand.u32 $0x7, s22;
	s18 =	sshll.u32 s22, $0x2  }
0xc8: {  	s22 =	sshra.s32 s11, $0x2;
	s11 =	sand.u32 $0xFFFFFFE0, s18;
	s16 =	sshll.u32 s16, $0x2  }
0xc9: {  	s11 =	sor.u32 s16, s11;
	s16 =	spop (v2sf)  }
0xca: {  	[tilespmem:s26+$0xFFFFFF80] =	vst v0;
	s11 =	sshra.s32 s11, $0x2;
	s18 =	sand.u32 $0x7, s16;
	s16 =	sshll.u32 s16, $0x2  }
0xcb: {  	s1 =	sadd.s32 s0, s1;
	[tilespmem:s26+$0xFFFFFF90] =	vst v1;
	s16 =	sand.u32 $0xFFFFFFE0, s16;
	s18 =	sshll.u32 s18, $0x2  }
0xcc: {  	v0 =	vld [tilespmem:s1+$0xA80];
	s16 =	sor.u32 s18, s16  }
0xcd: {  	v1 =	vld [tilespmem:s1+$0xA90];
	s1 =	sshra.s32 s16, $0x2;
	_ =	sdelay $0x3  }
0xce: {  	[tilespmem:s26+$0xFFFFFFA0] =	vst v0  }
0xcf: {  	s15 =	sadd.s32 s0, s15;
	[tilespmem:s26+$0xFFFFFFB0] =	vst v1  }
0xd0: {  	v0 =	vld [tilespmem:s15+$0xB00]  }
0xd1: {  	v1 =	vld [tilespmem:s15+$0xB10];
	_ =	sdelay $0x3  }
0xd2: {  	[tilespmem:s26+$0xFFFFFFC0] =	vst v0  }
0xd3: {  	s15 =	sadd.s32 s0, s23;
	[tilespmem:s26+$0xFFFFFFD0] =	vst v1  }
0xd4: {  	v0 =	vld [tilespmem:s15+$0xB80]  }
0xd5: {  	v1 =	vld [tilespmem:s15+$0xB90];
	_ =	sdelay $0x3  }
0xd6: {  	[tilespmem:s26+$0xFFFFFFE0] =	vst v0  }
0xd7: {  	s13 =	sadd.s32 s0, s13;
	[tilespmem:s26+$0xFFFFFFF0] =	vst v1  }
0xd8: {  	v0 =	vld [tilespmem:s13+$0xC00]  }
0xd9: {  	v1 =	vld [tilespmem:s13+$0xC10];
	_ =	sdelay $0x3  }
0xda: {  	[tilespmem:s26+$0x0] =	vst v0  }
0xdb: {  	s13 =	sadd.s32 s0, s21;
	[tilespmem:s26+$0x10] =	vst v1  }
0xdc: {  	v0 =	vld [tilespmem:s13+$0xC80]  }
0xdd: {  	v1 =	vld [tilespmem:s13+$0xC90];
	_ =	sdelay $0x3  }
0xde: {  	[tilespmem:s26+$0x20] =	vst v0  }
0xdf: {  	s13 =	sadd.s32 s0, s14;
	[tilespmem:s26+$0x30] =	vst v1  }
0xe0: {  	v0 =	vld [tilespmem:s13+$0xD00]  }
0xe1: {  	v1 =	vld [tilespmem:s13+$0xD10];
	_ =	sdelay $0x3  }
0xe2: {  	[tilespmem:s26+$0x40] =	vst v0  }
0xe3: {  	s13 =	sadd.s32 s0, s24;
	[tilespmem:s26+$0x50] =	vst v1  }
0xe4: {  	v0 =	vld [tilespmem:s13+$0xD80]  }
0xe5: {  	v1 =	vld [tilespmem:s13+$0xD90];
	_ =	sdelay $0x3  }
0xe6: {  	[tilespmem:s26+$0x60] =	vst v0  }
0xe7: {  	s13 =	sadd.s32 s0, s17;
	[tilespmem:s26+$0x70] =	vst v1  }
0xe8: {  	v0 =	vld [tilespmem:s13+$0xE00]  }
0xe9: {  	v1 =	vld [tilespmem:s13+$0xE10];
	_ =	sdelay $0x1  }
.Ltmp0:
0xea: {  	(pc) =	sbr.rel @p0 .LBB2_2-.Ltmp0, $4  }
0xeb: {  	_ = 	snop  }
0xec: {  	[tilespmem:s26+$0x80] =	vst v0  }
0xed: {  	s13 =	sadd.s32 s0, s22;
	[tilespmem:s26+$0x90] =	vst v1  }
0xee: {  	v0 =	vld [tilespmem:s13+$0xE80]  }
0xef: {  	v1 =	vld [tilespmem:s13+$0xE90];
	_ =	sdelay $0x3  }
0xf0: {  	[tilespmem:s29+$0xA0] =	vst v0  }
0xf1: {  	s11 =	sadd.s32 s0, s11;
	[tilespmem:s29+$0xB0] =	vst v1  }
0xf2: {  	v0 =	vld [tilespmem:s11+$0xF00]  }
0xf3: {  	v1 =	vld [tilespmem:s11+$0xF10];
	_ =	sdelay $0x3  }
0xf4: {  	[tilespmem:s29+$0xC0] =	vst v0  }
0xf5: {  	s18 =	sadd.s32 s0, s1;
	[tilespmem:s29+$0xD0] =	vst v1  }
0xf6: {  	v0 =	vld [tilespmem:s18+$0xF80]  }
0xf7: {  	v1 =	vld [tilespmem:s18+$0xF90];
	_ =	sdelay $0x3  }
0xf8: {  	[tilespmem:s29+$0xE0] =	vst v0  }
0xf9: {  	s26 =	simm.s32 $0x0;
	[tilespmem:s29+$0xF0] =	vst v1  }
0xfa: {  	[hbm4b:s7+s26] =	stream.linear.scatter [tilespmem:s20], [sflag:$0x2], $0x4000, $0x38;
	[tilespmem:$0x14800] =	vst v63  }
0xfb: {  	_ =	swait.ge [sflag:s10], $0x4000  }
0xfc: {  	[sflag:s10] =	ssyncset.done $0x0  }
0xfd: {  	s21 =	simm.s32 $0x800;
	s22 =	simm.s32 $0x200;
	[sflag:s10] =	ssyncadd.s32 $0xFFFFC000  }
0xfe: {  	[tilespmem:s21], [sflag:$0x1] =	stream.indirect.gather [hbm4b:s4+s12], $0x80, s22, s12, $0xb8;
	[tilespmem:$0x14800] =	vst v63  }
0xff: {  	s23 =	simm.s32 $0x4800;
	s24 =	simm.s32 $0x280  }
0x100: {  	[tilespmem:s23], [sflag:$0x1] =	stream.indirect.gather [hbm4b:s4+s12], $0x80, s24, s12, $0xb8;
	[tilespmem:$0x14800] =	vst v63  }
0x101: {  	s1 =	simm.s32 $0x8800;
	s11 =	simm.s32 $0x300  }
0x102: {  	[tilespmem:s1], [sflag:$0x1] =	stream.indirect.gather [hbm4b:s4+s12], $0x80, s11, s12, $0xb8;
	[tilespmem:$0x14800] =	vst v63  }
0x103: {  	s13 =	simm.s32 $0xC800;
	s14 =	simm.s32 $0x380  }
0x104: {  	[tilespmem:s13], [sflag:$0x1] =	stream.indirect.gather [hbm4b:s4+s12], $0x80, s14, s12, $0xb8;
	[tilespmem:$0x14800] =	vst v63  }
0x105: {  	_ =	swait.ge [sflag:s19], $0x4000  }
0x106: {  	[sflag:s19] =	ssyncset.done $0x0  }
0x107: {  	[sflag:s19] =	ssyncadd.s32 $0xFFFFC000  }
0x108: {  	_ =	swait.ge [sflag:s19], $0x4000  }
0x109: {  	[sflag:s19] =	ssyncset.done $0x0  }
0x10a: {  	[sflag:s19] =	ssyncadd.s32 $0xFFFFC000  }
0x10b: {  	_ =	swait.ge [sflag:s19], $0x4000  }
0x10c: {  	[sflag:s19] =	ssyncset.done $0x0  }
0x10d: {  	[sflag:s19] =	ssyncadd.s32 $0xFFFFC000  }
0x10e: {  	s15 =	sand.u32 $0x600, s26;
	_ =	swait.ge [sflag:s19], $0x4000  }
0x10f: {  	s16 =	sand.u32 $0x70, s26;
	s0 =	sshrl.u32 s15, $0x2;
	[sflag:s19] =	ssyncset.done $0x0  }
0x110: {  	s0 =	sor.u32 s16, s0;
	[sflag:s19] =	ssyncadd.s32 $0xFFFFC000  }
0x111: {  	v0 =	vld [tilespmem:s0+$0x600];
	_ =	sdelay $0x4  }
0x112: {  	(v2sf) =	vpush v0, $0x0;
	_ =	sdelay $0x6  }
0x113: {  	(v2sf) =	vpush v0, $0x1;
	_ =	sdelay $0x6  }
0x114: {  	(v2sf) =	vpush v0, $0x2  }
0x115: {  	s17 =	spop (v2sf)  }
0x116: {  	s18 =	sand.u32 $0x7, s17;
	s0 =	sshll.u32 s17, $0x2  }
0x117: {  	s0 =	sand.u32 $0xFFFFFFE0, s0;
	s1 =	sshll.u32 s18, $0x2  }
0x118: {  	s0 =	sor.u32 s1, s0  }
0x119: {  	s0 =	sshra.s32 s0, $0x2  }
0x11a: {  	s0 =	sadd.s32 $0x0, s0  }
0x11b: {  	(v2sf) =	vpush v0, $0x3;
	v1 =	vld [tilespmem:s0+$0x800]  }
0x11c: {  	s21 =	spop (v2sf);
	v2 =	vld [tilespmem:s0+$0x810]  }
0x11d: {  	s22 =	sand.u32 $0x7, s21;
	s1 =	sshll.u32 s21, $0x2  }
0x11e: {  	s1 =	sand.u32 $0xFFFFFFE0, s1;
	s0 =	sshll.u32 s22, $0x2  }
0x11f: {  	s28 =	simm.s32 $0x10900;
	s0 =	sor.u32 s0, s1  }
0x120: {  	s0 =	sshra.s32 s0, $0x2;
	[tilespmem:s28+$0xFFFFFF00] =	vst v1  }
0x121: {  	s0 =	sadd.s32 $0x0, s0;
	[tilespmem:s28+$0xFFFFFF10] =	vst v2  }
0x122: {  	(v2sf) =	vpush v0, $0x4;
	v1 =	vld [tilespmem:s0+$0x880]  }
0x123: {  	s23 =	spop (v2sf);
	v2 =	vld [tilespmem:s0+$0x890]  }
0x124: {  	s24 =	sand.u32 $0x7, s23;
	s1 =	sshll.u32 s23, $0x2  }
0x125: {  	s1 =	sand.u32 $0xFFFFFFE0, s1;
	s0 =	sshll.u32 s24, $0x2  }
0x126: {  	s0 =	sor.u32 s0, s1  }
0x127: {  	s0 =	sshra.s32 s0, $0x2;
	[tilespmem:s28+$0xFFFFFF20] =	vst v1  }
0x128: {  	s0 =	sadd.s32 $0x0, s0;
	[tilespmem:s28+$0xFFFFFF30] =	vst v2  }
0x129: {  	(v2sf) =	vpush v0, $0x5;
	v1 =	vld [tilespmem:s0+$0x900]  }
0x12a: {  	s11 =	spop (v2sf);
	v2 =	vld [tilespmem:s0+$0x910]  }
0x12b: {  	s13 =	sand.u32 $0x7, s11;
	s1 =	sshll.u32 s11, $0x2  }
0x12c: {  	s1 =	sand.u32 $0xFFFFFFE0, s1;
	s0 =	sshll.u32 s13, $0x2  }
0x12d: {  	s0 =	sor.u32 s0, s1  }
0x12e: {  	s0 =	sshra.s32 s0, $0x2;
	[tilespmem:s28+$0xFFFFFF40] =	vst v1  }
0x12f: {  	s0 =	sadd.s32 $0x0, s0;
	[tilespmem:s28+$0xFFFFFF50] =	vst v2  }
0x130: {  	(v2sf) =	vpush v0, $0x6;
	v1 =	vld [tilespmem:s0+$0x980]  }
0x131: {  	s14 =	spop (v2sf);
	v2 =	vld [tilespmem:s0+$0x990]  }
0x132: {  	s15 =	sand.u32 $0x7, s14;
	s1 =	sshll.u32 s14, $0x2  }
0x133: {  	s1 =	sand.u32 $0xFFFFFFE0, s1;
	s0 =	sshll.u32 s15, $0x2  }
0x134: {  	s0 =	sor.u32 s0, s1  }
0x135: {  	s0 =	sshra.s32 s0, $0x2;
	[tilespmem:s28+$0xFFFFFF60] =	vst v1  }
0x136: {  	s0 =	sadd.s32 $0x0, s0;
	[tilespmem:s28+$0xFFFFFF70] =	vst v2  }
0x137: {  	(v2sf) =	vpush v0, $0x7;
	v1 =	vld [tilespmem:s0+$0xA00]  }
0x138: {  	s16 =	spop (v2sf);
	v2 =	vld [tilespmem:s0+$0xA10]  }
0x139: {  	s17 =	sand.u32 $0x7, s16;
	s1 =	sshll.u32 s16, $0x2  }
0x13a: {  	s1 =	sand.u32 $0xFFFFFFE0, s1;
	s0 =	sshll.u32 s17, $0x2  }
0x13b: {  	s0 =	sor.u32 s0, s1  }
0x13c: {  	s0 =	sshra.s32 s0, $0x2;
	[tilespmem:s28+$0xFFFFFF80] =	vst v1  }
0x13d: {  	s0 =	sadd.s32 $0x0, s0;
	[tilespmem:s28+$0xFFFFFF90] =	vst v2  }
0x13e: {  	(v2sf) =	vpush v0, $0x8;
	v1 =	vld [tilespmem:s0+$0xA80]  }
0x13f: {  	s18 =	spop (v2sf);
	v2 =	vld [tilespmem:s0+$0xA90]  }
0x140: {  	s21 =	sand.u32 $0x7, s18;
	s1 =	sshll.u32 s18, $0x2  }
0x141: {  	s1 =	sand.u32 $0xFFFFFFE0, s1;
	s0 =	sshll.u32 s21, $0x2  }
0x142: {  	s0 =	sor.u32 s0, s1  }
0x143: {  	s0 =	sshra.s32 s0, $0x2;
	[tilespmem:s28+$0xFFFFFFA0] =	vst v1  }
0x144: {  	s0 =	sadd.s32 $0x0, s0;
	[tilespmem:s28+$0xFFFFFFB0] =	vst v2  }
0x145: {  	(v2sf) =	vpush v0, $0x9;
	v1 =	vld [tilespmem:s0+$0xB00]  }
0x146: {  	s22 =	spop (v2sf);
	v2 =	vld [tilespmem:s0+$0xB10]  }
0x147: {  	s23 =	sand.u32 $0x7, s22;
	s1 =	sshll.u32 s22, $0x2  }
0x148: {  	s1 =	sand.u32 $0xFFFFFFE0, s1;
	s0 =	sshll.u32 s23, $0x2  }
0x149: {  	s0 =	sor.u32 s0, s1  }
0x14a: {  	s0 =	sshra.s32 s0, $0x2;
	[tilespmem:s28+$0xFFFFFFC0] =	vst v1  }
0x14b: {  	s0 =	sadd.s32 $0x0, s0;
	[tilespmem:s28+$0xFFFFFFD0] =	vst v2  }
0x14c: {  	(v2sf) =	vpush v0, $0xA;
	v1 =	vld [tilespmem:s0+$0xB80]  }
0x14d: {  	s24 =	spop (v2sf);
	v2 =	vld [tilespmem:s0+$0xB90]  }
0x14e: {  	s11 =	sand.u32 $0x7, s24;
	s1 =	sshll.u32 s24, $0x2  }
0x14f: {  	s1 =	sand.u32 $0xFFFFFFE0, s1;
	s0 =	sshll.u32 s11, $0x2  }
0x150: {  	s0 =	sor.u32 s0, s1  }
0x151: {  	s0 =	sshra.s32 s0, $0x2;
	[tilespmem:s28+$0xFFFFFFE0] =	vst v1  }
0x152: {  	s0 =	sadd.s32 $0x0, s0;
	[tilespmem:s28+$0xFFFFFFF0] =	vst v2  }
0x153: {  	(v2sf) =	vpush v0, $0xB;
	v1 =	vld [tilespmem:s0+$0xC00]  }
0x154: {  	s13 =	spop (v2sf);
	v2 =	vld [tilespmem:s0+$0xC10]  }
0x155: {  	s14 =	sand.u32 $0x7, s13;
	s1 =	sshll.u32 s13, $0x2  }
0x156: {  	s1 =	sand.u32 $0xFFFFFFE0, s1;
	s0 =	sshll.u32 s14, $0x2  }
0x157: {  	s0 =	sor.u32 s0, s1  }
0x158: {  	s0 =	sshra.s32 s0, $0x2;
	[tilespmem:s28+$0x0] =	vst v1  }
0x159: {  	s0 =	sadd.s32 $0x0, s0;
	[tilespmem:s28+$0x10] =	vst v2  }
0x15a: {  	(v2sf) =	vpush v0, $0xC;
	v1 =	vld [tilespmem:s0+$0xC80]  }
0x15b: {  	s15 =	spop (v2sf);
	v2 =	vld [tilespmem:s0+$0xC90]  }
0x15c: {  	s16 =	sand.u32 $0x7, s15;
	s1 =	sshll.u32 s15, $0x2  }
0x15d: {  	s1 =	sand.u32 $0xFFFFFFE0, s1;
	s0 =	sshll.u32 s16, $0x2  }
0x15e: {  	s0 =	sor.u32 s0, s1  }
0x15f: {  	(v2sf) =	vpush v0, $0xD;
	s0 =	sshra.s32 s0, $0x2;
	[tilespmem:s28+$0x20] =	vst v1  }
0x160: {  	(v2sf) =	vpush v0, $0xE;
	s0 =	sadd.s32 $0x0, s0;
	[tilespmem:s28+$0x30] =	vst v2  }
0x161: {  	v1 =	vld [tilespmem:s0+$0xD00]  }
0x162: {  	s17 =	spop (v2sf);
	v2 =	vld [tilespmem:s0+$0xD10]  }
0x163: {  	(v2sf) =	vpush v0, $0xF;
	s18 =	sand.u32 $0x7, s17;
	s1 =	sshll.u32 s17, $0x2  }
0x164: {  	s1 =	sand.u32 $0xFFFFFFE0, s1;
	s0 =	sshll.u32 s18, $0x2  }
0x165: {  	s0 =	sor.u32 s0, s1  }
0x166: {  	s0 =	sshra.s32 s0, $0x2;
	[tilespmem:s28+$0x40] =	vst v1  }
0x167: {  	s0 =	sadd.s32 $0x0, s0;
	[tilespmem:s28+$0x50] =	vst v2  }
0x168: {  	v0 =	vld [tilespmem:s0+$0xD80]  }
0x169: {  	s21 =	spop (v2sf);
	v1 =	vld [tilespmem:s0+$0xD90]  }
0x16a: {  	s22 =	sand.u32 $0x7, s21;
	s1 =	sshll.u32 s21, $0x2  }
0x16b: {  	s1 =	sand.u32 $0xFFFFFFE0, s1;
	s0 =	sshll.u32 s22, $0x2  }
0x16c: {  	s0 =	sor.u32 s0, s1  }
0x16d: {  	s0 =	sshra.s32 s0, $0x2;
	[tilespmem:s28+$0x60] =	vst v0  }
0x16e: {  	s31 =	simm.s32 $0x0;
	s23 =	spop (v2sf);
	s24 =	sadd.s32 $0x0, s0;
	[tilespmem:s28+$0x70] =	vst v1  }
0x16f: {  	s30 =	simm.s32 $0x10900;
	s15 =	sand.u32 $0x7, s23;
	s14 =	spop (v2sf);
	v0 =	vld [tilespmem:s24+$0xE00]  }
0x170: {  	s29 =	simm.s32 $0x2000;
	s13 =	sshll.u32 s15, $0x2;
	s16 =	sand.u32 $0x7, s14;
	v1 =	vld [tilespmem:s24+$0xE10]  }
0x171: {  	s17 =	sshll.u32 s14, $0x2;
	s11 =	sshll.u32 s16, $0x2;
	s1 =	sshll.u32 s23, $0x2  }
0x172: {  	s21 =	sand.u32 $0xFFFFFFE0, s17;
	s22 =	spop (v2sf);
	s1 =	sand.u32 $0xFFFFFFE0, s1  }
0x173: {  	s15 =	sand.u32 $0x7, s22;
	s1 =	sor.u32 s13, s1;
	s13 =	sshll.u32 s22, $0x2  }
0x174: {  	s18 =	sshra.s32 s1, $0x2;
	s23 =	sand.u32 $0xFFFFFFE0, s13;
	s24 =	sshll.u32 s15, $0x2;
	[tilespmem:s28+$0x80] =	vst v0  }
0x175: {  	s1 =	sor.u32 s11, s21;
	s13 =	sadd.s32 $0x0, s18;
	s11 =	sor.u32 s24, s23;
	[tilespmem:s28+$0x90] =	vst v1  }
0x176: {  	s0 =	simm.s32 $0x0;
	s1 =	sshra.s32 s1, $0x2;
	s11 =	sshra.s32 s11, $0x2;
	v0 =	vld [tilespmem:s13+$0xE80]  }
.LBB2_4:
0x177: {  	v1 =	vld [tilespmem:s13+$0xE90];
	s26 =	sadd.s32 $0x40, s26;
	s31 =	sadd.s32 $0x10, s31;
	s28 =	sadd.s32 $0x200, s28  }
0x178: {  	p0 =	sne.s32 s29, $0x3E000;
	s13 =	smov.u32 s29;
	s29 =	sadd.s32 $0x2000, s29  }
0x179: {  	_ =	sdelay $0x1  }
0x17a: {  	[tilespmem:s30+$0xA0] =	vst v0  }
0x17b: {  	s1 =	sadd.s32 s0, s1;
	[tilespmem:s30+$0xB0] =	vst v1  }
0x17c: {  	v0 =	vld [tilespmem:s1+$0xF00]  }
0x17d: {  	v1 =	vld [tilespmem:s1+$0xF10];
	_ =	sdelay $0x3  }
0x17e: {  	[tilespmem:s30+$0xC0] =	vst v0  }
0x17f: {  	s0 =	sadd.s32 s0, s11;
	[tilespmem:s30+$0xD0] =	vst v1  }
0x180: {  	v0 =	vld [tilespmem:s0+$0xF80]  }
0x181: {  	s1 =	sand.u32 $0x600, s26;
	v1 =	vld [tilespmem:s0+$0xF90]  }
0x182: {  	s1 =	sshrl.u32 s1, $0x2;
	s0 =	sand.u32 $0x70, s31  }
0x183: {  	s0 =	sor.u32 s0, s1;
	_ =	sdelay $0x1  }
0x184: {  	[tilespmem:s30+$0xE0] =	vst v0  }
0x185: {  	[tilespmem:s30+$0xF0] =	vst v1;
	s30 =	smov.u32 s28  }
0x186: {  	v0 =	vld [tilespmem:s0+$0x600];
	_ =	sdelay $0x4  }
0x187: {  	(v2sf) =	vpush v0, $0x0  }
0x188: {  	(v2sf) =	vpush v0, $0x1;
	_ =	sdelay $0x1  }
0x189: {  	(v2sf) =	vpush v0, $0x2;
	_ =	sdelay $0x3  }
0x18a: {  	(v2sf) =	vpush v0, $0x3;
	_ =	sdelay $0x1  }
0x18b: {  	(v2sf) =	vpush v0, $0x4;
	_ =	sdelay $0x2  }
0x18c: {  	(v2sf) =	vpush v0, $0x5;
	_ =	sdelay $0x1  }
0x18d: {  	(v2sf) =	vpush v0, $0x6  }
0x18e: {  	s0 =	sshra.s32 s13, $0x2;
	s1 =	spop (v2sf)  }
0x18f: {  	s11 =	sand.u32 $0x7, s1;
	s1 =	sshll.u32 s1, $0x2;
	s13 =	spop (v2sf)  }
0x190: {  	s1 =	sand.u32 $0xFFFFFFE0, s1;
	s11 =	sshll.u32 s11, $0x2;
	s14 =	sand.u32 $0x7, s13;
	(v2sf) =	vpush v0, $0x7  }
0x191: {  	s1 =	sor.u32 s11, s1;
	s11 =	sshll.u32 s13, $0x2;
	s13 =	spop (v2sf)  }
0x192: {  	s1 =	sshra.s32 s1, $0x2;
	s11 =	sand.u32 $0xFFFFFFE0, s11;
	s15 =	sand.u32 $0x7, s13  }
0x193: {  	s14 =	sshll.u32 s14, $0x2;
	s13 =	sshll.u32 s13, $0x2;
	s1 =	sadd.s32 s0, s1;
	(v2sf) =	vpush v0, $0x8  }
0x194: {  	s11 =	sor.u32 s14, s11;
	s13 =	sand.u32 $0xFFFFFFE0, s13;
	s14 =	sshll.u32 s15, $0x2;
	v1 =	vld [tilespmem:s1+$0x800]  }
0x195: {  	v2 =	vld [tilespmem:s1+$0x810];
	s1 =	sshra.s32 s11, $0x2;
	s11 =	sor.u32 s14, s13;
	s13 =	spop (v2sf);
	(v2sf) =	vpush v0, $0x9  }
0x196: {  	s16 =	sshra.s32 s11, $0x2;
	s11 =	sand.u32 $0x7, s13;
	s13 =	sshll.u32 s13, $0x2  }
0x197: {  	s13 =	sand.u32 $0xFFFFFFE0, s13;
	s11 =	sshll.u32 s11, $0x2;
	s14 =	spop (v2sf)  }
0x198: {  	s11 =	sor.u32 s11, s13;
	s13 =	sand.u32 $0x7, s14;
	s15 =	sshll.u32 s14, $0x2;
	(v2sf) =	vpush v0, $0xA  }
0x199: {  	[tilespmem:s28+$0xFFFFFF00] =	vst v1;
	s14 =	sshra.s32 s11, $0x2;
	s11 =	sand.u32 $0xFFFFFFE0, s15;
	s13 =	sshll.u32 s13, $0x2  }
0x19a: {  	s15 =	sadd.s32 s0, s1;
	[tilespmem:s28+$0xFFFFFF10] =	vst v2;
	s1 =	sor.u32 s13, s11;
	s11 =	spop (v2sf);
	(v2sf) =	vpush v0, $0xB  }
0x19b: {  	v1 =	vld [tilespmem:s15+$0x880];
	s1 =	sshra.s32 s1, $0x2;
	s13 =	sand.u32 $0x7, s11;
	s11 =	sshll.u32 s11, $0x2  }
0x19c: {  	v2 =	vld [tilespmem:s15+$0x890];
	s11 =	sand.u32 $0xFFFFFFE0, s11;
	s13 =	sshll.u32 s13, $0x2;
	s15 =	spop (v2sf);
	(v2sf) =	vpush v0, $0xC  }
0x19d: {  	s11 =	sor.u32 s13, s11;
	s13 =	sand.u32 $0x7, s15;
	s15 =	sshll.u32 s15, $0x2  }
0x19e: {  	s11 =	sshra.s32 s11, $0x2;
	s15 =	sand.u32 $0xFFFFFFE0, s15;
	s13 =	sshll.u32 s13, $0x2  }
0x19f: {  	s13 =	sor.u32 s13, s15;
	s17 =	spop (v2sf)  }
0x1a0: {  	[tilespmem:s28+$0xFFFFFF20] =	vst v1;
	s15 =	sshra.s32 s13, $0x2;
	s13 =	sand.u32 $0x7, s17;
	s17 =	sshll.u32 s17, $0x2;
	(v2sf) =	vpush v0, $0xD  }
0x1a1: {  	s16 =	sadd.s32 s0, s16;
	[tilespmem:s28+$0xFFFFFF30] =	vst v2;
	s17 =	sand.u32 $0xFFFFFFE0, s17;
	s13 =	sshll.u32 s13, $0x2  }
0x1a2: {  	v1 =	vld [tilespmem:s16+$0x900];
	s13 =	sor.u32 s13, s17;
	s17 =	spop (v2sf);
	(v2sf) =	vpush v0, $0xE  }
0x1a3: {  	v2 =	vld [tilespmem:s16+$0x910];
	s23 =	sshra.s32 s13, $0x2;
	s13 =	sand.u32 $0x7, s17;
	s16 =	sshll.u32 s17, $0x2  }
0x1a4: {  	s16 =	sand.u32 $0xFFFFFFE0, s16;
	s13 =	sshll.u32 s13, $0x2;
	s17 =	spop (v2sf)  }
0x1a5: {  	s13 =	sor.u32 s13, s16;
	s16 =	sand.u32 $0x7, s17;
	s17 =	sshll.u32 s17, $0x2;
	(v2sf) =	vpush v0, $0xF  }
0x1a6: {  	s13 =	sshra.s32 s13, $0x2;
	s17 =	sand.u32 $0xFFFFFFE0, s17;
	s16 =	sshll.u32 s16, $0x2  }
0x1a7: {  	[tilespmem:s28+$0xFFFFFF40] =	vst v1;
	s16 =	sor.u32 s16, s17;
	s17 =	spop (v2sf)  }
0x1a8: {  	s14 =	sadd.s32 s0, s14;
	[tilespmem:s28+$0xFFFFFF50] =	vst v2;
	s21 =	sshra.s32 s16, $0x2;
	s16 =	sand.u32 $0x7, s17  }
0x1a9: {  	s17 =	sshll.u32 s17, $0x2;
	v0 =	vld [tilespmem:s14+$0x980];
	s18 =	spop (v2sf)  }
0x1aa: {  	s16 =	sshll.u32 s16, $0x2;
	v1 =	vld [tilespmem:s14+$0x990];
	s14 =	sand.u32 $0xFFFFFFE0, s17;
	s17 =	sand.u32 $0x7, s18  }
0x1ab: {  	s14 =	sor.u32 s16, s14;
	s16 =	sshll.u32 s18, $0x2;
	s18 =	spop (v2sf)  }
0x1ac: {  	s17 =	sshll.u32 s17, $0x2;
	s14 =	sshra.s32 s14, $0x2;
	s16 =	sand.u32 $0xFFFFFFE0, s16  }
0x1ad: {  	s16 =	sor.u32 s17, s16;
	s17 =	sand.u32 $0x7, s18;
	s18 =	sshll.u32 s18, $0x2  }
0x1ae: {  	[tilespmem:s28+$0xFFFFFF60] =	vst v0;
	s24 =	sshra.s32 s16, $0x2;
	s16 =	sand.u32 $0xFFFFFFE0, s18;
	s17 =	sshll.u32 s17, $0x2  }
0x1af: {  	s1 =	sadd.s32 s0, s1;
	[tilespmem:s28+$0xFFFFFF70] =	vst v1;
	s16 =	sor.u32 s17, s16;
	s18 =	spop (v2sf)  }
0x1b0: {  	v0 =	vld [tilespmem:s1+$0xA00];
	s17 =	sshra.s32 s16, $0x2;
	s16 =	sand.u32 $0x7, s18;
	s18 =	sshll.u32 s18, $0x2  }
0x1b1: {  	v1 =	vld [tilespmem:s1+$0xA10];
	s1 =	sand.u32 $0xFFFFFFE0, s18;
	s16 =	sshll.u32 s16, $0x2;
	s18 =	spop (v2sf)  }
0x1b2: {  	s1 =	sor.u32 s16, s1;
	s16 =	sand.u32 $0x7, s18;
	s18 =	sshll.u32 s18, $0x2  }
0x1b3: {  	s22 =	sshra.s32 s1, $0x2;
	s1 =	sand.u32 $0xFFFFFFE0, s18;
	s16 =	sshll.u32 s16, $0x2  }
0x1b4: {  	s1 =	sor.u32 s16, s1;
	s16 =	spop (v2sf)  }
0x1b5: {  	[tilespmem:s28+$0xFFFFFF80] =	vst v0;
	s1 =	sshra.s32 s1, $0x2;
	s18 =	sand.u32 $0x7, s16;
	s16 =	sshll.u32 s16, $0x2  }
0x1b6: {  	s11 =	sadd.s32 s0, s11;
	[tilespmem:s28+$0xFFFFFF90] =	vst v1;
	s16 =	sand.u32 $0xFFFFFFE0, s16;
	s18 =	sshll.u32 s18, $0x2  }
0x1b7: {  	v0 =	vld [tilespmem:s11+$0xA80];
	s16 =	sor.u32 s18, s16  }
0x1b8: {  	v1 =	vld [tilespmem:s11+$0xA90];
	s11 =	sshra.s32 s16, $0x2;
	_ =	sdelay $0x3  }
0x1b9: {  	[tilespmem:s28+$0xFFFFFFA0] =	vst v0  }
0x1ba: {  	s15 =	sadd.s32 s0, s15;
	[tilespmem:s28+$0xFFFFFFB0] =	vst v1  }
0x1bb: {  	v0 =	vld [tilespmem:s15+$0xB00]  }
0x1bc: {  	v1 =	vld [tilespmem:s15+$0xB10];
	_ =	sdelay $0x3  }
0x1bd: {  	[tilespmem:s28+$0xFFFFFFC0] =	vst v0  }
0x1be: {  	s15 =	sadd.s32 s0, s23;
	[tilespmem:s28+$0xFFFFFFD0] =	vst v1  }
0x1bf: {  	v0 =	vld [tilespmem:s15+$0xB80]  }
0x1c0: {  	v1 =	vld [tilespmem:s15+$0xB90];
	_ =	sdelay $0x3  }
0x1c1: {  	[tilespmem:s28+$0xFFFFFFE0] =	vst v0  }
0x1c2: {  	s13 =	sadd.s32 s0, s13;
	[tilespmem:s28+$0xFFFFFFF0] =	vst v1  }
0x1c3: {  	v0 =	vld [tilespmem:s13+$0xC00]  }
0x1c4: {  	v1 =	vld [tilespmem:s13+$0xC10];
	_ =	sdelay $0x3  }
0x1c5: {  	[tilespmem:s28+$0x0] =	vst v0  }
0x1c6: {  	s13 =	sadd.s32 s0, s21;
	[tilespmem:s28+$0x10] =	vst v1  }
0x1c7: {  	v0 =	vld [tilespmem:s13+$0xC80]  }
0x1c8: {  	v1 =	vld [tilespmem:s13+$0xC90];
	_ =	sdelay $0x3  }
0x1c9: {  	[tilespmem:s28+$0x20] =	vst v0  }
0x1ca: {  	s13 =	sadd.s32 s0, s14;
	[tilespmem:s28+$0x30] =	vst v1  }
0x1cb: {  	v0 =	vld [tilespmem:s13+$0xD00]  }
0x1cc: {  	v1 =	vld [tilespmem:s13+$0xD10];
	_ =	sdelay $0x3  }
0x1cd: {  	[tilespmem:s28+$0x40] =	vst v0  }
0x1ce: {  	s13 =	sadd.s32 s0, s24;
	[tilespmem:s28+$0x50] =	vst v1  }
0x1cf: {  	v0 =	vld [tilespmem:s13+$0xD80]  }
0x1d0: {  	v1 =	vld [tilespmem:s13+$0xD90];
	_ =	sdelay $0x3  }
0x1d1: {  	[tilespmem:s28+$0x60] =	vst v0  }
0x1d2: {  	s13 =	sadd.s32 s0, s17;
	[tilespmem:s28+$0x70] =	vst v1  }
0x1d3: {  	v0 =	vld [tilespmem:s13+$0xE00]  }
0x1d4: {  	v1 =	vld [tilespmem:s13+$0xE10];
	_ =	sdelay $0x1  }
.Ltmp1:
0x1d5: {  	(pc) =	sbr.rel @p0 .LBB2_4-.Ltmp1, $4  }
0x1d6: {  	_ = 	snop  }
0x1d7: {  	[tilespmem:s28+$0x80] =	vst v0  }
0x1d8: {  	s13 =	sadd.s32 s0, s22;
	[tilespmem:s28+$0x90] =	vst v1  }
0x1d9: {  	v0 =	vld [tilespmem:s13+$0xE80]  }
0x1da: {  	v1 =	vld [tilespmem:s13+$0xE90];
	_ =	sdelay $0x3  }
0x1db: {  	[tilespmem:s30+$0xA0] =	vst v0  }
0x1dc: {  	s1 =	sadd.s32 s0, s1;
	[tilespmem:s30+$0xB0] =	vst v1  }
0x1dd: {  	v0 =	vld [tilespmem:s1+$0xF00]  }
0x1de: {  	v1 =	vld [tilespmem:s1+$0xF10];
	_ =	sdelay $0x3  }
0x1df: {  	[tilespmem:s30+$0xC0] =	vst v0  }
0x1e0: {  	s31 =	sadd.s32 s0, s11;
	[tilespmem:s30+$0xD0] =	vst v1  }
0x1e1: {  	v0 =	vld [tilespmem:s31+$0xF80]  }
0x1e2: {  	v1 =	vld [tilespmem:s31+$0xF90];
	_ =	sdelay $0x2  }
0x1e3: {  	s25 =	sadd.s32 $0x1, s25  }
0x1e4: {  	p0 =	sne.s32 s25, s9;
	[tilespmem:s30+$0xE0] =	vst v0  }
.Ltmp2:
0x1e5: {  	[tilespmem:s30+$0xF0] =	vst v1;
	(pc) =	sbr.rel @p0 .LBB2_1-.Ltmp2, $4  }
0x1e6: {  	[hbm4b:s8+s2] =	stream.linear.scatter [tilespmem:s20], [sflag:$0x2], $0x4000, $0x38;
	[tilespmem:$0x14800] =	vst v63  }
0x1e7: {  	_ =	swait.ge [sflag:s10], $0x4000  }
0x1e8: {  	[sflag:s10] =	ssyncset.done $0x0  }
0x1e9: {  	[sflag:s10] =	ssyncadd.s32 $0xFFFFC000  }
0x1ea: {  	_ =	sfence.sel $0x180000  }
0x1eb: {  	[bflag:$0x0] =	sbarrier.arrive $0xFFFF  }
0x1ec: {  	_ =	strace $0x9000004A  }
0x1ed: {  	s0 =	stileid.u32;
	[bflag:$0x2] =	sbarrier.arrive $0xFFFF  }
0x1ee: {  	p0 =	sne.s32 s0, $0x0;
	s0 =	rddreg [dreg:$0x1]  }
0x1ef: {  	s0 =	sadd.s32 @!p0 $0x100000, s0  }
0x1f0: {  	[sflag:s0] =	ssyncadd.tile.s32 @!p0 $0x1;
	_ =	shalt  }
.Lfunc_end2:
_tile_overlayer_lowered:
.L_overlay_start_2:
0x1f1: {  	(tag) =	ssettag $0x2  }
0x1f2: {  	s0 =	rddreg [dreg:$0x0];
	s2 =	stileid.u32  }
0x1f3: {  	s1 =	rddreg [dreg:$0x1];
	p0 =	sne.s32 s2, $0x0  }
0x1f4: {  	s3 =	rddreg [dreg:$0x2];
	[bflag:$0x3] =	sbarrier.arrive $0xFFFF;
	s2 =	simm.s32 @!p0 $0x1C02  }
0x1f5: {  	[timem:s3], [sflag:s2] =	dma.local @!p0 [hbm:s0], s1  }
0x1f6: {  	s0 =	simm.s32 @!p0 $0x2  }
0x1f7: {  	_ =	swait.ge @!p0 [sflag:s0], s1  }
0x1f8: {  	s1 =	ssub.s32 @!p0 $0x0, s1;
	[sflag:s0] =	ssyncset.done @!p0 $0x0  }
0x1f9: {  	[sflag:s0] =	ssyncadd.s32 @!p0 s1  }
0x1fa: {  	[bflag:$0x3] =	sbarrier.arrive $0xFFFF  }
0x1fb: {  	_ =	shalt  }

// kernel: kernel.8.cloned.1.call-start
scs
__scs_entry_jumppad:
0x0: {  	(pc) =	sbr.rel $0x88, $3  }
0x1: {  	(tag) =	ssettag $0x0;
	lr =	simm.s32 $0x1  }
0x2: {  	[smem:$0x3F97] =	sst lr;
	_ =	strace $0xD0000000  }
0x3: {  	_ = 	snop  }
0x4: {  	_ = 	snop  }
0x5: {  	_ = 	snop  }
0x6: {  	_ = 	snop  }
0x7: {  	_ = 	snop  }
__scs_overlays_trampoline_lowered:
0x8: {  	[smem:$0x3FA6] =	sst s0  }
0x9: {  	[smem:$0x3FA7] =	sst s1  }
0xa: {  	[smem:$0x3FA8] =	sst s2  }
0xb: {  	[smem:$0x3FA9] =	sst s3  }
0xc: {  	[smem:$0x3FAA] =	sst s4  }
0xd: {  	[smem:$0x3FAB] =	sst s5  }
0xe: {  	[smem:$0x3FAC] =	sst s6  }
0xf: {  	[smem:$0x3FAD] =	sst s7  }
0x10: {  	[smem:$0x3FAE] =	sst s8  }
0x11: {  	[smem:$0x3FAF] =	sst s9;
	s0 =	simm.s32 @!p0 $0x0  }
0x12: {  	s1 =	sld [smem:$0x3F95];
	s0 =	simm.s32 @p0 $0x1  }
0x13: {  	[smem:$0x3FB0] =	sst s0;
	s0 =	simm.s32 @!p1 $0x0  }
0x14: {  	s2 =	sld [smem:$0x3F94];
	s0 =	simm.s32 @p1 $0x1  }
0x15: {  	[smem:$0x3FB1] =	sst s0;
	s0 =	simm.s32 @!p2 $0x0  }
0x16: {  	s3 =	sld [smem:$0x3FDB];
	s0 =	simm.s32 @p2 $0x1  }
0x17: {  	s4 =	simm.s32 $0x1BF5;
	[smem:$0x3FB3] =	sst s0  }
0x18: {  	s0 =	sld [smem:$0x3F96];
	_ =	swait.ge [sflag:s4], $0x0  }
0x19: {  	s7 =	sld [smem:$0x3F97]  }
0x1a: {  	s8 =	sadd.s32 $0xFFFFE003, lr  }
0x1b: {  	s9 =	sadd.s32 $0xFFFFFEF7, lr;
	s5 =	simm.s32 $0xFFFFFFFF;
	p2 =	slt.u32 s8, $0xFFFFF086  }
0x1c: {  	p1 =	slt.u32 s9, $0xF7A;
	s5 =	simm.s32 @!p2 $0x0  }
0x1d: {  	s5 =	simm.s32 @p1 $0x1;
	p0 =	seq.s32 s7, s2  }
0x1e: {  	s7 =	smul.u32 @!p0 $0xF7A, s2;
	p2 =	seq.s32 @!p0 s5, $0x0  }
0x1f: {  	s9 =	smul.u32 $0xF7A, s1;
	s8 =	simm.s32 @!p0 $0x1BF5;
	p2 =	por !p2, p0  }
0x20: {  	[sflag:s8] =	ssyncset.s32 @!p0 $0xFFFFF086;
	s6 =	sadd.s32 @!p0 s3, s7;
	s7 =	simm.s32 @!p0 $0x108  }
0x21: {  	s3 =	sadd.s32 s3, s9;
	s6 =	sadd.s32 @!p0 $0x88, s6;
	s7 =	simm.s32 @p2 $0x1082  }
0x22: {  	[simem:s7], [sflag:s8] =	dma.local @!p0 [hbm:s6], $0xF7A  }
0x23: {  	s9 =	sor.u32 $0xD0000000, s2;
	s6 =	simm.s32 $0x108;
	_ =	swait.ge @!p0 [sflag:s8], $0x0  }
0x24: {  	s3 =	sadd.s32 $0x88, s3;
	s6 =	simm.s32 @!p1 $0x1082;
	[sflag:s4] =	ssyncset.s32 $0xFFFFF086  }
0x25: {  	[simem:s6], [sflag:s4] =	dma.local [hbm:s3], $0xF7A  }
0x26: {  	[smem:$0x3F97] =	sst s1;
	(tag) =	ssettag s2;
	_ =	strace s9  }
0x27: {  	s1 =	sld [smem:$0x3FA7]  }
0x28: {  	s2 =	sld [smem:$0x3FA8]  }
0x29: {  	s4 =	sld [smem:$0x3FAA]  }
0x2a: {  	p0 =	seq.s32 s5, $0x0;
	s5 =	sld [smem:$0x3FAB]  }
0x2b: {  	s6 =	sld [smem:$0x3FAC]  }
0x2c: {  	s7 =	sld [smem:$0x3FAD]  }
0x2d: {  	s3 =	simm.s32 $0x108;
	s8 =	sld [smem:$0x3FAE]  }
0x2e: {  	s3 =	simm.s32 @!p0 $0x1082;
	s9 =	sld [smem:$0x3FAF]  }
0x2f: {  	lr =	sadd.s32 s0, s3;
	s0 =	sld [smem:$0x3FA6]  }
0x30: {  	s3 =	sld [smem:$0x3FA9]  }
0x31: {  	[smem:$0x3FB2] =	sst s10  }
0x32: {  	s10 =	sld [smem:$0x3FB0];
	_ =	sdelay $0x3  }
0x33: {  	p0 =	seq.s32 s10, $0x1;
	s10 =	sld [smem:$0x3FB2];
	_ =	sdelay $0x3  }
0x34: {  	[smem:$0x3FB2] =	sst s10  }
0x35: {  	s10 =	sld [smem:$0x3FB1];
	_ =	sdelay $0x3  }
0x36: {  	p1 =	seq.s32 s10, $0x1;
	s10 =	sld [smem:$0x3FB2];
	_ =	sdelay $0x3  }
0x37: {  	[smem:$0x3FB2] =	sst s10  }
0x38: {  	s10 =	sld [smem:$0x3FB3]  }
0x39: {  	_ = 	snop;
	(pc) =	sbr.ind lr, $3  }
0x3a: {  	_ = 	snop  }
0x3b: {  	_ = 	snop  }
0x3c: {  	p2 =	seq.s32 s10, $0x1;
	s10 =	sld [smem:$0x3FB2]  }
0x3d: {  	_ =	shalt  }
0x3e: {  	_ =	shalt  }
0x3f: {  	_ =	shalt  }
0x40: {  	_ =	shalt  }
0x41: {  	_ =	shalt  }
0x42: {  	_ =	shalt  }
0x43: {  	_ =	shalt  }
0x44: {  	_ =	shalt  }
0x45: {  	_ =	shalt  }
0x46: {  	_ =	shalt  }
0x47: {  	_ =	shalt  }
0x48: {  	_ =	shalt  }
0x49: {  	_ =	shalt  }
0x4a: {  	_ =	shalt  }
0x4b: {  	_ =	shalt  }
0x4c: {  	_ =	shalt  }
0x4d: {  	_ =	shalt  }
0x4e: {  	_ =	shalt  }
0x4f: {  	_ =	shalt  }
0x50: {  	_ =	shalt  }
0x51: {  	_ =	shalt  }
0x52: {  	_ =	shalt  }
0x53: {  	_ =	shalt  }
0x54: {  	_ =	shalt  }
0x55: {  	_ =	shalt  }
0x56: {  	_ =	shalt  }
0x57: {  	_ =	shalt  }
0x58: {  	_ =	shalt  }
0x59: {  	_ =	shalt  }
0x5a: {  	_ =	shalt  }
0x5b: {  	_ =	shalt  }
0x5c: {  	_ =	shalt  }
0x5d: {  	_ =	shalt  }
0x5e: {  	_ =	shalt  }
0x5f: {  	_ =	shalt  }
0x60: {  	_ =	shalt  }
0x61: {  	_ =	shalt  }
0x62: {  	_ =	shalt  }
0x63: {  	_ =	shalt  }
0x64: {  	_ =	shalt  }
0x65: {  	_ =	shalt  }
0x66: {  	_ =	shalt  }
0x67: {  	_ =	shalt  }
0x68: {  	_ =	shalt  }
0x69: {  	_ =	shalt  }
0x6a: {  	_ =	shalt  }
0x6b: {  	_ =	shalt  }
0x6c: {  	_ =	shalt  }
0x6d: {  	_ =	shalt  }
0x6e: {  	_ =	shalt  }
0x6f: {  	_ =	shalt  }
0x70: {  	_ =	shalt  }
0x71: {  	_ =	shalt  }
0x72: {  	_ =	shalt  }
0x73: {  	_ =	shalt  }
0x74: {  	_ =	shalt  }
0x75: {  	_ =	shalt  }
0x76: {  	_ =	shalt  }
0x77: {  	_ =	shalt  }
0x78: {  	_ =	shalt  }
0x79: {  	_ =	shalt  }
0x7a: {  	_ =	shalt  }
0x7b: {  	_ =	shalt  }
0x7c: {  	_ =	shalt  }
0x7d: {  	_ =	shalt  }
0x7e: {  	_ =	shalt  }
0x7f: {  	_ =	shalt  }
0x80: {  	_ =	shalt  }
0x81: {  	_ =	shalt  }
0x82: {  	_ =	shalt  }
0x83: {  	_ =	shalt  }
0x84: {  	_ =	shalt  }
0x85: {  	_ =	shalt  }
0x86: {  	_ =	shalt  }
0x87: {  	_ =	shalt  }
.Lfunc_end0:
.L_simem_size_0:
called_computation_lowered:
.L_overlay_start_0:
0x88: {  	s2 =	sld [smem:$0x3FD9]  }
0x89: {  	s3 =	sld [smem:$0x3FFE];
	_ =	sdelay $0x1  }
0x8a: {  	s1 =	srdreg.scid  }
0x8b: {  	s0 =	sand.u32 $0x1, s1  }
0x8c: {  	s16 =	sshll.u32 s0, $0xA;
	s2 =	sadd.s32 s3, s2  }
0x8d: {  	s2 =	sadd.s32 s2, s16  }
0x8e: {  	[smem:$0x3FBE] =	sst s2  }
0x8f: {  	_ = 	snop  }
0x90: {  	(tm) =	ssettm $0x1  }
0x91: {  	s17 =	sld [smem:$0x3FFB];
	_ =	sdelay $0x3  }
0x92: {  	_ =	strace s17  }
0x93: {  	s2 =	sld [smem:$0x3FFC];
	_ =	sdelay $0x3  }
0x94: {  	_ =	strace s2  }
0x95: {  	s2 =	sld [smem:$0x3FFD];
	_ =	sdelay $0x3  }
0x96: {  	_ =	strace s2  }
0x97: {  	_ =	strace $0x8FFFFFFF  }
0x98: {  	s18 =	sld [smem:$0x3FDB];
	_ =	sdelay $0x1  }
0x99: {  	s19 =	simm.s32 $_scs_section_size  }
0x9a: {  	s4 =	simm.s32 $_size__tile_overlayer_lowered;
	s5 =	simm.s32 $_tile_overlayer_lowered  }
0x9b: {  	s22 =	simm.s32 $0x1BFF;
	s21 =	sshll.u32 s5, $0x1;
	s2 =	sadd.s32 s19, s18  }
0x9c: {  	s6 =	simm.s32 $0x0;
	s20 =	sshll.u32 s4, $0x1;
	s4 =	sadd.s32 s21, s2  }
0x9d: {  	[timem:s6], [sflag:s22] =	dma.local [hbm:s4], s20  }
0x9e: {  	_ =	swait.ge [sflag:s22], s20  }
0x9f: {  	s3 =	ssub.s32 $0x0, s20;
	[sflag:s22] =	ssyncset.done $0x0  }
0xa0: {  	[sflag:s22] =	ssyncadd.s32 s3;
	_ =	sdelay $0x1  }
0xa1: {  	s23 =	simm.s32 $0x1B8B  }
0xa2: {  	_ =	swait.ge [sflag:s23], $0x1  }
0xa3: {  	[sflag:s23] =	ssyncset.done $0x0  }
0xa4: {  	s25 =	simm.s32 $0x1B8E;
	s24 =	sld [smem:$0x3FFE];
	[sflag:s23] =	ssyncadd.s32 $0xFFFFFFFF  }
0xa5: {  	s26 =	simm.s32 $execute0_lowered;
	[smem:$0x3FD2] =	sst s25  }
0xa6: {  	s4 =	sshll.u32 s26, $0x1;
	_ =	strace $0x80000046;
	[dreg:$0x1] =	wrdreg $0xFFFFFFFF  }
0xa7: {  	s28 =	simm.s32 $_size_execute0_lowered;
	s2 =	sadd.s32 s2, s4;
	[dreg:$0x0] =	wrdreg $0x0  }
0xa8: {  	s4 =	sshll.u32 s28, $0x1;
	[dreg:$0x2] =	wrdreg s2  }
0xa9: {  	[dreg:$0x3] =	wrdreg s4  }
0xaa: {  	[dreg:$0x4] =	wrdreg $0xC0  }
0xab: {  	_ =	task [dreg:s6], $0x5FFFF  }
0xac: {  	[dreg:$0x1] =	wrdreg $0xFFFFFFFF  }
0xad: {  	[dreg:$0x0] =	wrdreg $0x60  }
0xae: {  	[dreg:$0x2] =	wrdreg s24  }
0xaf: {  	[dreg:$0x3] =	wrdreg $0x9  }
0xb0: {  	_ =	task.clear_ibuf [dreg:s6], $0x4FFFF;
	_ =	strace $0x90000046  }
0xb1: {  	s29 =	simm.s32 $0x9;
	_ =	strace $0x80000048  }
0xb2: {  	_ =	swait.ge [sflag:s29], $0x1  }
0xb3: {  	[sflag:s29] =	ssyncadd.s32 $0xFFFFFFFF  }
0xb4: {  	_ =	strace $0x90000048  }
0xb5: {  	_ =	sfence  }
0xb6: {  	s30 =	sld [smem:$0x0];
	_ =	sdelay $0x2  }
0xb7: {  	s31 =	sshll.u32 s1, $0xD;
	s1 =	sshrl.u32 s1, $0x2  }
0xb8: {  	s3 =	sand.u32 $0x4000, s31;
	s1 =	sadd.s32 s1, s30  }
0xb9: {  	s0 =	sor.u32 s3, s0;
	s1 =	sshll.u32 s1, $0x11  }
0xba: {  	s0 =	sor.u32 s1, s0  }
0xbb: {  	s0 =	sadd.s32 $0x8F2B, s0  }
0xbc: {  	[sflag:s0] =	ssyncadd.remote.s32 $0x1  }
0xbd: {  	_ =	sfence.sel $0xFFFF  }
0xbe: {  	[dreg:$0x0] =	wrdreg $0xFFFFFFFF;
	(pc) =	sbr.abs _section_cstart, $3  }
0xbf: {  	[dreg:$0x1] =	wrdreg $0xFFFFFFFF  }
0xc0: {  	_ =	task.clear_ibuf [dreg:s6], $0x2FFFF;
	_ =	strace $0x9FFFFFFF  }
0xc1: {  	(tm) =	ssettm $0x7FFFFFFF  }
tec
execute0_lowered:
.L_overlay_start_1:
0x0: {  	(tag) =	ssettag $0x1  }
0x1: {  	s0 =	rddreg [dreg:$0x0]  }
0x2: {  	s1 =	srdreg.scid;
	s3 =	stileid.u32  }
0x3: {  	s2 =	simm.s32 $0x0;
	s8 =	simm.s32 $0x2;
	s10 =	simm.s32 $0x80  }
0x4: {  	s11 =	simm.s32 $0x6800;
	s12 =	simm.s32 $0xA800;
	s13 =	simm.s32 $0xE800  }
0x5: {  	s14 =	simm.s32 $0x12800;
	s1 =	sand.u32 $0x1, s1;
	s3 =	sshll.u32 s3, $0x1  }
0x6: {  	s15 =	simm.s32 $0x1;
	s4 =	sor.u32 s1, s3;
	s1 =	ssub.s32 $0x2, s1  }
0x7: {  	[smem:$0x7FF] =	sst s2;
	s5 =	smul.u32 $0x680, s4;
	s28 =	sshrl.u32 s1, $0x1  }
0x8: {  	s16 =	simm.s32 $0x16800;
	_ =	strace $0x80000047;
	s1 =	ssub.s32 s1, s28  }
0x9: {  	s3 =	sadd.s32 $0x1000, s0;
	s5 =	sadd.s32 s5, s0;
	s31 =	smax.u32 s1, $0x1  }
0xa: {  	s4 =	sshll.u32 s4, $0xB;
	s29 =	sadd.s32 $0xB61000, s5;
	[dreg:$0x5] =	wrdreg s31  }
0xb: {  	s0 =	sadd.s32 s4, s0;
	s30 =	sadd.s32 $0xB6E000, s5;
	[dreg:$0x3] =	wrdreg s29  }
0xc: {  	s17 =	simm.s32 $0x0;
	s6 =	sadd.s32 $0xB7B000, s0;
	[dreg:$0x4] =	wrdreg s30  }
.LBB2_1:
0xd: {  	s0 =	rddreg [dreg:$0x3]  }
0xe: {  	[tilespmem:s2], [sflag:$0x2] =	stream.linear.gather [hbm4b:s0+s2], $0x3400, $0x38;
	[tilespmem:$0x1A800] =	vst v63  }
0xf: {  	_ =	swait.ge [sflag:s8], $0x3400  }
0x10: {  	[sflag:s8] =	ssyncset.done $0x0  }
0x11: {  	s1 =	simm.s32 $0x3400;
	s31 =	rddreg [dreg:$0x4];
	[sflag:s8] =	ssyncadd.s32 $0xFFFFCC00  }
0x12: {  	[tilespmem:s1], [sflag:$0x2] =	stream.linear.gather [hbm4b:s31+s2], $0x3400, $0x38;
	[tilespmem:$0x1A800] =	vst v63  }
0x13: {  	_ =	swait.ge [sflag:s8], $0x3400  }
0x14: {  	[sflag:s8] =	ssyncset.done $0x0  }
0x15: {  	s18 =	simm.s32 $0x0;
	[sflag:s8] =	ssyncadd.s32 $0xFFFFCC00  }
.LBB2_2:
0x16: {  	s0 =	sshll.u32 s18, $0x9  }
0x17: {  	s0 =	sand.u32 $0x3FFFFE00, s0  }
0x18: {  	[tilespmem:s11], [sflag:$0x1] =	stream.indirect.gather [hbm4b:s3+s10], $0x80, s0, s10, $0xb8;
	[tilespmem:$0x1A800] =	vst v63  }
0x19: {  	s1 =	sor.u32 $0x80, s0  }
0x1a: {  	[tilespmem:s12], [sflag:$0x1] =	stream.indirect.gather [hbm4b:s3+s10], $0x80, s1, s10, $0xb8;
	[tilespmem:$0x1A800] =	vst v63  }
0x1b: {  	s24 =	sor.u32 $0x100, s0  }
0x1c: {  	[tilespmem:s13], [sflag:$0x1] =	stream.indirect.gather [hbm4b:s3+s10], $0x80, s24, s10, $0xb8;
	[tilespmem:$0x1A800] =	vst v63  }
0x1d: {  	s25 =	sor.u32 $0x180, s0  }
0x1e: {  	[tilespmem:s14], [sflag:$0x1] =	stream.indirect.gather [hbm4b:s3+s10], $0x80, s25, s10, $0xb8;
	[tilespmem:$0x1A800] =	vst v63  }
0x1f: {  	_ =	swait.ge [sflag:s15], $0x4000  }
0x20: {  	[sflag:s15] =	ssyncset.done $0x0  }
0x21: {  	[sflag:s15] =	ssyncadd.s32 $0xFFFFC000  }
0x22: {  	_ =	swait.ge [sflag:s15], $0x4000  }
0x23: {  	[sflag:s15] =	ssyncset.done $0x0  }
0x24: {  	[sflag:s15] =	ssyncadd.s32 $0xFFFFC000  }
0x25: {  	_ =	swait.ge [sflag:s15], $0x4000  }
0x26: {  	[sflag:s15] =	ssyncset.done $0x0  }
0x27: {  	s19 =	simm.s32 $0x0;
	s0 =	sadd.s32 $0x3400, s0;
	[sflag:s15] =	ssyncadd.s32 $0xFFFFC000  }
0x28: {  	s26 =	sand.u32 $0x600, s19;
	_ =	swait.ge [sflag:s15], $0x4000;
	[dreg:$0x2] =	wrdreg s0  }
0x29: {  	s1 =	sshrl.u32 s26, $0x2;
	s0 =	rddreg [dreg:$0x2]  }
0x2a: {  	s4 =	sand.u32 $0x70, s19;
	[sflag:s15] =	ssyncset.done $0x0;
	s0 =	sadd.s32 s1, s0  }
0x2b: {  	[sflag:s15] =	ssyncadd.s32 $0xFFFFC000;
	s0 =	sadd.s32 s4, s0  }
0x2c: {  	v0 =	vld [tilespmem:s0+$0x0];
	_ =	sdelay $0x4  }
0x2d: {  	(v2sf) =	vpush v0, $0x0;
	_ =	sdelay $0x6  }
0x2e: {  	(v2sf) =	vpush v0, $0x1;
	_ =	sdelay $0x6  }
0x2f: {  	(v2sf) =	vpush v0, $0x2  }
0x30: {  	s28 =	spop (v2sf)  }
0x31: {  	s29 =	sand.u32 $0x7, s28;
	s0 =	sshll.u32 s28, $0x2  }
0x32: {  	s0 =	sand.u32 $0xFFFFFFE0, s0;
	s1 =	sshll.u32 s29, $0x2  }
0x33: {  	s0 =	sor.u32 s1, s0  }
0x34: {  	s0 =	sshra.s32 s0, $0x2  }
0x35: {  	s0 =	sadd.s32 $0x0, s0  }
0x36: {  	(v2sf) =	vpush v0, $0x3;
	v1 =	vld [tilespmem:s0+$0x6800]  }
0x37: {  	s30 =	spop (v2sf);
	v2 =	vld [tilespmem:s0+$0x6810]  }
0x38: {  	s31 =	sand.u32 $0x7, s30;
	s1 =	sshll.u32 s30, $0x2  }
0x39: {  	s1 =	sand.u32 $0xFFFFFFE0, s1;
	s0 =	sshll.u32 s31, $0x2  }
0x3a: {  	s20 =	simm.s32 $0x16900;
	s0 =	sor.u32 s0, s1  }
0x3b: {  	s0 =	sshra.s32 s0, $0x2;
	[tilespmem:s20+$0xFFFFFF00] =	vst v1  }
0x3c: {  	s0 =	sadd.s32 $0x0, s0;
	[tilespmem:s20+$0xFFFFFF10] =	vst v2  }
0x3d: {  	(v2sf) =	vpush v0, $0x4;
	v1 =	vld [tilespmem:s0+$0x6880]  }
0x3e: {  	s4 =	spop (v2sf);
	v2 =	vld [tilespmem:s0+$0x6890]  }
0x3f: {  	s5 =	sand.u32 $0x7, s4;
	s1 =	sshll.u32 s4, $0x2  }
0x40: {  	s1 =	sand.u32 $0xFFFFFFE0, s1;
	s0 =	sshll.u32 s5, $0x2  }
0x41: {  	s0 =	sor.u32 s0, s1  }
0x42: {  	s0 =	sshra.s32 s0, $0x2;
	[tilespmem:s20+$0xFFFFFF20] =	vst v1  }
0x43: {  	s0 =	sadd.s32 $0x0, s0;
	[tilespmem:s20+$0xFFFFFF30] =	vst v2  }
0x44: {  	(v2sf) =	vpush v0, $0x5;
	v1 =	vld [tilespmem:s0+$0x6900]  }
0x45: {  	s7 =	spop (v2sf);
	v2 =	vld [tilespmem:s0+$0x6910]  }
0x46: {  	s9 =	sand.u32 $0x7, s7;
	s1 =	sshll.u32 s7, $0x2  }
0x47: {  	s1 =	sand.u32 $0xFFFFFFE0, s1;
	s0 =	sshll.u32 s9, $0x2  }
0x48: {  	s0 =	sor.u32 s0, s1  }
0x49: {  	s0 =	sshra.s32 s0, $0x2;
	[tilespmem:s20+$0xFFFFFF40] =	vst v1  }
0x4a: {  	s0 =	sadd.s32 $0x0, s0;
	[tilespmem:s20+$0xFFFFFF50] =	vst v2  }
0x4b: {  	(v2sf) =	vpush v0, $0x6;
	v1 =	vld [tilespmem:s0+$0x6980]  }
0x4c: {  	s21 =	spop (v2sf);
	v2 =	vld [tilespmem:s0+$0x6990]  }
0x4d: {  	s22 =	sand.u32 $0x7, s21;
	s1 =	sshll.u32 s21, $0x2  }
0x4e: {  	s1 =	sand.u32 $0xFFFFFFE0, s1;
	s0 =	sshll.u32 s22, $0x2  }
0x4f: {  	s0 =	sor.u32 s0, s1  }
0x50: {  	s0 =	sshra.s32 s0, $0x2;
	[tilespmem:s20+$0xFFFFFF60] =	vst v1  }
0x51: {  	s0 =	sadd.s32 $0x0, s0;
	[tilespmem:s20+$0xFFFFFF70] =	vst v2  }
0x52: {  	(v2sf) =	vpush v0, $0x7;
	v1 =	vld [tilespmem:s0+$0x6A00]  }
0x53: {  	s23 =	spop (v2sf);
	v2 =	vld [tilespmem:s0+$0x6A10]  }
0x54: {  	s24 =	sand.u32 $0x7, s23;
	s1 =	sshll.u32 s23, $0x2  }
0x55: {  	s1 =	sand.u32 $0xFFFFFFE0, s1;
	s0 =	sshll.u32 s24, $0x2  }
0x56: {  	s0 =	sor.u32 s0, s1  }
0x57: {  	s0 =	sshra.s32 s0, $0x2;
	[tilespmem:s20+$0xFFFFFF80] =	vst v1  }
0x58: {  	s0 =	sadd.s32 $0x0, s0;
	[tilespmem:s20+$0xFFFFFF90] =	vst v2  }
0x59: {  	(v2sf) =	vpush v0, $0x8;
	v1 =	vld [tilespmem:s0+$0x6A80]  }
0x5a: {  	s25 =	spop (v2sf);
	v2 =	vld [tilespmem:s0+$0x6A90]  }
0x5b: {  	s26 =	sand.u32 $0x7, s25;
	s1 =	sshll.u32 s25, $0x2  }
0x5c: {  	s1 =	sand.u32 $0xFFFFFFE0, s1;
	s0 =	sshll.u32 s26, $0x2  }
0x5d: {  	s0 =	sor.u32 s0, s1  }
0x5e: {  	s0 =	sshra.s32 s0, $0x2;
	[tilespmem:s20+$0xFFFFFFA0] =	vst v1  }
0x5f: {  	s0 =	sadd.s32 $0x0, s0;
	[tilespmem:s20+$0xFFFFFFB0] =	vst v2  }
0x60: {  	(v2sf) =	vpush v0, $0x9;
	v1 =	vld [tilespmem:s0+$0x6B00]  }
0x61: {  	s28 =	spop (v2sf);
	v2 =	vld [tilespmem:s0+$0x6B10]  }
0x62: {  	s29 =	sand.u32 $0x7, s28;
	s1 =	sshll.u32 s28, $0x2  }
0x63: {  	s1 =	sand.u32 $0xFFFFFFE0, s1;
	s0 =	sshll.u32 s29, $0x2  }
0x64: {  	s0 =	sor.u32 s0, s1  }
0x65: {  	s0 =	sshra.s32 s0, $0x2;
	[tilespmem:s20+$0xFFFFFFC0] =	vst v1  }
0x66: {  	s0 =	sadd.s32 $0x0, s0;
	[tilespmem:s20+$0xFFFFFFD0] =	vst v2  }
0x67: {  	(v2sf) =	vpush v0, $0xA;
	v1 =	vld [tilespmem:s0+$0x6B80]  }
0x68: {  	s30 =	spop (v2sf);
	v2 =	vld [tilespmem:s0+$0x6B90]  }
0x69: {  	s31 =	sand.u32 $0x7, s30;
	s1 =	sshll.u32 s30, $0x2  }
0x6a: {  	s1 =	sand.u32 $0xFFFFFFE0, s1;
	s0 =	sshll.u32 s31, $0x2  }
0x6b: {  	s0 =	sor.u32 s0, s1  }
0x6c: {  	s0 =	sshra.s32 s0, $0x2;
	[tilespmem:s20+$0xFFFFFFE0] =	vst v1  }
0x6d: {  	s0 =	sadd.s32 $0x0, s0;
	[tilespmem:s20+$0xFFFFFFF0] =	vst v2  }
0x6e: {  	(v2sf) =	vpush v0, $0xB;
	v1 =	vld [tilespmem:s0+$0x6C00]  }
0x6f: {  	s4 =	spop (v2sf);
	v2 =	vld [tilespmem:s0+$0x6C10]  }
0x70: {  	s5 =	sand.u32 $0x7, s4;
	s1 =	sshll.u32 s4, $0x2  }
0x71: {  	s1 =	sand.u32 $0xFFFFFFE0, s1;
	s0 =	sshll.u32 s5, $0x2  }
0x72: {  	s0 =	sor.u32 s0, s1  }
0x73: {  	s0 =	sshra.s32 s0, $0x2;
	[tilespmem:s20+$0x0] =	vst v1  }
0x74: {  	s0 =	sadd.s32 $0x0, s0;
	[tilespmem:s20+$0x10] =	vst v2  }
0x75: {  	(v2sf) =	vpush v0, $0xC;
	v1 =	vld [tilespmem:s0+$0x6C80]  }
0x76: {  	s7 =	spop (v2sf);
	v2 =	vld [tilespmem:s0+$0x6C90]  }
0x77: {  	s9 =	sand.u32 $0x7, s7;
	s1 =	sshll.u32 s7, $0x2  }
0x78: {  	s1 =	sand.u32 $0xFFFFFFE0, s1;
	s0 =	sshll.u32 s9, $0x2  }
0x79: {  	s0 =	sor.u32 s0, s1  }
0x7a: {  	(v2sf) =	vpush v0, $0xD;
	s0 =	sshra.s32 s0, $0x2;
	[tilespmem:s20+$0x20] =	vst v1  }
0x7b: {  	s0 =	sadd.s32 $0x0, s0;
	[tilespmem:s20+$0x30] =	vst v2  }
0x7c: {  	(v2sf) =	vpush v0, $0xE;
	v1 =	vld [tilespmem:s0+$0x6D00]  }
0x7d: {  	s21 =	spop (v2sf);
	(v2sf) =	vpush v0, $0xF;
	v2 =	vld [tilespmem:s0+$0x6D10]  }
0x7e: {  	s22 =	sand.u32 $0x7, s21;
	s1 =	sshll.u32 s21, $0x2  }
0x7f: {  	s1 =	sand.u32 $0xFFFFFFE0, s1;
	s0 =	sshll.u32 s22, $0x2  }
0x80: {  	s0 =	sor.u32 s0, s1  }
0x81: {  	s0 =	sshra.s32 s0, $0x2;
	[tilespmem:s20+$0x40] =	vst v1  }
0x82: {  	s0 =	sadd.s32 $0x0, s0;
	[tilespmem:s20+$0x50] =	vst v2  }
0x83: {  	v0 =	vld [tilespmem:s0+$0x6D80]  }
0x84: {  	s23 =	spop (v2sf);
	v1 =	vld [tilespmem:s0+$0x6D90]  }
0x85: {  	s24 =	sand.u32 $0x7, s23;
	s1 =	sshll.u32 s23, $0x2  }
0x86: {  	s1 =	sand.u32 $0xFFFFFFE0, s1;
	s0 =	sshll.u32 s24, $0x2  }
0x87: {  	s0 =	sor.u32 s0, s1  }
0x88: {  	s0 =	sshra.s32 s0, $0x2;
	[tilespmem:s20+$0x60] =	vst v0  }
0x89: {  	s25 =	spop (v2sf);
	s0 =	sadd.s32 $0x0, s0;
	[tilespmem:s20+$0x70] =	vst v1  }
0x8a: {  	s26 =	sand.u32 $0x7, s25;
	v0 =	vld [tilespmem:s0+$0x6E00]  }
0x8b: {  	s21 =	simm.s32 $0x2000;
	s28 =	spop (v2sf);
	s4 =	sshll.u32 s26, $0x2;
	v1 =	vld [tilespmem:s0+$0x6E10]  }
0x8c: {  	s29 =	sand.u32 $0x7, s28;
	s9 =	spop (v2sf);
	s1 =	sshll.u32 s25, $0x2  }
0x8d: {  	s30 =	sand.u32 $0x7, s9;
	s9 =	sshll.u32 s9, $0x2;
	s1 =	sand.u32 $0xFFFFFFE0, s1  }
0x8e: {  	s9 =	sand.u32 $0xFFFFFFE0, s9;
	s1 =	sor.u32 s4, s1;
	s0 =	sshll.u32 s28, $0x2  }
0x8f: {  	s4 =	sshll.u32 s29, $0x2;
	s1 =	sshra.s32 s1, $0x2;
	s0 =	sand.u32 $0xFFFFFFE0, s0;
	[tilespmem:s20+$0x80] =	vst v0  }
0x90: {  	s1 =	sadd.s32 $0x0, s1;
	s0 =	sor.u32 s4, s0;
	s4 =	sshll.u32 s30, $0x2;
	[tilespmem:s20+$0x90] =	vst v1  }
0x91: {  	s22 =	simm.s32 $0x16900;
	s23 =	simm.s32 $0x0;
	s31 =	sor.u32 s4, s9;
	v1 =	vld [tilespmem:s1+$0x6E80]  }
0x92: {  	s24 =	simm.s32 $0x0;
	s26 =	sshra.s32 s0, $0x2;
	s25 =	sshra.s32 s31, $0x2;
	v0 =	vld [tilespmem:s1+$0x6E90]  }
.LBB2_3:
0x93: {  	_ =	sdelay $0x2  }
0x94: {  	[tilespmem:s22+$0xA0] =	vst v1  }
0x95: {  	s1 =	sadd.s32 s24, s26;
	[tilespmem:s22+$0xB0] =	vst v0  }
0x96: {  	v0 =	vld [tilespmem:s1+$0x6F00]  }
0x97: {  	v1 =	vld [tilespmem:s1+$0x6F10];
	_ =	sdelay $0x3  }
0x98: {  	[tilespmem:s22+$0xC0] =	vst v0  }
0x99: {  	s5 =	sadd.s32 s24, s25;
	[tilespmem:s22+$0xD0] =	vst v1  }
0x9a: {  	v0 =	vld [tilespmem:s5+$0x6F80]  }
0x9b: {  	v1 =	vld [tilespmem:s5+$0x6F90]  }
0x9c: {  	s19 =	sadd.s32 $0x40, s19  }
0x9d: {  	s4 =	sand.u32 $0x600, s19  }
0x9e: {  	s23 =	sadd.s32 $0x10, s23;
	s7 =	rddreg [dreg:$0x2];
	s4 =	sshrl.u32 s4, $0x2  }
0x9f: {  	s9 =	sand.u32 $0x70, s23;
	s1 =	sadd.s32 s4, s7;
	[tilespmem:s22+$0xE0] =	vst v0  }
0xa0: {  	s1 =	sadd.s32 s9, s1;
	[tilespmem:s22+$0xF0] =	vst v1  }
0xa1: {  	v0 =	vld [tilespmem:s1+$0x0];
	_ =	sdelay $0x4  }
0xa2: {  	(v2sf) =	vpush v0, $0x0;
	_ =	sdelay $0x6  }
0xa3: {  	(v2sf) =	vpush v0, $0x1;
	_ =	sdelay $0x1  }
0xa4: {  	(v2sf) =	vpush v0, $0x2;
	_ =	sdelay $0x2  }
0xa5: {  	(v2sf) =	vpush v0, $0x3;
	_ =	sdelay $0x1  }
0xa6: {  	(v2sf) =	vpush v0, $0x4  }
0xa7: {  	s0 =	smov.u32 s21;
	s9 =	spop (v2sf)  }
0xa8: {  	s24 =	sshra.s32 s0, $0x2;
	(v2sf) =	vpush v0, $0x5;
	s25 =	sand.u32 $0x7, s9;
	s0 =	sshll.u32 s9, $0x2  }
0xa9: {  	s0 =	sand.u32 $0xFFFFFFE0, s0;
	s1 =	sshll.u32 s25, $0x2  }
0xaa: {  	(v2sf) =	vpush v0, $0x6;
	s0 =	sor.u32 s1, s0  }
0xab: {  	s0 =	sshra.s32 s0, $0x2  }
0xac: {  	s0 =	sadd.s32 s24, s0  }
0xad: {  	v1 =	vld [tilespmem:s0+$0x6800]  }
0xae: {  	s26 =	spop (v2sf);
	(v2sf) =	vpush v0, $0x7;
	v2 =	vld [tilespmem:s0+$0x6810]  }
0xaf: {  	s28 =	sand.u32 $0x7, s26;
	s29 =	sshll.u32 s26, $0x2  }
0xb0: {  	s30 =	spop (v2sf);
	(v2sf) =	vpush v0, $0x8;
	s1 =	sand.u32 $0xFFFFFFE0, s29;
	s9 =	sshll.u32 s28, $0x2  }
0xb1: {  	s20 =	sadd.s32 $0x200, s20;
	s31 =	sand.u32 $0x7, s30;
	s1 =	sor.u32 s9, s1  }
0xb2: {  	s4 =	sshll.u32 s30, $0x2;
	s5 =	sshll.u32 s31, $0x2;
	s25 =	sshra.s32 s1, $0x2;
	[tilespmem:s20+$0xFFFFFF00] =	vst v1  }
0xb3: {  	s7 =	sand.u32 $0xFFFFFFE0, s4;
	s9 =	spop (v2sf);
	(v2sf) =	vpush v0, $0x9;
	s25 =	sadd.s32 s24, s25;
	[tilespmem:s20+$0xFFFFFF10] =	vst v2  }
0xb4: {  	s4 =	sor.u32 s5, s7;
	s1 =	sshll.u32 s9, $0x2;
	v1 =	vld [tilespmem:s25+$0x6880]  }
0xb5: {  	s26 =	sand.u32 $0x7, s9;
	s28 =	spop (v2sf);
	s1 =	sand.u32 $0xFFFFFFE0, s1;
	v2 =	vld [tilespmem:s25+$0x6890]  }
0xb6: {  	(v2sf) =	vpush v0, $0xA;
	s0 =	sshll.u32 s26, $0x2;
	s29 =	sand.u32 $0x7, s28;
	s9 =	sshll.u32 s28, $0x2  }
0xb7: {  	s5 =	spop (v2sf);
	s4 =	sshra.s32 s4, $0x2;
	s0 =	sor.u32 s0, s1  }
0xb8: {  	s30 =	sand.u32 $0xFFFFFFE0, s9;
	s31 =	sshll.u32 s29, $0x2;
	s7 =	sand.u32 $0x7, s5  }
0xb9: {  	(v2sf) =	vpush v0, $0xB;
	s9 =	sshll.u32 s5, $0x2;
	s29 =	spop (v2sf);
	s4 =	sadd.s32 s24, s4;
	[tilespmem:s20+$0xFFFFFF20] =	vst v1  }
0xba: {  	s1 =	sshra.s32 s0, $0x2;
	s9 =	sand.u32 $0xFFFFFFE0, s9;
	s28 =	sshll.u32 s7, $0x2;
	[tilespmem:s20+$0xFFFFFF30] =	vst v2  }
0xbb: {  	s26 =	sshll.u32 s29, $0x2;
	s9 =	sor.u32 s28, s9;
	s28 =	sand.u32 $0x7, s29;
	v1 =	vld [tilespmem:s4+$0x6900]  }
0xbc: {  	(v2sf) =	vpush v0, $0xC;
	s0 =	sor.u32 s31, s30;
	s30 =	sand.u32 $0xFFFFFFE0, s26;
	s31 =	sshll.u32 s28, $0x2;
	v2 =	vld [tilespmem:s4+$0x6910]  }
0xbd: {  	s25 =	sshra.s32 s9, $0x2;
	s9 =	sor.u32 s31, s30;
	s5 =	spop (v2sf)  }
0xbe: {  	s28 =	sshra.s32 s9, $0x2;
	s7 =	sand.u32 $0x7, s5;
	s26 =	sshll.u32 s5, $0x2  }
0xbf: {  	(v2sf) =	vpush v0, $0xD;
	s29 =	spop (v2sf);
	s9 =	sshll.u32 s7, $0x2;
	s26 =	sand.u32 $0xFFFFFFE0, s26  }
0xc0: {  	s31 =	sshll.u32 s29, $0x2;
	s26 =	sor.u32 s9, s26;
	[tilespmem:s20+$0xFFFFFF40] =	vst v1  }
0xc1: {  	(v2sf) =	vpush v0, $0xE;
	s4 =	sshra.s32 s26, $0x2;
	s26 =	sand.u32 $0xFFFFFFE0, s31;
	s31 =	sadd.s32 s24, s1;
	[tilespmem:s20+$0xFFFFFF50] =	vst v2  }
0xc2: {  	s5 =	spop (v2sf);
	(v2sf) =	vpush v0, $0xF;
	v0 =	vld [tilespmem:s31+$0x6980]  }
0xc3: {  	s0 =	sshra.s32 s0, $0x2;
	v1 =	vld [tilespmem:s31+$0x6990]  }
0xc4: {  	s0 =	sadd.s32 s24, s0;
	s30 =	sand.u32 $0x7, s29  }
0xc5: {  	s9 =	sshll.u32 s30, $0x2;
	s7 =	sand.u32 $0x7, s5;
	s30 =	spop (v2sf)  }
0xc6: {  	s9 =	sor.u32 s9, s26;
	s26 =	sshll.u32 s5, $0x2;
	s5 =	sshll.u32 s30, $0x2  }
0xc7: {  	s29 =	sshra.s32 s9, $0x2;
	s26 =	sand.u32 $0xFFFFFFE0, s26;
	s9 =	sshll.u32 s7, $0x2;
	[tilespmem:s20+$0xFFFFFF60] =	vst v0  }
0xc8: {  	s7 =	spop (v2sf);
	s9 =	sor.u32 s9, s26;
	s26 =	sand.u32 $0x7, s30;
	[tilespmem:s20+$0xFFFFFF70] =	vst v1  }
0xc9: {  	s30 =	sshll.u32 s7, $0x2;
	s1 =	sshra.s32 s9, $0x2;
	s9 =	sshll.u32 s26, $0x2;
	v0 =	vld [tilespmem:s0+$0x6A00]  }
0xca: {  	s26 =	sand.u32 $0xFFFFFFE0, s5;
	s31 =	sand.u32 $0x7, s7;
	s30 =	sand.u32 $0xFFFFFFE0, s30;
	v1 =	vld [tilespmem:s0+$0x6A10]  }
0xcb: {  	s5 =	spop (v2sf);
	s9 =	sor.u32 s9, s26;
	s26 =	sshll.u32 s31, $0x2  }
0xcc: {  	s7 =	sand.u32 $0x7, s5;
	s31 =	sshll.u32 s5, $0x2;
	s26 =	sor.u32 s26, s30  }
0xcd: {  	s31 =	sand.u32 $0xFFFFFFE0, s31;
	s30 =	sshra.s32 s26, $0x2;
	s26 =	sshll.u32 s7, $0x2  }
0xce: {  	s26 =	sor.u32 s26, s31;
	s5 =	spop (v2sf);
	[tilespmem:s20+$0xFFFFFF80] =	vst v0  }
0xcf: {  	s25 =	sadd.s32 s24, s25;
	s31 =	sshra.s32 s26, $0x2;
	s26 =	sand.u32 $0x7, s5;
	[tilespmem:s20+$0xFFFFFF90] =	vst v1  }
0xd0: {  	s5 =	sshll.u32 s5, $0x2;
	s0 =	sshll.u32 s26, $0x2;
	s26 =	spop (v2sf);
	v0 =	vld [tilespmem:s25+$0x6A80]  }
0xd1: {  	s5 =	sand.u32 $0xFFFFFFE0, s5;
	s7 =	sand.u32 $0x7, s26;
	s26 =	sshll.u32 s26, $0x2;
	v1 =	vld [tilespmem:s25+$0x6A90]  }
0xd2: {  	s0 =	sor.u32 s0, s5;
	s26 =	sand.u32 $0xFFFFFFE0, s26;
	s5 =	sshll.u32 s7, $0x2  }
0xd3: {  	s7 =	spop (v2sf);
	s5 =	sor.u32 s5, s26  }
0xd4: {  	s26 =	sshra.s32 s5, $0x2;
	s5 =	sand.u32 $0x7, s7;
	s7 =	sshll.u32 s7, $0x2  }
0xd5: {  	s7 =	sand.u32 $0xFFFFFFE0, s7;
	s5 =	sshll.u32 s5, $0x2;
	[tilespmem:s20+$0xFFFFFFA0] =	vst v0  }
0xd6: {  	s5 =	sor.u32 s5, s7;
	s7 =	sadd.s32 s24, s28;
	[tilespmem:s20+$0xFFFFFFB0] =	vst v1  }
0xd7: {  	v0 =	vld [tilespmem:s7+$0x6B00]  }
0xd8: {  	v1 =	vld [tilespmem:s7+$0x6B10];
	_ =	sdelay $0x3  }
0xd9: {  	[tilespmem:s20+$0xFFFFFFC0] =	vst v0  }
0xda: {  	s4 =	sadd.s32 s24, s4;
	[tilespmem:s20+$0xFFFFFFD0] =	vst v1  }
0xdb: {  	v0 =	vld [tilespmem:s4+$0x6B80]  }
0xdc: {  	v1 =	vld [tilespmem:s4+$0x6B90];
	_ =	sdelay $0x3  }
0xdd: {  	[tilespmem:s20+$0xFFFFFFE0] =	vst v0  }
0xde: {  	s28 =	sadd.s32 s24, s29;
	[tilespmem:s20+$0xFFFFFFF0] =	vst v1  }
0xdf: {  	v0 =	vld [tilespmem:s28+$0x6C00]  }
0xe0: {  	v1 =	vld [tilespmem:s28+$0x6C10];
	_ =	sdelay $0x3  }
0xe1: {  	[tilespmem:s20+$0x0] =	vst v0  }
0xe2: {  	s1 =	sadd.s32 s24, s1;
	[tilespmem:s20+$0x10] =	vst v1  }
0xe3: {  	v0 =	vld [tilespmem:s1+$0x6C80]  }
0xe4: {  	v1 =	vld [tilespmem:s1+$0x6C90];
	_ =	sdelay $0x3  }
0xe5: {  	s9 =	sshra.s32 s9, $0x2;
	[tilespmem:s20+$0x20] =	vst v0  }
0xe6: {  	s29 =	sadd.s32 s24, s9;
	[tilespmem:s20+$0x30] =	vst v1  }
0xe7: {  	v0 =	vld [tilespmem:s29+$0x6D00]  }
0xe8: {  	v1 =	vld [tilespmem:s29+$0x6D10];
	_ =	sdelay $0x3  }
0xe9: {  	[tilespmem:s20+$0x40] =	vst v0  }
0xea: {  	s30 =	sadd.s32 s24, s30;
	[tilespmem:s20+$0x50] =	vst v1  }
0xeb: {  	v0 =	vld [tilespmem:s30+$0x6D80]  }
0xec: {  	v1 =	vld [tilespmem:s30+$0x6D90];
	_ =	sdelay $0x3  }
0xed: {  	[tilespmem:s20+$0x60] =	vst v0  }
0xee: {  	s31 =	sadd.s32 s24, s31;
	[tilespmem:s20+$0x70] =	vst v1  }
0xef: {  	v0 =	vld [tilespmem:s31+$0x6E00]  }
0xf0: {  	v1 =	vld [tilespmem:s31+$0x6E10];
	_ =	sdelay $0x1  }
0xf1: {  	p0 =	sne.s32 s21, $0x3E000  }
.Ltmp0:
0xf2: {  	_ = 	snop;
	(pc) =	sbr.rel @p0 .LBB2_3-.Ltmp0, $4  }
0xf3: {  	s0 =	sshra.s32 s0, $0x2;
	[tilespmem:s20+$0x80] =	vst v0  }
0xf4: {  	s0 =	sadd.s32 s24, s0;
	[tilespmem:s20+$0x90] =	vst v1  }
0xf5: {  	v1 =	vld [tilespmem:s0+$0x6E80]  }
0xf6: {  	s21 =	sadd.s32 $0x2000, s21;
	s22 =	smov.u32 s20;
	s25 =	sshra.s32 s5, $0x2;
	v0 =	vld [tilespmem:s0+$0x6E90]  }
0xf7: {  	_ =	sdelay $0x2  }
0xf8: {  	[tilespmem:s22+$0xA0] =	vst v1  }
0xf9: {  	s0 =	sadd.s32 s24, s26;
	[tilespmem:s22+$0xB0] =	vst v0  }
0xfa: {  	v0 =	vld [tilespmem:s0+$0x6F00]  }
0xfb: {  	v1 =	vld [tilespmem:s0+$0x6F10];
	_ =	sdelay $0x3  }
0xfc: {  	[tilespmem:s22+$0xC0] =	vst v0  }
0xfd: {  	s30 =	sadd.s32 s24, s25;
	[tilespmem:s22+$0xD0] =	vst v1  }
0xfe: {  	v0 =	vld [tilespmem:s30+$0x6F80]  }
0xff: {  	v1 =	vld [tilespmem:s30+$0x6F90];
	_ =	sdelay $0x2  }
0x100: {  	s31 =	sshll.u32 s18, $0x10;
	s18 =	sadd.s32 $0x1, s18  }
0x101: {  	p0 =	sne.s32 s18, $0x1A;
	[tilespmem:s22+$0xE0] =	vst v0  }
.Ltmp1:
0x102: {  	s0 =	sadd.s32 s31, s6;
	[tilespmem:s22+$0xF0] =	vst v1;
	(pc) =	sbr.rel @p0 .LBB2_2-.Ltmp1, $4  }
0x103: {  	[hbm4b:s0+s2] =	stream.linear.scatter [tilespmem:s16], [sflag:$0x2], $0x4000, $0x38;
	[tilespmem:$0x1A800] =	vst v63  }
0x104: {  	_ =	swait.ge [sflag:s8], $0x4000  }
0x105: {  	[sflag:s8] =	ssyncset.done $0x0  }
0x106: {  	[sflag:s8] =	ssyncadd.s32 $0xFFFFC000  }
0x107: {  	s17 =	sadd.s32 $0x1, s17;
	s0 =	rddreg [dreg:$0x5]  }
0x108: {  	p0 =	sne.s32 s17, s0  }
.Ltmp2:
0x109: {  	_ = 	snop;
	(pc) =	sbr.rel @p0 .LBB2_1-.Ltmp2, $1  }
0x10a: {  	_ =	sdelay $0x3  }
0x10b: {  	_ =	sfence.sel $0x180000  }
0x10c: {  	[bflag:$0x0] =	sbarrier.arrive $0xFFFF  }
0x10d: {  	_ =	strace $0x90000047  }
0x10e: {  	s0 =	stileid.u32;
	[bflag:$0x2] =	sbarrier.arrive $0xFFFF  }
0x10f: {  	p0 =	sne.s32 s0, $0x0;
	s0 =	rddreg [dreg:$0x1]  }
0x110: {  	s0 =	sadd.s32 @!p0 $0x100000, s0  }
0x111: {  	[sflag:s0] =	ssyncadd.tile.s32 @!p0 $0x1;
	_ =	shalt  }
.Lfunc_end2:
_tile_overlayer_lowered:
.L_overlay_start_2:
0x112: {  	(tag) =	ssettag $0x2  }
0x113: {  	s0 =	rddreg [dreg:$0x0];
	s2 =	stileid.u32  }
0x114: {  	s1 =	rddreg [dreg:$0x1];
	p0 =	sne.s32 s2, $0x0  }
0x115: {  	s3 =	rddreg [dreg:$0x2];
	[bflag:$0x3] =	sbarrier.arrive $0xFFFF;
	s2 =	simm.s32 @!p0 $0x1C02  }
0x116: {  	[timem:s3], [sflag:s2] =	dma.local @!p0 [hbm:s0], s1  }
0x117: {  	s0 =	simm.s32 @!p0 $0x2  }
0x118: {  	_ =	swait.ge @!p0 [sflag:s0], s1  }
0x119: {  	s1 =	ssub.s32 @!p0 $0x0, s1;
	[sflag:s0] =	ssyncset.done @!p0 $0x0  }
0x11a: {  	[sflag:s0] =	ssyncadd.s32 @!p0 s1  }
0x11b: {  	[bflag:$0x3] =	sbarrier.arrive $0xFFFF  }
0x11c: {  	_ =	shalt  }

</sc_bundles>
